<compile_context>
chip_gen: v7x
topology: tpu7x:2x2x1
jax: 0.10.2.dev20260603
libtpu: 0.0.44.dev20260713+nightly
codegen_flags: <defaults>
</compile_context>

<pallas_src>
import functools

import jax
import jax.numpy as jnp
from jax import lax
from jax.experimental import pallas as pl
from jax.experimental.pallas import tpu as pltpu
from jax.experimental.pallas import tpu_sc as plsc

N_NODES = 10000
D = 128
N_EDGES = 320000

NUM_TILES = 32
CHUNK = 128
CHUNKS_PER_TILE = 80
GROUP = 40
NBUF = 4
E_PAD = NUM_TILES * CHUNKS_PER_TILE * CHUNK
N_AGG = 10112
SLAB_A = N_AGG // 16

_MESH = plsc.VectorSubcoreMesh(core_axis_name="c", subcore_axis_name="s")


def _sc_aggregate(y_bf, srcs, dsts, zrows_bf):
    scratch = [
        pltpu.VMEM((GROUP, CHUNK), jnp.int32),
        pltpu.VMEM((GROUP, CHUNK), jnp.int32),
        pltpu.VMEM((NBUF * CHUNK, D), jnp.bfloat16),
        pltpu.VMEM_SHARED((N_AGG, D), jnp.bfloat16),
        pltpu.VMEM_SHARED((N_AGG, D), jnp.bfloat16),
    ] + [pltpu.SemaphoreType.DMA] * NBUF

    @functools.partial(
        pl.kernel, mesh=_MESH,
        out_type=[jax.ShapeDtypeStruct((2, N_AGG, D), jnp.bfloat16)],
        compiler_params=pltpu.CompilerParams(use_tc_tiling_on_sc=False),
        scratch_types=scratch)
    def run(y_hbm, srcs_hbm, dsts_hbm, zrows_hbm, agg_hbm,
            src_v, dst_v, rows, y_sh, acc_sh, *sems):
        cid = lax.axis_index("c")
        sid = lax.axis_index("s")
        wid = cid * 16 + sid

        pltpu.sync_copy(y_hbm.at[pl.ds(sid * SLAB_A, SLAB_A)],
                        y_sh.at[pl.ds(sid * SLAB_A, SLAB_A)])
        pltpu.sync_copy(zrows_hbm, acc_sh.at[pl.ds(sid * SLAB_A, SLAB_A)])
        plsc.subcore_barrier()

        def fire(j, b):
            pltpu.async_copy(y_sh.at[src_v.at[j]],
                             rows.at[pl.ds(b * CHUNK, CHUNK)], sems[b])

        def half(j, b, prefetch):
            pltpu.make_async_copy(y_sh.at[src_v.at[0]],
                                  rows.at[pl.ds(b * CHUNK, CHUNK)],
                                  sems[b]).wait()
            pltpu.sync_copy(rows.at[pl.ds(b * CHUNK, CHUNK)],
                            acc_sh.at[dst_v.at[j]], add=True)
            if prefetch:
                fire(j + NBUF, b)

        def group(g, carry):
            pltpu.sync_copy(srcs_hbm.at[wid, pl.ds(g * GROUP, GROUP)], src_v)
            pltpu.sync_copy(dsts_hbm.at[wid, pl.ds(g * GROUP, GROUP)], dst_v)
            for b in range(NBUF):
                fire(b, b)

            def quad(q, c):
                for b in range(NBUF):
                    half(NBUF * q + b, b, True)
                return c

            lax.fori_loop(0, GROUP // NBUF - 1, quad, carry)
            for b in range(NBUF):
                half(GROUP - NBUF + b, b, False)
            return carry

        lax.fori_loop(0, CHUNKS_PER_TILE // GROUP, group, 0)
        plsc.subcore_barrier()

        pltpu.sync_copy(acc_sh.at[pl.ds(sid * SLAB_A, SLAB_A)],
                        agg_hbm.at[cid, pl.ds(sid * SLAB_A, SLAB_A)])

    return run(y_bf, srcs, dsts, zrows_bf)[0]


def _cnt_scatter(acc_sh, dst_v, ones_v, j, sem):
    pltpu.async_copy(ones_v, acc_sh.at[dst_v.at[j]], sem, add=True)


def _cnt_wait(acc_sh, dst_v, ones_v, sem):
    pltpu.make_async_copy(ones_v, acc_sh.at[dst_v.at[0]], sem).wait()


def _sc_count(dsts, zrows_bf, ones):
    scratch = [
        pltpu.VMEM((GROUP, CHUNK), jnp.int32),
        pltpu.VMEM((CHUNK, D), jnp.bfloat16),
        pltpu.VMEM_SHARED((N_AGG, D), jnp.bfloat16),
        pltpu.SemaphoreType.DMA,
        pltpu.SemaphoreType.DMA,
    ]

    @functools.partial(
        pl.kernel, mesh=_MESH,
        out_type=[jax.ShapeDtypeStruct((2, N_AGG, D), jnp.bfloat16)],
        compiler_params=pltpu.CompilerParams(use_tc_tiling_on_sc=False),
        scratch_types=scratch)
    def run(dsts_hbm, zrows_hbm, ones_hbm, cnt_hbm, dst_v, ones_v, acc_sh,
            sem0, sem1):
        cid = lax.axis_index("c")
        sid = lax.axis_index("s")
        wid = cid * 16 + sid

        pltpu.sync_copy(zrows_hbm, acc_sh.at[pl.ds(sid * SLAB_A, SLAB_A)])
        plsc.subcore_barrier()
        pltpu.sync_copy(ones_hbm, ones_v)

        def group(g, carry):
            pltpu.sync_copy(dsts_hbm.at[wid, pl.ds(g * GROUP, GROUP)], dst_v)
            _cnt_scatter(acc_sh, dst_v, ones_v, 0, sem0)
            _cnt_scatter(acc_sh, dst_v, ones_v, 1, sem1)

            def pair(p, c):
                _cnt_wait(acc_sh, dst_v, ones_v, sem0)
                _cnt_scatter(acc_sh, dst_v, ones_v, 2 * p + 2, sem0)
                _cnt_wait(acc_sh, dst_v, ones_v, sem1)
                _cnt_scatter(acc_sh, dst_v, ones_v, 2 * p + 3, sem1)
                return c

            lax.fori_loop(0, GROUP // 2 - 1, pair, carry)
            _cnt_wait(acc_sh, dst_v, ones_v, sem0)
            _cnt_wait(acc_sh, dst_v, ones_v, sem1)
            return carry

        lax.fori_loop(0, CHUNKS_PER_TILE // GROUP, group, 0)
        plsc.subcore_barrier()
        pltpu.sync_copy(acc_sh.at[pl.ds(sid * SLAB_A, SLAB_A)],
                        cnt_hbm.at[cid, pl.ds(sid * SLAB_A, SLAB_A)])

    return run(dsts, zrows_bf, ones)[0]


def _dense_body(relu, bf_out, agg_ref, cnt_ref, x_ref, wl_ref, wr_ref,
                b_ref, *o_refs):
    a = (agg_ref[0].astype(jnp.float32)
         + agg_ref[1].astype(jnp.float32))
    c = (cnt_ref[0, :, 0].astype(jnp.float32)
         + cnt_ref[1, :, 0].astype(jnp.float32))
    mean = a / jnp.maximum(c, 1.0)[:, None]
    h = lax.dot_general(mean, wl_ref[...], (((1,), (1,)), ((), ())),
                        preferred_element_type=jnp.float32)
    h = h + b_ref[...] + lax.dot_general(
        x_ref[...], wr_ref[...], (((1,), (1,)), ((), ())),
        preferred_element_type=jnp.float32)
    if relu:
        h = jnp.maximum(h, 0.0)
    o_refs[0][...] = h
    if bf_out:
        o_refs[1][...] = h.astype(jnp.bfloat16)


def _tc_dense(agg, cnt, x, Wl, Wr, b, relu, bf_out):
    R = 1000
    grid = (N_NODES // R,)
    out_shape = [jax.ShapeDtypeStruct((N_NODES, D), jnp.float32)]
    out_specs = [pl.BlockSpec((R, D), lambda i: (i, 0))]
    if bf_out:
        out_shape.append(jax.ShapeDtypeStruct((N_NODES, D), jnp.bfloat16))
        out_specs.append(pl.BlockSpec((R, D), lambda i: (i, 0)))
    return pl.pallas_call(
        functools.partial(_dense_body, relu, bf_out),
        grid=grid,
        in_specs=[
            pl.BlockSpec((2, R, D), lambda i: (0, i, 0)),
            pl.BlockSpec((2, R, D), lambda i: (0, i, 0)),
            pl.BlockSpec((R, D), lambda i: (i, 0)),
            pl.BlockSpec((D, D), lambda i: (0, 0)),
            pl.BlockSpec((D, D), lambda i: (0, 0)),
            pl.BlockSpec((1, D), lambda i: (0, 0)),
        ],
        out_specs=out_specs,
        out_shape=out_shape,
    )(agg, cnt, x, Wl, Wr, b.reshape(1, D))


def kernel(x, edge_index, W1l, b1, W1r, W2l, b2, W2r):
    src = edge_index[0].astype(jnp.int32)
    dst = edge_index[1].astype(jnp.int32)
    pad = E_PAD - N_EDGES
    srcs = jnp.concatenate([src, jnp.zeros((pad,), jnp.int32)]).reshape(
        NUM_TILES, CHUNKS_PER_TILE, CHUNK)
    dsts = jnp.concatenate(
        [dst, jnp.full((pad,), N_NODES, jnp.int32)]).reshape(
        NUM_TILES, CHUNKS_PER_TILE, CHUNK)
    ones = jnp.ones((CHUNK, D), jnp.bfloat16)
    zrows_bf = jnp.zeros((SLAB_A, D), jnp.bfloat16)
    rpad = ((0, N_AGG - N_NODES), (0, 0))

    cnt = _sc_count(dsts, zrows_bf, ones)
    aggx = _sc_aggregate(jnp.pad(x.astype(jnp.bfloat16), rpad),
                         srcs, dsts, zrows_bf)
    h1, h1bf = _tc_dense(aggx, cnt, x, W1l, W1r, b1, relu=True, bf_out=True)
    aggh = _sc_aggregate(jnp.pad(h1bf, rpad), srcs, dsts, zrows_bf)
    (out,) = _tc_dense(aggh, cnt, h1, W2l, W2r, b2, relu=False, bf_out=False)
    return out

# --- scband reference (transcript-rebuilt; emitter-appended) ---
"""Pipeline reference for scband-graph-encoder-43894565765354 (READ-ONLY COPY).

The authoritative reference and input builder live on the scoring server;
editing this copy changes nothing except your own understanding.
"""

import jax, jax.numpy as jnp
import numpy as np

N_NODES = 10000
D_IN = 128
D_HID = 128
D_OUT = 128
N_EDGES = 320000


def _glorot(key, shape):
    fan_in, fan_out = shape[1], shape[0]
    lim = jnp.sqrt(6.0 / (fan_in + fan_out))
    return jax.random.uniform(key, shape, minval=-lim, maxval=lim, dtype=jnp.float32)


def setup_inputs(seed: int = 0) -> dict:
    key = jax.random.key(seed)
    ks = jax.random.split(key, 8)
    x = jax.random.normal(ks[0], (N_NODES, D_IN), dtype=jnp.float32)
    edge_index = jax.random.randint(ks[1], (2, N_EDGES), 0, N_NODES, dtype=jnp.int64)
    # SAGEConv layer 1: lin_l (neighbors, with bias) and lin_r (root, no bias)
    W1l = _glorot(ks[2], (D_HID, D_IN))
    b1 = jnp.zeros((D_HID,), dtype=jnp.float32)
    W1r = _glorot(ks[3], (D_HID, D_IN))
    # SAGEConv layer 2
    W2l = _glorot(ks[4], (D_OUT, D_HID))
    b2 = jnp.zeros((D_OUT,), dtype=jnp.float32)
    W2r = _glorot(ks[5], (D_OUT, D_HID))
    return {"x": x, "edge_index": edge_index, "W1l": W1l, "b1": b1, "W1r": W1r,
            "W2l": W2l, "b2": b2, "W2r": W2r}


def _sage_conv(x, src, dst, Wl, bl, Wr, n_nodes):
    # PyG SAGEConv with mean aggregation:
    # out = lin_l(mean_{j in N(i)} x_j) + lin_r(x_i)
    msg = jnp.take(x, src, axis=0)  # gather source-node features
    agg = jax.ops.segment_sum(msg, dst, num_segments=n_nodes)
    cnt = jax.ops.segment_sum(jnp.ones((src.shape[0],), dtype=x.dtype), dst,
                              num_segments=n_nodes)
    mean = agg / jnp.clip(cnt, 1.0, None)[:, None]
    return mean @ Wl.T + bl + x @ Wr.T


def reference(x, edge_index, W1l, b1, W1r, W2l, b2, W2r):
    src = edge_index[0]
    dst = edge_index[1]
    h = _sage_conv(x, src, dst, W1l, b1, W1r, N_NODES)
    h = jax.nn.relu(h)
    out = _sage_conv(h, src, dst, W2l, b2, W2r, N_NODES)
    return out

if __name__ == "__main__":
    import jax
    _d = setup_inputs()
    print(jax.jit(kernel)(*tuple(_d.values())))

</pallas_src>

<mosaic_0001>
#map = affine_map<(d0, d1) -> (0, 0)>
#map1 = affine_map<(d0, d1) -> (0, 0, 0)>
module attributes {stable_mosaic.version = 14 : i64} {
  func.func @run(%arg0: i32, %arg1: i32, %arg2: memref<10112x128xbf16, #tpu.memory_space<hbm>>, %arg3: memref<32x80x128xi32, #tpu.memory_space<hbm>>, %arg4: memref<32x80x128xi32, #tpu.memory_space<hbm>>, %arg5: memref<632x128xbf16, #tpu.memory_space<hbm>>, %arg6: memref<2x10112x128xbf16, #tpu.memory_space<hbm>>, %arg7: memref<40x128xi32, #tpu.memory_space<vmem>>, %arg8: memref<40x128xi32, #tpu.memory_space<vmem>>, %arg9: memref<512x128xbf16, #tpu.memory_space<vmem>>, %arg10: memref<10112x128xbf16, #tpu.memory_space<vmem_shared>>, %arg11: memref<10112x128xbf16, #tpu.memory_space<vmem_shared>>, %arg12: memref<!tpu.dma_semaphore, #tpu.memory_space<semaphore_mem>>, %arg13: memref<!tpu.dma_semaphore, #tpu.memory_space<semaphore_mem>>, %arg14: memref<!tpu.dma_semaphore, #tpu.memory_space<semaphore_mem>>, %arg15: memref<!tpu.dma_semaphore, #tpu.memory_space<semaphore_mem>>) attributes {dimension_semantics = [#tpu.dimension_semantics<core_parallel>, #tpu.dimension_semantics<subcore_parallel>], iteration_bounds = array<i64: 2, 16>, scalar_prefetch = 0 : i64, scratch_operands = 9 : i64, tpu.core_type = #tpu.core_type<sc_vector_subcore>, window_params = [{transform_indices = #map}, {transform_indices = #map1}, {transform_indices = #map1}, {transform_indices = #map}, {transform_indices = #map1}]} {
    %mul3A = arith.constant 16 : i32
    %mul3A_0 = arith.muli %arg0, %mul3A : i32
    %add3A = arith.addi %mul3A_0, %arg1 : i32
    %mul3A_1 = arith.constant 632 : i32
    %mul3A_2 = arith.muli %arg1, %mul3A_1 : i32
    %mul3A_3 = arith.constant 632 : i32
    %mul3A_4 = arith.muli %arg1, %mul3A_3 : i32
    "tpu.region"() ({
      %run_scoped3A = tpu.sem_alloc : memref<!tpu.dma_semaphore, #tpu.memory_space<semaphore_mem>>
      %dma_start3A = arith.constant 0 : i32
      %dma_start3A_17 = tpu.memref_slice %arg10[%mul3A_4, %dma_start3A] : memref<10112x128xbf16, #tpu.memory_space<vmem_shared>> -> memref<632x128xbf16, #tpu.memory_space<vmem_shared>>
      %dma_start3A_18 = arith.constant 0 : i32
      %dma_start3A_19 = tpu.memref_slice %arg2[%mul3A_2, %dma_start3A_18] : memref<10112x128xbf16, #tpu.memory_space<hbm>> -> memref<632x128xbf16, #tpu.memory_space<hbm>>
      tpu.enqueue_dma source(%dma_start3A_19 : memref<632x128xbf16, #tpu.memory_space<hbm>>) target(%dma_start3A_17 : memref<632x128xbf16, #tpu.memory_space<vmem_shared>>) target_semaphore(%run_scoped3A : memref<!tpu.dma_semaphore, #tpu.memory_space<semaphore_mem>>)
      %dma_wait3A = arith.constant 0 : i32
      %dma_wait3A_20 = tpu.memref_slice %arg10[%mul3A_4, %dma_wait3A] : memref<10112x128xbf16, #tpu.memory_space<vmem_shared>> -> memref<632x128xbf16, #tpu.memory_space<vmem_shared>>
      %dma_wait3A_21 = arith.constant 0 : i32
      %dma_wait3A_22 = tpu.memref_slice %arg2[%mul3A_2, %dma_wait3A_21] : memref<10112x128xbf16, #tpu.memory_space<hbm>> -> memref<632x128xbf16, #tpu.memory_space<hbm>>
      tpu.wait_dma2 semaphore(%run_scoped3A : memref<!tpu.dma_semaphore, #tpu.memory_space<semaphore_mem>>) src(%dma_wait3A_22 : memref<632x128xbf16, #tpu.memory_space<hbm>>) dst(%dma_wait3A_20 : memref<632x128xbf16, #tpu.memory_space<vmem_shared>>)
      tpu.yield
    }) : () -> ()
    %mul3A_5 = arith.constant 632 : i32
    %mul3A_6 = arith.muli %arg1, %mul3A_5 : i32
    "tpu.region"() ({
      %run_scoped3A = tpu.sem_alloc : memref<!tpu.dma_semaphore, #tpu.memory_space<semaphore_mem>>
      %dma_start3A = arith.constant 0 : i32
      %dma_start3A_17 = tpu.memref_slice %arg11[%mul3A_6, %dma_start3A] : memref<10112x128xbf16, #tpu.memory_space<vmem_shared>> -> memref<632x128xbf16, #tpu.memory_space<vmem_shared>>
      tpu.enqueue_dma source(%arg5 : memref<632x128xbf16, #tpu.memory_space<hbm>>) target(%dma_start3A_17 : memref<632x128xbf16, #tpu.memory_space<vmem_shared>>) target_semaphore(%run_scoped3A : memref<!tpu.dma_semaphore, #tpu.memory_space<semaphore_mem>>)
      %dma_wait3A = arith.constant 0 : i32
      %dma_wait3A_18 = tpu.memref_slice %arg11[%mul3A_6, %dma_wait3A] : memref<10112x128xbf16, #tpu.memory_space<vmem_shared>> -> memref<632x128xbf16, #tpu.memory_space<vmem_shared>>
      tpu.wait_dma2 semaphore(%run_scoped3A : memref<!tpu.dma_semaphore, #tpu.memory_space<semaphore_mem>>) src(%arg5 : memref<632x128xbf16, #tpu.memory_space<hbm>>) dst(%dma_wait3A_18 : memref<632x128xbf16, #tpu.memory_space<vmem_shared>>)
      tpu.yield
    }) : () -> ()
    %barrier3A = arith.constant 0 : index
    tpu.barrier barrier_id(%barrier3A)
    %scan3A = arith.constant 0 : i32
    %scan3A_7 = arith.constant 0 : i32
    %scan3A_8 = arith.constant 2 : i32
    %scan3A_9 = arith.addi %scan3A_7, %scan3A_8 : i32
    %scan3A_10 = arith.constant 1 : i32
    scf.for %scan3A_17 = %scan3A_7 to %scan3A_9 step %scan3A_10  : i32 {
      %mul3A_18 = arith.constant 40 : i32
      %mul3A_19 = arith.muli %scan3A_17, %mul3A_18 : i32
      "tpu.region"() ({
        %run_scoped3A_108 = tpu.sem_alloc : memref<!tpu.dma_semaphore, #tpu.memory_space<semaphore_mem>>
        %dma_start3A_109 = arith.constant 0 : i32
        %dma_start3A_110 = tpu.memref_slice %arg3[%add3A, %mul3A_19, %dma_start3A_109] : memref<32x80x128xi32, #tpu.memory_space<hbm>> -> memref<1x40x128xi32, #tpu.memory_space<hbm>>
        %dma_start3A_111 = tpu.memref_squeeze %dma_start3A_110 : memref<1x40x128xi32, #tpu.memory_space<hbm>> -> memref<40x128xi32, #tpu.memory_space<hbm>>
        %dma_start3A_112 = arith.constant 0 : i32
        %dma_start3A_113 = tpu.memref_slice %arg3[%add3A, %mul3A_19, %dma_start3A_112] : memref<32x80x128xi32, #tpu.memory_space<hbm>> -> memref<1x40x128xi32, #tpu.memory_space<hbm>>
        %dma_start3A_114 = tpu.memref_squeeze %dma_start3A_113 : memref<1x40x128xi32, #tpu.memory_space<hbm>> -> memref<40x128xi32, #tpu.memory_space<hbm>>
        tpu.enqueue_dma source(%dma_start3A_114 : memref<40x128xi32, #tpu.memory_space<hbm>>) target(%arg7 : memref<40x128xi32, #tpu.memory_space<vmem>>) target_semaphore(%run_scoped3A_108 : memref<!tpu.dma_semaphore, #tpu.memory_space<semaphore_mem>>)
        %dma_wait3A_115 = arith.constant 0 : i32
        %dma_wait3A_116 = tpu.memref_slice %arg3[%add3A, %mul3A_19, %dma_wait3A_115] : memref<32x80x128xi32, #tpu.memory_space<hbm>> -> memref<1x40x128xi32, #tpu.memory_space<hbm>>
        %dma_wait3A_117 = tpu.memref_squeeze %dma_wait3A_116 : memref<1x40x128xi32, #tpu.memory_space<hbm>> -> memref<40x128xi32, #tpu.memory_space<hbm>>
        %dma_wait3A_118 = arith.constant 0 : i32
        %dma_wait3A_119 = tpu.memref_slice %arg3[%add3A, %mul3A_19, %dma_wait3A_118] : memref<32x80x128xi32, #tpu.memory_space<hbm>> -> memref<1x40x128xi32, #tpu.memory_space<hbm>>
        %dma_wait3A_120 = tpu.memref_squeeze %dma_wait3A_119 : memref<1x40x128xi32, #tpu.memory_space<hbm>> -> memref<40x128xi32, #tpu.memory_space<hbm>>
        tpu.wait_dma2 semaphore(%run_scoped3A_108 : memref<!tpu.dma_semaphore, #tpu.memory_space<semaphore_mem>>) src(%dma_wait3A_120 : memref<40x128xi32, #tpu.memory_space<hbm>>) dst(%arg7 : memref<40x128xi32, #tpu.memory_space<vmem>>)
        tpu.yield
      }) : () -> ()
      %mul3A_20 = arith.constant 40 : i32
      %mul3A_21 = arith.muli %scan3A_17, %mul3A_20 : i32
      "tpu.region"() ({
        %run_scoped3A_108 = tpu.sem_alloc : memref<!tpu.dma_semaphore, #tpu.memory_space<semaphore_mem>>
        %dma_start3A_109 = arith.constant 0 : i32
        %dma_start3A_110 = tpu.memref_slice %arg4[%add3A, %mul3A_21, %dma_start3A_109] : memref<32x80x128xi32, #tpu.memory_space<hbm>> -> memref<1x40x128xi32, #tpu.memory_space<hbm>>
        %dma_start3A_111 = tpu.memref_squeeze %dma_start3A_110 : memref<1x40x128xi32, #tpu.memory_space<hbm>> -> memref<40x128xi32, #tpu.memory_space<hbm>>
        %dma_start3A_112 = arith.constant 0 : i32
        %dma_start3A_113 = tpu.memref_slice %arg4[%add3A, %mul3A_21, %dma_start3A_112] : memref<32x80x128xi32, #tpu.memory_space<hbm>> -> memref<1x40x128xi32, #tpu.memory_space<hbm>>
        %dma_start3A_114 = tpu.memref_squeeze %dma_start3A_113 : memref<1x40x128xi32, #tpu.memory_space<hbm>> -> memref<40x128xi32, #tpu.memory_space<hbm>>
        tpu.enqueue_dma source(%dma_start3A_114 : memref<40x128xi32, #tpu.memory_space<hbm>>) target(%arg8 : memref<40x128xi32, #tpu.memory_space<vmem>>) target_semaphore(%run_scoped3A_108 : memref<!tpu.dma_semaphore, #tpu.memory_space<semaphore_mem>>)
        %dma_wait3A_115 = arith.constant 0 : i32
        %dma_wait3A_116 = tpu.memref_slice %arg4[%add3A, %mul3A_21, %dma_wait3A_115] : memref<32x80x128xi32, #tpu.memory_space<hbm>> -> memref<1x40x128xi32, #tpu.memory_space<hbm>>
        %dma_wait3A_117 = tpu.memref_squeeze %dma_wait3A_116 : memref<1x40x128xi32, #tpu.memory_space<hbm>> -> memref<40x128xi32, #tpu.memory_space<hbm>>
        %dma_wait3A_118 = arith.constant 0 : i32
        %dma_wait3A_119 = tpu.memref_slice %arg4[%add3A, %mul3A_21, %dma_wait3A_118] : memref<32x80x128xi32, #tpu.memory_space<hbm>> -> memref<1x40x128xi32, #tpu.memory_space<hbm>>
        %dma_wait3A_120 = tpu.memref_squeeze %dma_wait3A_119 : memref<1x40x128xi32, #tpu.memory_space<hbm>> -> memref<40x128xi32, #tpu.memory_space<hbm>>
        tpu.wait_dma2 semaphore(%run_scoped3A_108 : memref<!tpu.dma_semaphore, #tpu.memory_space<semaphore_mem>>) src(%dma_wait3A_120 : memref<40x128xi32, #tpu.memory_space<hbm>>) dst(%arg8 : memref<40x128xi32, #tpu.memory_space<vmem>>)
        tpu.yield
      }) : () -> ()
      %dma_start3A = arith.constant 0 : i32
      %dma_start3A_22 = arith.constant 0 : i32
      %dma_start3A_23 = arith.constant 0 : i32
      %dma_start3A_24 = tpu.memref_slice %arg9[%dma_start3A_22, %dma_start3A_23] : memref<512x128xbf16, #tpu.memory_space<vmem>> -> memref<128x128xbf16, #tpu.memory_space<vmem>>
      %dma_start3A_25 = arith.constant 0 : i32
      %dma_start3A_26 = tpu.memref_slice %arg7[%dma_start3A, %dma_start3A_25] : memref<40x128xi32, #tpu.memory_space<vmem>> -> memref<1x128xi32, #tpu.memory_space<vmem>>
      %dma_start3A_27 = tpu.memref_squeeze %dma_start3A_26 : memref<1x128xi32, #tpu.memory_space<vmem>> -> memref<128xi32, #tpu.memory_space<vmem>>
      %dma_start3A_28 = arith.constant 0 : i32
      %dma_start3A_29 = arith.constant 0 : i32
      %dma_start3A_30 = tpu.memref_slice %arg10[%dma_start3A_28, %dma_start3A_29] : memref<10112x128xbf16, #tpu.memory_space<vmem_shared>> -> memref<10112x128xbf16, #tpu.memory_space<vmem_shared>>
      tpu.enqueue_indirect_dma source(%dma_start3A_30 : memref<10112x128xbf16, #tpu.memory_space<vmem_shared>>) target(%dma_start3A_24 : memref<128x128xbf16, #tpu.memory_space<vmem>>) offsets(%dma_start3A_27 : memref<128xi32, #tpu.memory_space<vmem>>) semaphore(%arg12 : memref<!tpu.dma_semaphore, #tpu.memory_space<semaphore_mem>>)
      %dma_start3A_31 = arith.constant 1 : i32
      %dma_start3A_32 = arith.constant 128 : i32
      %dma_start3A_33 = arith.constant 0 : i32
      %dma_start3A_34 = tpu.memref_slice %arg9[%dma_start3A_32, %dma_start3A_33] : memref<512x128xbf16, #tpu.memory_space<vmem>> -> memref<128x128xbf16, #tpu.memory_space<vmem>>
      %dma_start3A_35 = arith.constant 0 : i32
      %dma_start3A_36 = tpu.memref_slice %arg7[%dma_start3A_31, %dma_start3A_35] : memref<40x128xi32, #tpu.memory_space<vmem>> -> memref<1x128xi32, #tpu.memory_space<vmem>>
      %dma_start3A_37 = tpu.memref_squeeze %dma_start3A_36 : memref<1x128xi32, #tpu.memory_space<vmem>> -> memref<128xi32, #tpu.memory_space<vmem>>
      %dma_start3A_38 = arith.constant 0 : i32
      %dma_start3A_39 = arith.constant 0 : i32
      %dma_start3A_40 = tpu.memref_slice %arg10[%dma_start3A_38, %dma_start3A_39] : memref<10112x128xbf16, #tpu.memory_space<vmem_shared>> -> memref<10112x128xbf16, #tpu.memory_space<vmem_shared>>
      tpu.enqueue_indirect_dma source(%dma_start3A_40 : memref<10112x128xbf16, #tpu.memory_space<vmem_shared>>) target(%dma_start3A_34 : memref<128x128xbf16, #tpu.memory_space<vmem>>) offsets(%dma_start3A_37 : memref<128xi32, #tpu.memory_space<vmem>>) semaphore(%arg13 : memref<!tpu.dma_semaphore, #tpu.memory_space<semaphore_mem>>)
      %dma_start3A_41 = arith.constant 2 : i32
      %dma_start3A_42 = arith.constant 256 : i32
      %dma_start3A_43 = arith.constant 0 : i32
      %dma_start3A_44 = tpu.memref_slice %arg9[%dma_start3A_42, %dma_start3A_43] : memref<512x128xbf16, #tpu.memory_space<vmem>> -> memref<128x128xbf16, #tpu.memory_space<vmem>>
      %dma_start3A_45 = arith.constant 0 : i32
      %dma_start3A_46 = tpu.memref_slice %arg7[%dma_start3A_41, %dma_start3A_45] : memref<40x128xi32, #tpu.memory_space<vmem>> -> memref<1x128xi32, #tpu.memory_space<vmem>>
      %dma_start3A_47 = tpu.memref_squeeze %dma_start3A_46 : memref<1x128xi32, #tpu.memory_space<vmem>> -> memref<128xi32, #tpu.memory_space<vmem>>
      %dma_start3A_48 = arith.constant 0 : i32
      %dma_start3A_49 = arith.constant 0 : i32
      %dma_start3A_50 = tpu.memref_slice %arg10[%dma_start3A_48, %dma_start3A_49] : memref<10112x128xbf16, #tpu.memory_space<vmem_shared>> -> memref<10112x128xbf16, #tpu.memory_space<vmem_shared>>
      tpu.enqueue_indirect_dma source(%dma_start3A_50 : memref<10112x128xbf16, #tpu.memory_space<vmem_shared>>) target(%dma_start3A_44 : memref<128x128xbf16, #tpu.memory_space<vmem>>) offsets(%dma_start3A_47 : memref<128xi32, #tpu.memory_space<vmem>>) semaphore(%arg14 : memref<!tpu.dma_semaphore, #tpu.memory_space<semaphore_mem>>)
      %dma_start3A_51 = arith.constant 3 : i32
      %dma_start3A_52 = arith.constant 384 : i32
      %dma_start3A_53 = arith.constant 0 : i32
      %dma_start3A_54 = tpu.memref_slice %arg9[%dma_start3A_52, %dma_start3A_53] : memref<512x128xbf16, #tpu.memory_space<vmem>> -> memref<128x128xbf16, #tpu.memory_space<vmem>>
      %dma_start3A_55 = arith.constant 0 : i32
      %dma_start3A_56 = tpu.memref_slice %arg7[%dma_start3A_51, %dma_start3A_55] : memref<40x128xi32, #tpu.memory_space<vmem>> -> memref<1x128xi32, #tpu.memory_space<vmem>>
      %dma_start3A_57 = tpu.memref_squeeze %dma_start3A_56 : memref<1x128xi32, #tpu.memory_space<vmem>> -> memref<128xi32, #tpu.memory_space<vmem>>
      %dma_start3A_58 = arith.constant 0 : i32
      %dma_start3A_59 = arith.constant 0 : i32
      %dma_start3A_60 = tpu.memref_slice %arg10[%dma_start3A_58, %dma_start3A_59] : memref<10112x128xbf16, #tpu.memory_space<vmem_shared>> -> memref<10112x128xbf16, #tpu.memory_space<vmem_shared>>
      tpu.enqueue_indirect_dma source(%dma_start3A_60 : memref<10112x128xbf16, #tpu.memory_space<vmem_shared>>) target(%dma_start3A_54 : memref<128x128xbf16, #tpu.memory_space<vmem>>) offsets(%dma_start3A_57 : memref<128xi32, #tpu.memory_space<vmem>>) semaphore(%arg15 : memref<!tpu.dma_semaphore, #tpu.memory_space<semaphore_mem>>)
      %scan3A_61 = arith.constant 0 : i32
      %scan3A_62 = arith.constant 9 : i32
      %scan3A_63 = arith.addi %scan3A_61, %scan3A_62 : i32
      %scan3A_64 = arith.constant 1 : i32
      scf.for %scan3A_108 = %scan3A_61 to %scan3A_63 step %scan3A_64  : i32 {
        %mul3A_109 = arith.constant 4 : i32
        %mul3A_110 = arith.muli %mul3A_109, %scan3A_108 : i32
        %add3A_111 = arith.constant 0 : i32
        %add3A_112 = arith.addi %mul3A_110, %add3A_111 : i32
        %dma_wait3A_113 = arith.constant 0 : i32
        %dma_wait3A_114 = arith.constant 0 : i32
        %dma_wait3A_115 = arith.constant 0 : i32
        %dma_wait3A_116 = tpu.memref_slice %arg9[%dma_wait3A_114, %dma_wait3A_115] : memref<512x128xbf16, #tpu.memory_space<vmem>> -> memref<128x128xbf16, #tpu.memory_space<vmem>>
        %dma_wait3A_117 = arith.constant 0 : i32
        %dma_wait3A_118 = tpu.memref_slice %arg7[%dma_wait3A_113, %dma_wait3A_117] : memref<40x128xi32, #tpu.memory_space<vmem>> -> memref<1x128xi32, #tpu.memory_space<vmem>>
        %dma_wait3A_119 = tpu.memref_squeeze %dma_wait3A_118 : memref<1x128xi32, #tpu.memory_space<vmem>> -> memref<128xi32, #tpu.memory_space<vmem>>
        %dma_wait3A_120 = arith.constant 0 : i32
        %dma_wait3A_121 = arith.constant 0 : i32
        %dma_wait3A_122 = tpu.memref_slice %arg10[%dma_wait3A_120, %dma_wait3A_121] : memref<10112x128xbf16, #tpu.memory_space<vmem_shared>> -> memref<10112x128xbf16, #tpu.memory_space<vmem_shared>>
        tpu.wait_indirect_dma semaphore(%arg12 : memref<!tpu.dma_semaphore, #tpu.memory_space<semaphore_mem>>) src(%dma_wait3A_122 : memref<10112x128xbf16, #tpu.memory_space<vmem_shared>>) dst(%dma_wait3A_116 : memref<128x128xbf16, #tpu.memory_space<vmem>>)
        "tpu.region"() ({
          %run_scoped3A_209 = tpu.sem_alloc : memref<!tpu.dma_semaphore, #tpu.memory_space<semaphore_mem>>
          %dma_start3A_210 = arith.constant 0 : i32
          %dma_start3A_211 = arith.constant 0 : i32
          %dma_start3A_212 = tpu.memref_slice %arg9[%dma_start3A_210, %dma_start3A_211] : memref<512x128xbf16, #tpu.memory_space<vmem>> -> memref<128x128xbf16, #tpu.memory_space<vmem>>
          %dma_start3A_213 = arith.constant 0 : i32
          %dma_start3A_214 = tpu.memref_slice %arg8[%add3A_112, %dma_start3A_213] : memref<40x128xi32, #tpu.memory_space<vmem>> -> memref<1x128xi32, #tpu.memory_space<vmem>>
          %dma_start3A_215 = tpu.memref_squeeze %dma_start3A_214 : memref<1x128xi32, #tpu.memory_space<vmem>> -> memref<128xi32, #tpu.memory_space<vmem>>
          %dma_start3A_216 = arith.constant 0 : i32
          %dma_start3A_217 = arith.constant 0 : i32
          %dma_start3A_218 = tpu.memref_slice %arg11[%dma_start3A_216, %dma_start3A_217] : memref<10112x128xbf16, #tpu.memory_space<vmem_shared>> -> memref<10112x128xbf16, #tpu.memory_space<vmem_shared>>
          tpu.enqueue_indirect_dma source(%dma_start3A_212 : memref<128x128xbf16, #tpu.memory_space<vmem>>) target(%dma_start3A_218 : memref<10112x128xbf16, #tpu.memory_space<vmem_shared>>) offsets(%dma_start3A_215 : memref<128xi32, #tpu.memory_space<vmem>>) semaphore(%run_scoped3A_209 : memref<!tpu.dma_semaphore, #tpu.memory_space<semaphore_mem>>) {add = true}
          %dma_wait3A_219 = arith.constant 0 : i32
          %dma_wait3A_220 = arith.constant 0 : i32
          %dma_wait3A_221 = tpu.memref_slice %arg9[%dma_wait3A_219, %dma_wait3A_220] : memref<512x128xbf16, #tpu.memory_space<vmem>> -> memref<128x128xbf16, #tpu.memory_space<vmem>>
          %dma_wait3A_222 = arith.constant 0 : i32
          %dma_wait3A_223 = tpu.memref_slice %arg8[%add3A_112, %dma_wait3A_222] : memref<40x128xi32, #tpu.memory_space<vmem>> -> memref<1x128xi32, #tpu.memory_space<vmem>>
          %dma_wait3A_224 = tpu.memref_squeeze %dma_wait3A_223 : memref<1x128xi32, #tpu.memory_space<vmem>> -> memref<128xi32, #tpu.memory_space<vmem>>
          %dma_wait3A_225 = arith.constant 0 : i32
          %dma_wait3A_226 = arith.constant 0 : i32
          %dma_wait3A_227 = tpu.memref_slice %arg11[%dma_wait3A_225, %dma_wait3A_226] : memref<10112x128xbf16, #tpu.memory_space<vmem_shared>> -> memref<10112x128xbf16, #tpu.memory_space<vmem_shared>>
          tpu.wait_indirect_dma semaphore(%run_scoped3A_209 : memref<!tpu.dma_semaphore, #tpu.memory_space<semaphore_mem>>) src(%dma_wait3A_221 : memref<128x128xbf16, #tpu.memory_space<vmem>>) dst(%dma_wait3A_227 : memref<10112x128xbf16, #tpu.memory_space<vmem_shared>>)
          tpu.yield
        }) : () -> ()
        %add3A_123 = arith.constant 4 : i32
        %add3A_124 = arith.addi %add3A_112, %add3A_123 : i32
        %dma_start3A_125 = arith.constant 0 : i32
        %dma_start3A_126 = arith.constant 0 : i32
        %dma_start3A_127 = tpu.memref_slice %arg9[%dma_start3A_125, %dma_start3A_126] : memref<512x128xbf16, #tpu.memory_space<vmem>> -> memref<128x128xbf16, #tpu.memory_space<vmem>>
        %dma_start3A_128 = arith.constant 0 : i32
        %dma_start3A_129 = tpu.memref_slice %arg7[%add3A_124, %dma_start3A_128] : memref<40x128xi32, #tpu.memory_space<vmem>> -> memref<1x128xi32, #tpu.memory_space<vmem>>
        %dma_start3A_130 = tpu.memref_squeeze %dma_start3A_129 : memref<1x128xi32, #tpu.memory_space<vmem>> -> memref<128xi32, #tpu.memory_space<vmem>>
        %dma_start3A_131 = arith.constant 0 : i32
        %dma_start3A_132 = arith.constant 0 : i32
        %dma_start3A_133 = tpu.memref_slice %arg10[%dma_start3A_131, %dma_start3A_132] : memref<10112x128xbf16, #tpu.memory_space<vmem_shared>> -> memref<10112x128xbf16, #tpu.memory_space<vmem_shared>>
        tpu.enqueue_indirect_dma source(%dma_start3A_133 : memref<10112x128xbf16, #tpu.memory_space<vmem_shared>>) target(%dma_start3A_127 : memref<128x128xbf16, #tpu.memory_space<vmem>>) offsets(%dma_start3A_130 : memref<128xi32, #tpu.memory_space<vmem>>) semaphore(%arg12 : memref<!tpu.dma_semaphore, #tpu.memory_space<semaphore_mem>>)
        %mul3A_134 = arith.constant 4 : i32
        %mul3A_135 = arith.muli %mul3A_134, %scan3A_108 : i32
        %add3A_136 = arith.constant 1 : i32
        %add3A_137 = arith.addi %mul3A_135, %add3A_136 : i32
        %dma_wait3A_138 = arith.constant 0 : i32
        %dma_wait3A_139 = arith.constant 128 : i32
        %dma_wait3A_140 = arith.constant 0 : i32
        %dma_wait3A_141 = tpu.memref_slice %arg9[%dma_wait3A_139, %dma_wait3A_140] : memref<512x128xbf16, #tpu.memory_space<vmem>> -> memref<128x128xbf16, #tpu.memory_space<vmem>>
        %dma_wait3A_142 = arith.constant 0 : i32
        %dma_wait3A_143 = tpu.memref_slice %arg7[%dma_wait3A_138, %dma_wait3A_142] : memref<40x128xi32, #tpu.memory_space<vmem>> -> memref<1x128xi32, #tpu.memory_space<vmem>>
        %dma_wait3A_144 = tpu.memref_squeeze %dma_wait3A_143 : memref<1x128xi32, #tpu.memory_space<vmem>> -> memref<128xi32, #tpu.memory_space<vmem>>
        %dma_wait3A_145 = arith.constant 0 : i32
        %dma_wait3A_146 = arith.constant 0 : i32
        %dma_wait3A_147 = tpu.memref_slice %arg10[%dma_wait3A_145, %dma_wait3A_146] : memref<10112x128xbf16, #tpu.memory_space<vmem_shared>> -> memref<10112x128xbf16, #tpu.memory_space<vmem_shared>>
        tpu.wait_indirect_dma semaphore(%arg13 : memref<!tpu.dma_semaphore, #tpu.memory_space<semaphore_mem>>) src(%dma_wait3A_147 : memref<10112x128xbf16, #tpu.memory_space<vmem_shared>>) dst(%dma_wait3A_141 : memref<128x128xbf16, #tpu.memory_space<vmem>>)
        "tpu.region"() ({
          %run_scoped3A_209 = tpu.sem_alloc : memref<!tpu.dma_semaphore, #tpu.memory_space<semaphore_mem>>
          %dma_start3A_210 = arith.constant 128 : i32
          %dma_start3A_211 = arith.constant 0 : i32
          %dma_start3A_212 = tpu.memref_slice %arg9[%dma_start3A_210, %dma_start3A_211] : memref<512x128xbf16, #tpu.memory_space<vmem>> -> memref<128x128xbf16, #tpu.memory_space<vmem>>
          %dma_start3A_213 = arith.constant 0 : i32
          %dma_start3A_214 = tpu.memref_slice %arg8[%add3A_137, %dma_start3A_213] : memref<40x128xi32, #tpu.memory_space<vmem>> -> memref<1x128xi32, #tpu.memory_space<vmem>>
          %dma_start3A_215 = tpu.memref_squeeze %dma_start3A_214 : memref<1x128xi32, #tpu.memory_space<vmem>> -> memref<128xi32, #tpu.memory_space<vmem>>
          %dma_start3A_216 = arith.constant 0 : i32
          %dma_start3A_217 = arith.constant 0 : i32
          %dma_start3A_218 = tpu.memref_slice %arg11[%dma_start3A_216, %dma_start3A_217] : memref<10112x128xbf16, #tpu.memory_space<vmem_shared>> -> memref<10112x128xbf16, #tpu.memory_space<vmem_shared>>
          tpu.enqueue_indirect_dma source(%dma_start3A_212 : memref<128x128xbf16, #tpu.memory_space<vmem>>) target(%dma_start3A_218 : memref<10112x128xbf16, #tpu.memory_space<vmem_shared>>) offsets(%dma_start3A_215 : memref<128xi32, #tpu.memory_space<vmem>>) semaphore(%run_scoped3A_209 : memref<!tpu.dma_semaphore, #tpu.memory_space<semaphore_mem>>) {add = true}
          %dma_wait3A_219 = arith.constant 128 : i32
          %dma_wait3A_220 = arith.constant 0 : i32
          %dma_wait3A_221 = tpu.memref_slice %arg9[%dma_wait3A_219, %dma_wait3A_220] : memref<512x128xbf16, #tpu.memory_space<vmem>> -> memref<128x128xbf16, #tpu.memory_space<vmem>>
          %dma_wait3A_222 = arith.constant 0 : i32
          %dma_wait3A_223 = tpu.memref_slice %arg8[%add3A_137, %dma_wait3A_222] : memref<40x128xi32, #tpu.memory_space<vmem>> -> memref<1x128xi32, #tpu.memory_space<vmem>>
          %dma_wait3A_224 = tpu.memref_squeeze %dma_wait3A_223 : memref<1x128xi32, #tpu.memory_space<vmem>> -> memref<128xi32, #tpu.memory_space<vmem>>
          %dma_wait3A_225 = arith.constant 0 : i32
          %dma_wait3A_226 = arith.constant 0 : i32
          %dma_wait3A_227 = tpu.memref_slice %arg11[%dma_wait3A_225, %dma_wait3A_226] : memref<10112x128xbf16, #tpu.memory_space<vmem_shared>> -> memref<10112x128xbf16, #tpu.memory_space<vmem_shared>>
          tpu.wait_indirect_dma semaphore(%run_scoped3A_209 : memref<!tpu.dma_semaphore, #tpu.memory_space<semaphore_mem>>) src(%dma_wait3A_221 : memref<128x128xbf16, #tpu.memory_space<vmem>>) dst(%dma_wait3A_227 : memref<10112x128xbf16, #tpu.memory_space<vmem_shared>>)
          tpu.yield
        }) : () -> ()
        %add3A_148 = arith.constant 4 : i32
        %add3A_149 = arith.addi %add3A_137, %add3A_148 : i32
        %dma_start3A_150 = arith.constant 128 : i32
        %dma_start3A_151 = arith.constant 0 : i32
        %dma_start3A_152 = tpu.memref_slice %arg9[%dma_start3A_150, %dma_start3A_151] : memref<512x128xbf16, #tpu.memory_space<vmem>> -> memref<128x128xbf16, #tpu.memory_space<vmem>>
        %dma_start3A_153 = arith.constant 0 : i32
        %dma_start3A_154 = tpu.memref_slice %arg7[%add3A_149, %dma_start3A_153] : memref<40x128xi32, #tpu.memory_space<vmem>> -> memref<1x128xi32, #tpu.memory_space<vmem>>
        %dma_start3A_155 = tpu.memref_squeeze %dma_start3A_154 : memref<1x128xi32, #tpu.memory_space<vmem>> -> memref<128xi32, #tpu.memory_space<vmem>>
        %dma_start3A_156 = arith.constant 0 : i32
        %dma_start3A_157 = arith.constant 0 : i32
        %dma_start3A_158 = tpu.memref_slice %arg10[%dma_start3A_156, %dma_start3A_157] : memref<10112x128xbf16, #tpu.memory_space<vmem_shared>> -> memref<10112x128xbf16, #tpu.memory_space<vmem_shared>>
        tpu.enqueue_indirect_dma source(%dma_start3A_158 : memref<10112x128xbf16, #tpu.memory_space<vmem_shared>>) target(%dma_start3A_152 : memref<128x128xbf16, #tpu.memory_space<vmem>>) offsets(%dma_start3A_155 : memref<128xi32, #tpu.memory_space<vmem>>) semaphore(%arg13 : memref<!tpu.dma_semaphore, #tpu.memory_space<semaphore_mem>>)
        %mul3A_159 = arith.constant 4 : i32
        %mul3A_160 = arith.muli %mul3A_159, %scan3A_108 : i32
        %add3A_161 = arith.constant 2 : i32
        %add3A_162 = arith.addi %mul3A_160, %add3A_161 : i32
        %dma_wait3A_163 = arith.constant 0 : i32
        %dma_wait3A_164 = arith.constant 256 : i32
        %dma_wait3A_165 = arith.constant 0 : i32
        %dma_wait3A_166 = tpu.memref_slice %arg9[%dma_wait3A_164, %dma_wait3A_165] : memref<512x128xbf16, #tpu.memory_space<vmem>> -> memref<128x128xbf16, #tpu.memory_space<vmem>>
        %dma_wait3A_167 = arith.constant 0 : i32
        %dma_wait3A_168 = tpu.memref_slice %arg7[%dma_wait3A_163, %dma_wait3A_167] : memref<40x128xi32, #tpu.memory_space<vmem>> -> memref<1x128xi32, #tpu.memory_space<vmem>>
        %dma_wait3A_169 = tpu.memref_squeeze %dma_wait3A_168 : memref<1x128xi32, #tpu.memory_space<vmem>> -> memref<128xi32, #tpu.memory_space<vmem>>
        %dma_wait3A_170 = arith.constant 0 : i32
        %dma_wait3A_171 = arith.constant 0 : i32
        %dma_wait3A_172 = tpu.memref_slice %arg10[%dma_wait3A_170, %dma_wait3A_171] : memref<10112x128xbf16, #tpu.memory_space<vmem_shared>> -> memref<10112x128xbf16, #tpu.memory_space<vmem_shared>>
        tpu.wait_indirect_dma semaphore(%arg14 : memref<!tpu.dma_semaphore, #tpu.memory_space<semaphore_mem>>) src(%dma_wait3A_172 : memref<10112x128xbf16, #tpu.memory_space<vmem_shared>>) dst(%dma_wait3A_166 : memref<128x128xbf16, #tpu.memory_space<vmem>>)
        "tpu.region"() ({
          %run_scoped3A_209 = tpu.sem_alloc : memref<!tpu.dma_semaphore, #tpu.memory_space<semaphore_mem>>
          %dma_start3A_210 = arith.constant 256 : i32
          %dma_start3A_211 = arith.constant 0 : i32
          %dma_start3A_212 = tpu.memref_slice %arg9[%dma_start3A_210, %dma_start3A_211] : memref<512x128xbf16, #tpu.memory_space<vmem>> -> memref<128x128xbf16, #tpu.memory_space<vmem>>
          %dma_start3A_213 = arith.constant 0 : i32
          %dma_start3A_214 = tpu.memref_slice %arg8[%add3A_162, %dma_start3A_213] : memref<40x128xi32, #tpu.memory_space<vmem>> -> memref<1x128xi32, #tpu.memory_space<vmem>>
          %dma_start3A_215 = tpu.memref_squeeze %dma_start3A_214 : memref<1x128xi32, #tpu.memory_space<vmem>> -> memref<128xi32, #tpu.memory_space<vmem>>
          %dma_start3A_216 = arith.constant 0 : i32
          %dma_start3A_217 = arith.constant 0 : i32
          %dma_start3A_218 = tpu.memref_slice %arg11[%dma_start3A_216, %dma_start3A_217] : memref<10112x128xbf16, #tpu.memory_space<vmem_shared>> -> memref<10112x128xbf16, #tpu.memory_space<vmem_shared>>
          tpu.enqueue_indirect_dma source(%dma_start3A_212 : memref<128x128xbf16, #tpu.memory_space<vmem>>) target(%dma_start3A_218 : memref<10112x128xbf16, #tpu.memory_space<vmem_shared>>) offsets(%dma_start3A_215 : memref<128xi32, #tpu.memory_space<vmem>>) semaphore(%run_scoped3A_209 : memref<!tpu.dma_semaphore, #tpu.memory_space<semaphore_mem>>) {add = true}
          %dma_wait3A_219 = arith.constant 256 : i32
          %dma_wait3A_220 = arith.constant 0 : i32
          %dma_wait3A_221 = tpu.memref_slice %arg9[%dma_wait3A_219, %dma_wait3A_220] : memref<512x128xbf16, #tpu.memory_space<vmem>> -> memref<128x128xbf16, #tpu.memory_space<vmem>>
          %dma_wait3A_222 = arith.constant 0 : i32
          %dma_wait3A_223 = tpu.memref_slice %arg8[%add3A_162, %dma_wait3A_222] : memref<40x128xi32, #tpu.memory_space<vmem>> -> memref<1x128xi32, #tpu.memory_space<vmem>>
          %dma_wait3A_224 = tpu.memref_squeeze %dma_wait3A_223 : memref<1x128xi32, #tpu.memory_space<vmem>> -> memref<128xi32, #tpu.memory_space<vmem>>
          %dma_wait3A_225 = arith.constant 0 : i32
          %dma_wait3A_226 = arith.constant 0 : i32
          %dma_wait3A_227 = tpu.memref_slice %arg11[%dma_wait3A_225, %dma_wait3A_226] : memref<10112x128xbf16, #tpu.memory_space<vmem_shared>> -> memref<10112x128xbf16, #tpu.memory_space<vmem_shared>>
          tpu.wait_indirect_dma semaphore(%run_scoped3A_209 : memref<!tpu.dma_semaphore, #tpu.memory_space<semaphore_mem>>) src(%dma_wait3A_221 : memref<128x128xbf16, #tpu.memory_space<vmem>>) dst(%dma_wait3A_227 : memref<10112x128xbf16, #tpu.memory_space<vmem_shared>>)
          tpu.yield
        }) : () -> ()
        %add3A_173 = arith.constant 4 : i32
        %add3A_174 = arith.addi %add3A_162, %add3A_173 : i32
        %dma_start3A_175 = arith.constant 256 : i32
        %dma_start3A_176 = arith.constant 0 : i32
        %dma_start3A_177 = tpu.memref_slice %arg9[%dma_start3A_175, %dma_start3A_176] : memref<512x128xbf16, #tpu.memory_space<vmem>> -> memref<128x128xbf16, #tpu.memory_space<vmem>>
        %dma_start3A_178 = arith.constant 0 : i32
        %dma_start3A_179 = tpu.memref_slice %arg7[%add3A_174, %dma_start3A_178] : memref<40x128xi32, #tpu.memory_space<vmem>> -> memref<1x128xi32, #tpu.memory_space<vmem>>
        %dma_start3A_180 = tpu.memref_squeeze %dma_start3A_179 : memref<1x128xi32, #tpu.memory_space<vmem>> -> memref<128xi32, #tpu.memory_space<vmem>>
        %dma_start3A_181 = arith.constant 0 : i32
        %dma_start3A_182 = arith.constant 0 : i32
        %dma_start3A_183 = tpu.memref_slice %arg10[%dma_start3A_181, %dma_start3A_182] : memref<10112x128xbf16, #tpu.memory_space<vmem_shared>> -> memref<10112x128xbf16, #tpu.memory_space<vmem_shared>>
        tpu.enqueue_indirect_dma source(%dma_start3A_183 : memref<10112x128xbf16, #tpu.memory_space<vmem_shared>>) target(%dma_start3A_177 : memref<128x128xbf16, #tpu.memory_space<vmem>>) offsets(%dma_start3A_180 : memref<128xi32, #tpu.memory_space<vmem>>) semaphore(%arg14 : memref<!tpu.dma_semaphore, #tpu.memory_space<semaphore_mem>>)
        %mul3A_184 = arith.constant 4 : i32
        %mul3A_185 = arith.muli %mul3A_184, %scan3A_108 : i32
        %add3A_186 = arith.constant 3 : i32
        %add3A_187 = arith.addi %mul3A_185, %add3A_186 : i32
        %dma_wait3A_188 = arith.constant 0 : i32
        %dma_wait3A_189 = arith.constant 384 : i32
        %dma_wait3A_190 = arith.constant 0 : i32
        %dma_wait3A_191 = tpu.memref_slice %arg9[%dma_wait3A_189, %dma_wait3A_190] : memref<512x128xbf16, #tpu.memory_space<vmem>> -> memref<128x128xbf16, #tpu.memory_space<vmem>>
        %dma_wait3A_192 = arith.constant 0 : i32
        %dma_wait3A_193 = tpu.memref_slice %arg7[%dma_wait3A_188, %dma_wait3A_192] : memref<40x128xi32, #tpu.memory_space<vmem>> -> memref<1x128xi32, #tpu.memory_space<vmem>>
        %dma_wait3A_194 = tpu.memref_squeeze %dma_wait3A_193 : memref<1x128xi32, #tpu.memory_space<vmem>> -> memref<128xi32, #tpu.memory_space<vmem>>
        %dma_wait3A_195 = arith.constant 0 : i32
        %dma_wait3A_196 = arith.constant 0 : i32
        %dma_wait3A_197 = tpu.memref_slice %arg10[%dma_wait3A_195, %dma_wait3A_196] : memref<10112x128xbf16, #tpu.memory_space<vmem_shared>> -> memref<10112x128xbf16, #tpu.memory_space<vmem_shared>>
        tpu.wait_indirect_dma semaphore(%arg15 : memref<!tpu.dma_semaphore, #tpu.memory_space<semaphore_mem>>) src(%dma_wait3A_197 : memref<10112x128xbf16, #tpu.memory_space<vmem_shared>>) dst(%dma_wait3A_191 : memref<128x128xbf16, #tpu.memory_space<vmem>>)
        "tpu.region"() ({
          %run_scoped3A_209 = tpu.sem_alloc : memref<!tpu.dma_semaphore, #tpu.memory_space<semaphore_mem>>
          %dma_start3A_210 = arith.constant 384 : i32
          %dma_start3A_211 = arith.constant 0 : i32
          %dma_start3A_212 = tpu.memref_slice %arg9[%dma_start3A_210, %dma_start3A_211] : memref<512x128xbf16, #tpu.memory_space<vmem>> -> memref<128x128xbf16, #tpu.memory_space<vmem>>
          %dma_start3A_213 = arith.constant 0 : i32
          %dma_start3A_214 = tpu.memref_slice %arg8[%add3A_187, %dma_start3A_213] : memref<40x128xi32, #tpu.memory_space<vmem>> -> memref<1x128xi32, #tpu.memory_space<vmem>>
          %dma_start3A_215 = tpu.memref_squeeze %dma_start3A_214 : memref<1x128xi32, #tpu.memory_space<vmem>> -> memref<128xi32, #tpu.memory_space<vmem>>
          %dma_start3A_216 = arith.constant 0 : i32
          %dma_start3A_217 = arith.constant 0 : i32
          %dma_start3A_218 = tpu.memref_slice %arg11[%dma_start3A_216, %dma_start3A_217] : memref<10112x128xbf16, #tpu.memory_space<vmem_shared>> -> memref<10112x128xbf16, #tpu.memory_space<vmem_shared>>
          tpu.enqueue_indirect_dma source(%dma_start3A_212 : memref<128x128xbf16, #tpu.memory_space<vmem>>) target(%dma_start3A_218 : memref<10112x128xbf16, #tpu.memory_space<vmem_shared>>) offsets(%dma_start3A_215 : memref<128xi32, #tpu.memory_space<vmem>>) semaphore(%run_scoped3A_209 : memref<!tpu.dma_semaphore, #tpu.memory_space<semaphore_mem>>) {add = true}
          %dma_wait3A_219 = arith.constant 384 : i32
          %dma_wait3A_220 = arith.constant 0 : i32
          %dma_wait3A_221 = tpu.memref_slice %arg9[%dma_wait3A_219, %dma_wait3A_220] : memref<512x128xbf16, #tpu.memory_space<vmem>> -> memref<128x128xbf16, #tpu.memory_space<vmem>>
          %dma_wait3A_222 = arith.constant 0 : i32
          %dma_wait3A_223 = tpu.memref_slice %arg8[%add3A_187, %dma_wait3A_222] : memref<40x128xi32, #tpu.memory_space<vmem>> -> memref<1x128xi32, #tpu.memory_space<vmem>>
          %dma_wait3A_224 = tpu.memref_squeeze %dma_wait3A_223 : memref<1x128xi32, #tpu.memory_space<vmem>> -> memref<128xi32, #tpu.memory_space<vmem>>
          %dma_wait3A_225 = arith.constant 0 : i32
          %dma_wait3A_226 = arith.constant 0 : i32
          %dma_wait3A_227 = tpu.memref_slice %arg11[%dma_wait3A_225, %dma_wait3A_226] : memref<10112x128xbf16, #tpu.memory_space<vmem_shared>> -> memref<10112x128xbf16, #tpu.memory_space<vmem_shared>>
          tpu.wait_indirect_dma semaphore(%run_scoped3A_209 : memref<!tpu.dma_semaphore, #tpu.memory_space<semaphore_mem>>) src(%dma_wait3A_221 : memref<128x128xbf16, #tpu.memory_space<vmem>>) dst(%dma_wait3A_227 : memref<10112x128xbf16, #tpu.memory_space<vmem_shared>>)
          tpu.yield
        }) : () -> ()
        %add3A_198 = arith.constant 4 : i32
        %add3A_199 = arith.addi %add3A_187, %add3A_198 : i32
        %dma_start3A_200 = arith.constant 384 : i32
        %dma_start3A_201 = arith.constant 0 : i32
        %dma_start3A_202 = tpu.memref_slice %arg9[%dma_start3A_200, %dma_start3A_201] : memref<512x128xbf16, #tpu.memory_space<vmem>> -> memref<128x128xbf16, #tpu.memory_space<vmem>>
        %dma_start3A_203 = arith.constant 0 : i32
        %dma_start3A_204 = tpu.memref_slice %arg7[%add3A_199, %dma_start3A_203] : memref<40x128xi32, #tpu.memory_space<vmem>> -> memref<1x128xi32, #tpu.memory_space<vmem>>
        %dma_start3A_205 = tpu.memref_squeeze %dma_start3A_204 : memref<1x128xi32, #tpu.memory_space<vmem>> -> memref<128xi32, #tpu.memory_space<vmem>>
        %dma_start3A_206 = arith.constant 0 : i32
        %dma_start3A_207 = arith.constant 0 : i32
        %dma_start3A_208 = tpu.memref_slice %arg10[%dma_start3A_206, %dma_start3A_207] : memref<10112x128xbf16, #tpu.memory_space<vmem_shared>> -> memref<10112x128xbf16, #tpu.memory_space<vmem_shared>>
        tpu.enqueue_indirect_dma source(%dma_start3A_208 : memref<10112x128xbf16, #tpu.memory_space<vmem_shared>>) target(%dma_start3A_202 : memref<128x128xbf16, #tpu.memory_space<vmem>>) offsets(%dma_start3A_205 : memref<128xi32, #tpu.memory_space<vmem>>) semaphore(%arg15 : memref<!tpu.dma_semaphore, #tpu.memory_space<semaphore_mem>>)
      }
      %scan3A_65 = arith.constant 9 : i32
      %dma_wait3A = arith.constant 0 : i32
      %dma_wait3A_66 = arith.constant 0 : i32
      %dma_wait3A_67 = arith.constant 0 : i32
      %dma_wait3A_68 = tpu.memref_slice %arg9[%dma_wait3A_66, %dma_wait3A_67] : memref<512x128xbf16, #tpu.memory_space<vmem>> -> memref<128x128xbf16, #tpu.memory_space<vmem>>
      %dma_wait3A_69 = arith.constant 0 : i32
      %dma_wait3A_70 = tpu.memref_slice %arg7[%dma_wait3A, %dma_wait3A_69] : memref<40x128xi32, #tpu.memory_space<vmem>> -> memref<1x128xi32, #tpu.memory_space<vmem>>
      %dma_wait3A_71 = tpu.memref_squeeze %dma_wait3A_70 : memref<1x128xi32, #tpu.memory_space<vmem>> -> memref<128xi32, #tpu.memory_space<vmem>>
      %dma_wait3A_72 = arith.constant 0 : i32
      %dma_wait3A_73 = arith.constant 0 : i32
      %dma_wait3A_74 = tpu.memref_slice %arg10[%dma_wait3A_72, %dma_wait3A_73] : memref<10112x128xbf16, #tpu.memory_space<vmem_shared>> -> memref<10112x128xbf16, #tpu.memory_space<vmem_shared>>
      tpu.wait_indirect_dma semaphore(%arg12 : memref<!tpu.dma_semaphore, #tpu.memory_space<semaphore_mem>>) src(%dma_wait3A_74 : memref<10112x128xbf16, #tpu.memory_space<vmem_shared>>) dst(%dma_wait3A_68 : memref<128x128xbf16, #tpu.memory_space<vmem>>)
      %run_scoped3A = arith.constant 36 : i32
      "tpu.region"() ({
        %run_scoped3A_108 = tpu.sem_alloc : memref<!tpu.dma_semaphore, #tpu.memory_space<semaphore_mem>>
        %dma_start3A_109 = arith.constant 0 : i32
        %dma_start3A_110 = arith.constant 0 : i32
        %dma_start3A_111 = tpu.memref_slice %arg9[%dma_start3A_109, %dma_start3A_110] : memref<512x128xbf16, #tpu.memory_space<vmem>> -> memref<128x128xbf16, #tpu.memory_space<vmem>>
        %dma_start3A_112 = arith.constant 0 : i32
        %dma_start3A_113 = tpu.memref_slice %arg8[%run_scoped3A, %dma_start3A_112] : memref<40x128xi32, #tpu.memory_space<vmem>> -> memref<1x128xi32, #tpu.memory_space<vmem>>
        %dma_start3A_114 = tpu.memref_squeeze %dma_start3A_113 : memref<1x128xi32, #tpu.memory_space<vmem>> -> memref<128xi32, #tpu.memory_space<vmem>>
        %dma_start3A_115 = arith.constant 0 : i32
        %dma_start3A_116 = arith.constant 0 : i32
        %dma_start3A_117 = tpu.memref_slice %arg11[%dma_start3A_115, %dma_start3A_116] : memref<10112x128xbf16, #tpu.memory_space<vmem_shared>> -> memref<10112x128xbf16, #tpu.memory_space<vmem_shared>>
        tpu.enqueue_indirect_dma source(%dma_start3A_111 : memref<128x128xbf16, #tpu.memory_space<vmem>>) target(%dma_start3A_117 : memref<10112x128xbf16, #tpu.memory_space<vmem_shared>>) offsets(%dma_start3A_114 : memref<128xi32, #tpu.memory_space<vmem>>) semaphore(%run_scoped3A_108 : memref<!tpu.dma_semaphore, #tpu.memory_space<semaphore_mem>>) {add = true}
        %dma_wait3A_118 = arith.constant 0 : i32
        %dma_wait3A_119 = arith.constant 0 : i32
        %dma_wait3A_120 = tpu.memref_slice %arg9[%dma_wait3A_118, %dma_wait3A_119] : memref<512x128xbf16, #tpu.memory_space<vmem>> -> memref<128x128xbf16, #tpu.memory_space<vmem>>
        %dma_wait3A_121 = arith.constant 0 : i32
        %dma_wait3A_122 = tpu.memref_slice %arg8[%run_scoped3A, %dma_wait3A_121] : memref<40x128xi32, #tpu.memory_space<vmem>> -> memref<1x128xi32, #tpu.memory_space<vmem>>
        %dma_wait3A_123 = tpu.memref_squeeze %dma_wait3A_122 : memref<1x128xi32, #tpu.memory_space<vmem>> -> memref<128xi32, #tpu.memory_space<vmem>>
        %dma_wait3A_124 = arith.constant 0 : i32
        %dma_wait3A_125 = arith.constant 0 : i32
        %dma_wait3A_126 = tpu.memref_slice %arg11[%dma_wait3A_124, %dma_wait3A_125] : memref<10112x128xbf16, #tpu.memory_space<vmem_shared>> -> memref<10112x128xbf16, #tpu.memory_space<vmem_shared>>
        tpu.wait_indirect_dma semaphore(%run_scoped3A_108 : memref<!tpu.dma_semaphore, #tpu.memory_space<semaphore_mem>>) src(%dma_wait3A_120 : memref<128x128xbf16, #tpu.memory_space<vmem>>) dst(%dma_wait3A_126 : memref<10112x128xbf16, #tpu.memory_space<vmem_shared>>)
        tpu.yield
      }) : () -> ()
      %dma_wait3A_75 = arith.constant 0 : i32
      %dma_wait3A_76 = arith.constant 128 : i32
      %dma_wait3A_77 = arith.constant 0 : i32
      %dma_wait3A_78 = tpu.memref_slice %arg9[%dma_wait3A_76, %dma_wait3A_77] : memref<512x128xbf16, #tpu.memory_space<vmem>> -> memref<128x128xbf16, #tpu.memory_space<vmem>>
      %dma_wait3A_79 = arith.constant 0 : i32
      %dma_wait3A_80 = tpu.memref_slice %arg7[%dma_wait3A_75, %dma_wait3A_79] : memref<40x128xi32, #tpu.memory_space<vmem>> -> memref<1x128xi32, #tpu.memory_space<vmem>>
      %dma_wait3A_81 = tpu.memref_squeeze %dma_wait3A_80 : memref<1x128xi32, #tpu.memory_space<vmem>> -> memref<128xi32, #tpu.memory_space<vmem>>
      %dma_wait3A_82 = arith.constant 0 : i32
      %dma_wait3A_83 = arith.constant 0 : i32
      %dma_wait3A_84 = tpu.memref_slice %arg10[%dma_wait3A_82, %dma_wait3A_83] : memref<10112x128xbf16, #tpu.memory_space<vmem_shared>> -> memref<10112x128xbf16, #tpu.memory_space<vmem_shared>>
      tpu.wait_indirect_dma semaphore(%arg13 : memref<!tpu.dma_semaphore, #tpu.memory_space<semaphore_mem>>) src(%dma_wait3A_84 : memref<10112x128xbf16, #tpu.memory_space<vmem_shared>>) dst(%dma_wait3A_78 : memref<128x128xbf16, #tpu.memory_space<vmem>>)
      %run_scoped3A_85 = arith.constant 37 : i32
      "tpu.region"() ({
        %run_scoped3A_108 = tpu.sem_alloc : memref<!tpu.dma_semaphore, #tpu.memory_space<semaphore_mem>>
        %dma_start3A_109 = arith.constant 128 : i32
        %dma_start3A_110 = arith.constant 0 : i32
        %dma_start3A_111 = tpu.memref_slice %arg9[%dma_start3A_109, %dma_start3A_110] : memref<512x128xbf16, #tpu.memory_space<vmem>> -> memref<128x128xbf16, #tpu.memory_space<vmem>>
        %dma_start3A_112 = arith.constant 0 : i32
        %dma_start3A_113 = tpu.memref_slice %arg8[%run_scoped3A_85, %dma_start3A_112] : memref<40x128xi32, #tpu.memory_space<vmem>> -> memref<1x128xi32, #tpu.memory_space<vmem>>
        %dma_start3A_114 = tpu.memref_squeeze %dma_start3A_113 : memref<1x128xi32, #tpu.memory_space<vmem>> -> memref<128xi32, #tpu.memory_space<vmem>>
        %dma_start3A_115 = arith.constant 0 : i32
        %dma_start3A_116 = arith.constant 0 : i32
        %dma_start3A_117 = tpu.memref_slice %arg11[%dma_start3A_115, %dma_start3A_116] : memref<10112x128xbf16, #tpu.memory_space<vmem_shared>> -> memref<10112x128xbf16, #tpu.memory_space<vmem_shared>>
        tpu.enqueue_indirect_dma source(%dma_start3A_111 : memref<128x128xbf16, #tpu.memory_space<vmem>>) target(%dma_start3A_117 : memref<10112x128xbf16, #tpu.memory_space<vmem_shared>>) offsets(%dma_start3A_114 : memref<128xi32, #tpu.memory_space<vmem>>) semaphore(%run_scoped3A_108 : memref<!tpu.dma_semaphore, #tpu.memory_space<semaphore_mem>>) {add = true}
        %dma_wait3A_118 = arith.constant 128 : i32
        %dma_wait3A_119 = arith.constant 0 : i32
        %dma_wait3A_120 = tpu.memref_slice %arg9[%dma_wait3A_118, %dma_wait3A_119] : memref<512x128xbf16, #tpu.memory_space<vmem>> -> memref<128x128xbf16, #tpu.memory_space<vmem>>
        %dma_wait3A_121 = arith.constant 0 : i32
        %dma_wait3A_122 = tpu.memref_slice %arg8[%run_scoped3A_85, %dma_wait3A_121] : memref<40x128xi32, #tpu.memory_space<vmem>> -> memref<1x128xi32, #tpu.memory_space<vmem>>
        %dma_wait3A_123 = tpu.memref_squeeze %dma_wait3A_122 : memref<1x128xi32, #tpu.memory_space<vmem>> -> memref<128xi32, #tpu.memory_space<vmem>>
        %dma_wait3A_124 = arith.constant 0 : i32
        %dma_wait3A_125 = arith.constant 0 : i32
        %dma_wait3A_126 = tpu.memref_slice %arg11[%dma_wait3A_124, %dma_wait3A_125] : memref<10112x128xbf16, #tpu.memory_space<vmem_shared>> -> memref<10112x128xbf16, #tpu.memory_space<vmem_shared>>
        tpu.wait_indirect_dma semaphore(%run_scoped3A_108 : memref<!tpu.dma_semaphore, #tpu.memory_space<semaphore_mem>>) src(%dma_wait3A_120 : memref<128x128xbf16, #tpu.memory_space<vmem>>) dst(%dma_wait3A_126 : memref<10112x128xbf16, #tpu.memory_space<vmem_shared>>)
        tpu.yield
      }) : () -> ()
      %dma_wait3A_86 = arith.constant 0 : i32
      %dma_wait3A_87 = arith.constant 256 : i32
      %dma_wait3A_88 = arith.constant 0 : i32
      %dma_wait3A_89 = tpu.memref_slice %arg9[%dma_wait3A_87, %dma_wait3A_88] : memref<512x128xbf16, #tpu.memory_space<vmem>> -> memref<128x128xbf16, #tpu.memory_space<vmem>>
      %dma_wait3A_90 = arith.constant 0 : i32
      %dma_wait3A_91 = tpu.memref_slice %arg7[%dma_wait3A_86, %dma_wait3A_90] : memref<40x128xi32, #tpu.memory_space<vmem>> -> memref<1x128xi32, #tpu.memory_space<vmem>>
      %dma_wait3A_92 = tpu.memref_squeeze %dma_wait3A_91 : memref<1x128xi32, #tpu.memory_space<vmem>> -> memref<128xi32, #tpu.memory_space<vmem>>
      %dma_wait3A_93 = arith.constant 0 : i32
      %dma_wait3A_94 = arith.constant 0 : i32
      %dma_wait3A_95 = tpu.memref_slice %arg10[%dma_wait3A_93, %dma_wait3A_94] : memref<10112x128xbf16, #tpu.memory_space<vmem_shared>> -> memref<10112x128xbf16, #tpu.memory_space<vmem_shared>>
      tpu.wait_indirect_dma semaphore(%arg14 : memref<!tpu.dma_semaphore, #tpu.memory_space<semaphore_mem>>) src(%dma_wait3A_95 : memref<10112x128xbf16, #tpu.memory_space<vmem_shared>>) dst(%dma_wait3A_89 : memref<128x128xbf16, #tpu.memory_space<vmem>>)
      %run_scoped3A_96 = arith.constant 38 : i32
      "tpu.region"() ({
        %run_scoped3A_108 = tpu.sem_alloc : memref<!tpu.dma_semaphore, #tpu.memory_space<semaphore_mem>>
        %dma_start3A_109 = arith.constant 256 : i32
        %dma_start3A_110 = arith.constant 0 : i32
        %dma_start3A_111 = tpu.memref_slice %arg9[%dma_start3A_109, %dma_start3A_110] : memref<512x128xbf16, #tpu.memory_space<vmem>> -> memref<128x128xbf16, #tpu.memory_space<vmem>>
        %dma_start3A_112 = arith.constant 0 : i32
        %dma_start3A_113 = tpu.memref_slice %arg8[%run_scoped3A_96, %dma_start3A_112] : memref<40x128xi32, #tpu.memory_space<vmem>> -> memref<1x128xi32, #tpu.memory_space<vmem>>
        %dma_start3A_114 = tpu.memref_squeeze %dma_start3A_113 : memref<1x128xi32, #tpu.memory_space<vmem>> -> memref<128xi32, #tpu.memory_space<vmem>>
        %dma_start3A_115 = arith.constant 0 : i32
        %dma_start3A_116 = arith.constant 0 : i32
        %dma_start3A_117 = tpu.memref_slice %arg11[%dma_start3A_115, %dma_start3A_116] : memref<10112x128xbf16, #tpu.memory_space<vmem_shared>> -> memref<10112x128xbf16, #tpu.memory_space<vmem_shared>>
        tpu.enqueue_indirect_dma source(%dma_start3A_111 : memref<128x128xbf16, #tpu.memory_space<vmem>>) target(%dma_start3A_117 : memref<10112x128xbf16, #tpu.memory_space<vmem_shared>>) offsets(%dma_start3A_114 : memref<128xi32, #tpu.memory_space<vmem>>) semaphore(%run_scoped3A_108 : memref<!tpu.dma_semaphore, #tpu.memory_space<semaphore_mem>>) {add = true}
        %dma_wait3A_118 = arith.constant 256 : i32
        %dma_wait3A_119 = arith.constant 0 : i32
        %dma_wait3A_120 = tpu.memref_slice %arg9[%dma_wait3A_118, %dma_wait3A_119] : memref<512x128xbf16, #tpu.memory_space<vmem>> -> memref<128x128xbf16, #tpu.memory_space<vmem>>
        %dma_wait3A_121 = arith.constant 0 : i32
        %dma_wait3A_122 = tpu.memref_slice %arg8[%run_scoped3A_96, %dma_wait3A_121] : memref<40x128xi32, #tpu.memory_space<vmem>> -> memref<1x128xi32, #tpu.memory_space<vmem>>
        %dma_wait3A_123 = tpu.memref_squeeze %dma_wait3A_122 : memref<1x128xi32, #tpu.memory_space<vmem>> -> memref<128xi32, #tpu.memory_space<vmem>>
        %dma_wait3A_124 = arith.constant 0 : i32
        %dma_wait3A_125 = arith.constant 0 : i32
        %dma_wait3A_126 = tpu.memref_slice %arg11[%dma_wait3A_124, %dma_wait3A_125] : memref<10112x128xbf16, #tpu.memory_space<vmem_shared>> -> memref<10112x128xbf16, #tpu.memory_space<vmem_shared>>
        tpu.wait_indirect_dma semaphore(%run_scoped3A_108 : memref<!tpu.dma_semaphore, #tpu.memory_space<semaphore_mem>>) src(%dma_wait3A_120 : memref<128x128xbf16, #tpu.memory_space<vmem>>) dst(%dma_wait3A_126 : memref<10112x128xbf16, #tpu.memory_space<vmem_shared>>)
        tpu.yield
      }) : () -> ()
      %dma_wait3A_97 = arith.constant 0 : i32
      %dma_wait3A_98 = arith.constant 384 : i32
      %dma_wait3A_99 = arith.constant 0 : i32
      %dma_wait3A_100 = tpu.memref_slice %arg9[%dma_wait3A_98, %dma_wait3A_99] : memref<512x128xbf16, #tpu.memory_space<vmem>> -> memref<128x128xbf16, #tpu.memory_space<vmem>>
      %dma_wait3A_101 = arith.constant 0 : i32
      %dma_wait3A_102 = tpu.memref_slice %arg7[%dma_wait3A_97, %dma_wait3A_101] : memref<40x128xi32, #tpu.memory_space<vmem>> -> memref<1x128xi32, #tpu.memory_space<vmem>>
      %dma_wait3A_103 = tpu.memref_squeeze %dma_wait3A_102 : memref<1x128xi32, #tpu.memory_space<vmem>> -> memref<128xi32, #tpu.memory_space<vmem>>
      %dma_wait3A_104 = arith.constant 0 : i32
      %dma_wait3A_105 = arith.constant 0 : i32
      %dma_wait3A_106 = tpu.memref_slice %arg10[%dma_wait3A_104, %dma_wait3A_105] : memref<10112x128xbf16, #tpu.memory_space<vmem_shared>> -> memref<10112x128xbf16, #tpu.memory_space<vmem_shared>>
      tpu.wait_indirect_dma semaphore(%arg15 : memref<!tpu.dma_semaphore, #tpu.memory_space<semaphore_mem>>) src(%dma_wait3A_106 : memref<10112x128xbf16, #tpu.memory_space<vmem_shared>>) dst(%dma_wait3A_100 : memref<128x128xbf16, #tpu.memory_space<vmem>>)
      %run_scoped3A_107 = arith.constant 39 : i32
      "tpu.region"() ({
        %run_scoped3A_108 = tpu.sem_alloc : memref<!tpu.dma_semaphore, #tpu.memory_space<semaphore_mem>>
        %dma_start3A_109 = arith.constant 384 : i32
        %dma_start3A_110 = arith.constant 0 : i32
        %dma_start3A_111 = tpu.memref_slice %arg9[%dma_start3A_109, %dma_start3A_110] : memref<512x128xbf16, #tpu.memory_space<vmem>> -> memref<128x128xbf16, #tpu.memory_space<vmem>>
        %dma_start3A_112 = arith.constant 0 : i32
        %dma_start3A_113 = tpu.memref_slice %arg8[%run_scoped3A_107, %dma_start3A_112] : memref<40x128xi32, #tpu.memory_space<vmem>> -> memref<1x128xi32, #tpu.memory_space<vmem>>
        %dma_start3A_114 = tpu.memref_squeeze %dma_start3A_113 : memref<1x128xi32, #tpu.memory_space<vmem>> -> memref<128xi32, #tpu.memory_space<vmem>>
        %dma_start3A_115 = arith.constant 0 : i32
        %dma_start3A_116 = arith.constant 0 : i32
        %dma_start3A_117 = tpu.memref_slice %arg11[%dma_start3A_115, %dma_start3A_116] : memref<10112x128xbf16, #tpu.memory_space<vmem_shared>> -> memref<10112x128xbf16, #tpu.memory_space<vmem_shared>>
        tpu.enqueue_indirect_dma source(%dma_start3A_111 : memref<128x128xbf16, #tpu.memory_space<vmem>>) target(%dma_start3A_117 : memref<10112x128xbf16, #tpu.memory_space<vmem_shared>>) offsets(%dma_start3A_114 : memref<128xi32, #tpu.memory_space<vmem>>) semaphore(%run_scoped3A_108 : memref<!tpu.dma_semaphore, #tpu.memory_space<semaphore_mem>>) {add = true}
        %dma_wait3A_118 = arith.constant 384 : i32
        %dma_wait3A_119 = arith.constant 0 : i32
        %dma_wait3A_120 = tpu.memref_slice %arg9[%dma_wait3A_118, %dma_wait3A_119] : memref<512x128xbf16, #tpu.memory_space<vmem>> -> memref<128x128xbf16, #tpu.memory_space<vmem>>
        %dma_wait3A_121 = arith.constant 0 : i32
        %dma_wait3A_122 = tpu.memref_slice %arg8[%run_scoped3A_107, %dma_wait3A_121] : memref<40x128xi32, #tpu.memory_space<vmem>> -> memref<1x128xi32, #tpu.memory_space<vmem>>
        %dma_wait3A_123 = tpu.memref_squeeze %dma_wait3A_122 : memref<1x128xi32, #tpu.memory_space<vmem>> -> memref<128xi32, #tpu.memory_space<vmem>>
        %dma_wait3A_124 = arith.constant 0 : i32
        %dma_wait3A_125 = arith.constant 0 : i32
        %dma_wait3A_126 = tpu.memref_slice %arg11[%dma_wait3A_124, %dma_wait3A_125] : memref<10112x128xbf16, #tpu.memory_space<vmem_shared>> -> memref<10112x128xbf16, #tpu.memory_space<vmem_shared>>
        tpu.wait_indirect_dma semaphore(%run_scoped3A_108 : memref<!tpu.dma_semaphore, #tpu.memory_space<semaphore_mem>>) src(%dma_wait3A_120 : memref<128x128xbf16, #tpu.memory_space<vmem>>) dst(%dma_wait3A_126 : memref<10112x128xbf16, #tpu.memory_space<vmem_shared>>)
        tpu.yield
      }) : () -> ()
    }
    %scan3A_11 = arith.constant 2 : i32
    %barrier3A_12 = arith.constant 0 : index
    tpu.barrier barrier_id(%barrier3A_12)
    %mul3A_13 = arith.constant 632 : i32
    %mul3A_14 = arith.muli %arg1, %mul3A_13 : i32
    %mul3A_15 = arith.constant 632 : i32
    %mul3A_16 = arith.muli %arg1, %mul3A_15 : i32
    "tpu.region"() ({
      %run_scoped3A = tpu.sem_alloc : memref<!tpu.dma_semaphore, #tpu.memory_space<semaphore_mem>>
      %dma_start3A = arith.constant 0 : i32
      %dma_start3A_17 = tpu.memref_slice %arg6[%arg0, %mul3A_16, %dma_start3A] : memref<2x10112x128xbf16, #tpu.memory_space<hbm>> -> memref<1x632x128xbf16, #tpu.memory_space<hbm>>
      %dma_start3A_18 = tpu.memref_squeeze %dma_start3A_17 : memref<1x632x128xbf16, #tpu.memory_space<hbm>> -> memref<632x128xbf16, #tpu.memory_space<hbm>>
      %dma_start3A_19 = arith.constant 0 : i32
      %dma_start3A_20 = tpu.memref_slice %arg11[%mul3A_14, %dma_start3A_19] : memref<10112x128xbf16, #tpu.memory_space<vmem_shared>> -> memref<632x128xbf16, #tpu.memory_space<vmem_shared>>
      tpu.enqueue_dma source(%dma_start3A_20 : memref<632x128xbf16, #tpu.memory_space<vmem_shared>>) target(%dma_start3A_18 : memref<632x128xbf16, #tpu.memory_space<hbm>>) target_semaphore(%run_scoped3A : memref<!tpu.dma_semaphore, #tpu.memory_space<semaphore_mem>>)
      %dma_wait3A = arith.constant 0 : i32
      %dma_wait3A_21 = tpu.memref_slice %arg6[%arg0, %mul3A_16, %dma_wait3A] : memref<2x10112x128xbf16, #tpu.memory_space<hbm>> -> memref<1x632x128xbf16, #tpu.memory_space<hbm>>
      %dma_wait3A_22 = tpu.memref_squeeze %dma_wait3A_21 : memref<1x632x128xbf16, #tpu.memory_space<hbm>> -> memref<632x128xbf16, #tpu.memory_space<hbm>>
      %dma_wait3A_23 = arith.constant 0 : i32
      %dma_wait3A_24 = tpu.memref_slice %arg11[%mul3A_14, %dma_wait3A_23] : memref<10112x128xbf16, #tpu.memory_space<vmem_shared>> -> memref<632x128xbf16, #tpu.memory_space<vmem_shared>>
      tpu.wait_dma2 semaphore(%run_scoped3A : memref<!tpu.dma_semaphore, #tpu.memory_space<semaphore_mem>>) src(%dma_wait3A_24 : memref<632x128xbf16, #tpu.memory_space<vmem_shared>>) dst(%dma_wait3A_22 : memref<632x128xbf16, #tpu.memory_space<hbm>>)
      tpu.yield
    }) : () -> ()
    return
  }
}

#map = affine_map<(d0, d1) -> (0, 0)>
#map1 = affine_map<(d0, d1) -> (0, 0, 0)>
module attributes {stable_mosaic.version = 14 : i64} {
  func.func @run(%arg0: i32, %arg1: i32, %arg2: memref<10112x128xbf16, #tpu.memory_space<hbm>>, %arg3: memref<32x80x128xi32, #tpu.memory_space<hbm>>, %arg4: memref<32x80x128xi32, #tpu.memory_space<hbm>>, %arg5: memref<632x128xbf16, #tpu.memory_space<hbm>>, %arg6: memref<2x10112x128xbf16, #tpu.memory_space<hbm>>, %arg7: memref<40x128xi32, #tpu.memory_space<vmem>>, %arg8: memref<40x128xi32, #tpu.memory_space<vmem>>, %arg9: memref<512x128xbf16, #tpu.memory_space<vmem>>, %arg10: memref<10112x128xbf16, #tpu.memory_space<vmem_shared>>, %arg11: memref<10112x128xbf16, #tpu.memory_space<vmem_shared>>, %arg12: memref<!tpu.dma_semaphore, #tpu.memory_space<semaphore_mem>>, %arg13: memref<!tpu.dma_semaphore, #tpu.memory_space<semaphore_mem>>, %arg14: memref<!tpu.dma_semaphore, #tpu.memory_space<semaphore_mem>>, %arg15: memref<!tpu.dma_semaphore, #tpu.memory_space<semaphore_mem>>) attributes {dimension_semantics = [#tpu.dimension_semantics<core_parallel>, #tpu.dimension_semantics<subcore_parallel>], iteration_bounds = array<i64: 2, 16>, scalar_prefetch = 0 : i64, scratch_operands = 9 : i64, tpu.core_type = #tpu.core_type<sc_vector_subcore>, window_params = [{transform_indices = #map}, {transform_indices = #map1}, {transform_indices = #map1}, {transform_indices = #map}, {transform_indices = #map1}]} {
    %mul3A = arith.constant 16 : i32
    %mul3A_0 = arith.muli %arg0, %mul3A : i32
    %add3A = arith.addi %mul3A_0, %arg1 : i32
    %mul3A_1 = arith.constant 632 : i32
    %mul3A_2 = arith.muli %arg1, %mul3A_1 : i32
    %mul3A_3 = arith.constant 632 : i32
    %mul3A_4 = arith.muli %arg1, %mul3A_3 : i32
    "tpu.region"() ({
      %run_scoped3A = tpu.sem_alloc : memref<!tpu.dma_semaphore, #tpu.memory_space<semaphore_mem>>
      %dma_start3A = arith.constant 0 : i32
      %dma_start3A_17 = tpu.memref_slice %arg10[%mul3A_4, %dma_start3A] : memref<10112x128xbf16, #tpu.memory_space<vmem_shared>> -> memref<632x128xbf16, #tpu.memory_space<vmem_shared>>
      %dma_start3A_18 = arith.constant 0 : i32
      %dma_start3A_19 = tpu.memref_slice %arg2[%mul3A_2, %dma_start3A_18] : memref<10112x128xbf16, #tpu.memory_space<hbm>> -> memref<632x128xbf16, #tpu.memory_space<hbm>>
      tpu.enqueue_dma source(%dma_start3A_19 : memref<632x128xbf16, #tpu.memory_space<hbm>>) target(%dma_start3A_17 : memref<632x128xbf16, #tpu.memory_space<vmem_shared>>) target_semaphore(%run_scoped3A : memref<!tpu.dma_semaphore, #tpu.memory_space<semaphore_mem>>)
      %dma_wait3A = arith.constant 0 : i32
      %dma_wait3A_20 = tpu.memref_slice %arg10[%mul3A_4, %dma_wait3A] : memref<10112x128xbf16, #tpu.memory_space<vmem_shared>> -> memref<632x128xbf16, #tpu.memory_space<vmem_shared>>
      %dma_wait3A_21 = arith.constant 0 : i32
      %dma_wait3A_22 = tpu.memref_slice %arg2[%mul3A_2, %dma_wait3A_21] : memref<10112x128xbf16, #tpu.memory_space<hbm>> -> memref<632x128xbf16, #tpu.memory_space<hbm>>
      tpu.wait_dma2 semaphore(%run_scoped3A : memref<!tpu.dma_semaphore, #tpu.memory_space<semaphore_mem>>) src(%dma_wait3A_22 : memref<632x128xbf16, #tpu.memory_space<hbm>>) dst(%dma_wait3A_20 : memref<632x128xbf16, #tpu.memory_space<vmem_shared>>)
      tpu.yield
    }) : () -> ()
    %mul3A_5 = arith.constant 632 : i32
    %mul3A_6 = arith.muli %arg1, %mul3A_5 : i32
    "tpu.region"() ({
      %run_scoped3A = tpu.sem_alloc : memref<!tpu.dma_semaphore, #tpu.memory_space<semaphore_mem>>
      %dma_start3A = arith.constant 0 : i32
      %dma_start3A_17 = tpu.memref_slice %arg11[%mul3A_6, %dma_start3A] : memref<10112x128xbf16, #tpu.memory_space<vmem_shared>> -> memref<632x128xbf16, #tpu.memory_space<vmem_shared>>
      tpu.enqueue_dma source(%arg5 : memref<632x128xbf16, #tpu.memory_space<hbm>>) target(%dma_start3A_17 : memref<632x128xbf16, #tpu.memory_space<vmem_shared>>) target_semaphore(%run_scoped3A : memref<!tpu.dma_semaphore, #tpu.memory_space<semaphore_mem>>)
      %dma_wait3A = arith.constant 0 : i32
      %dma_wait3A_18 = tpu.memref_slice %arg11[%mul3A_6, %dma_wait3A] : memref<10112x128xbf16, #tpu.memory_space<vmem_shared>> -> memref<632x128xbf16, #tpu.memory_space<vmem_shared>>
      tpu.wait_dma2 semaphore(%run_scoped3A : memref<!tpu.dma_semaphore, #tpu.memory_space<semaphore_mem>>) src(%arg5 : memref<632x128xbf16, #tpu.memory_space<hbm>>) dst(%dma_wait3A_18 : memref<632x128xbf16, #tpu.memory_space<vmem_shared>>)
      tpu.yield
    }) : () -> ()
    %barrier3A = arith.constant 0 : index
    tpu.barrier barrier_id(%barrier3A)
    %scan3A = arith.constant 0 : i32
    %scan3A_7 = arith.constant 0 : i32
    %scan3A_8 = arith.constant 2 : i32
    %scan3A_9 = arith.addi %scan3A_7, %scan3A_8 : i32
    %scan3A_10 = arith.constant 1 : i32
    scf.for %scan3A_17 = %scan3A_7 to %scan3A_9 step %scan3A_10  : i32 {
      %mul3A_18 = arith.constant 40 : i32
      %mul3A_19 = arith.muli %scan3A_17, %mul3A_18 : i32
      "tpu.region"() ({
        %run_scoped3A_108 = tpu.sem_alloc : memref<!tpu.dma_semaphore, #tpu.memory_space<semaphore_mem>>
        %dma_start3A_109 = arith.constant 0 : i32
        %dma_start3A_110 = tpu.memref_slice %arg3[%add3A, %mul3A_19, %dma_start3A_109] : memref<32x80x128xi32, #tpu.memory_space<hbm>> -> memref<1x40x128xi32, #tpu.memory_space<hbm>>
        %dma_start3A_111 = tpu.memref_squeeze %dma_start3A_110 : memref<1x40x128xi32, #tpu.memory_space<hbm>> -> memref<40x128xi32, #tpu.memory_space<hbm>>
        %dma_start3A_112 = arith.constant 0 : i32
        %dma_start3A_113 = tpu.memref_slice %arg3[%add3A, %mul3A_19, %dma_start3A_112] : memref<32x80x128xi32, #tpu.memory_space<hbm>> -> memref<1x40x128xi32, #tpu.memory_space<hbm>>
        %dma_start3A_114 = tpu.memref_squeeze %dma_start3A_113 : memref<1x40x128xi32, #tpu.memory_space<hbm>> -> memref<40x128xi32, #tpu.memory_space<hbm>>
        tpu.enqueue_dma source(%dma_start3A_114 : memref<40x128xi32, #tpu.memory_space<hbm>>) target(%arg7 : memref<40x128xi32, #tpu.memory_space<vmem>>) target_semaphore(%run_scoped3A_108 : memref<!tpu.dma_semaphore, #tpu.memory_space<semaphore_mem>>)
        %dma_wait3A_115 = arith.constant 0 : i32
        %dma_wait3A_116 = tpu.memref_slice %arg3[%add3A, %mul3A_19, %dma_wait3A_115] : memref<32x80x128xi32, #tpu.memory_space<hbm>> -> memref<1x40x128xi32, #tpu.memory_space<hbm>>
        %dma_wait3A_117 = tpu.memref_squeeze %dma_wait3A_116 : memref<1x40x128xi32, #tpu.memory_space<hbm>> -> memref<40x128xi32, #tpu.memory_space<hbm>>
        %dma_wait3A_118 = arith.constant 0 : i32
        %dma_wait3A_119 = tpu.memref_slice %arg3[%add3A, %mul3A_19, %dma_wait3A_118] : memref<32x80x128xi32, #tpu.memory_space<hbm>> -> memref<1x40x128xi32, #tpu.memory_space<hbm>>
        %dma_wait3A_120 = tpu.memref_squeeze %dma_wait3A_119 : memref<1x40x128xi32, #tpu.memory_space<hbm>> -> memref<40x128xi32, #tpu.memory_space<hbm>>
        tpu.wait_dma2 semaphore(%run_scoped3A_108 : memref<!tpu.dma_semaphore, #tpu.memory_space<semaphore_mem>>) src(%dma_wait3A_120 : memref<40x128xi32, #tpu.memory_space<hbm>>) dst(%arg7 : memref<40x128xi32, #tpu.memory_space<vmem>>)
        tpu.yield
      }) : () -> ()
      %mul3A_20 = arith.constant 40 : i32
      %mul3A_21 = arith.muli %scan3A_17, %mul3A_20 : i32
      "tpu.region"() ({
        %run_scoped3A_108 = tpu.sem_alloc : memref<!tpu.dma_semaphore, #tpu.memory_space<semaphore_mem>>
        %dma_start3A_109 = arith.constant 0 : i32
        %dma_start3A_110 = tpu.memref_slice %arg4[%add3A, %mul3A_21, %dma_start3A_109] : memref<32x80x128xi32, #tpu.memory_space<hbm>> -> memref<1x40x128xi32, #tpu.memory_space<hbm>>
        %dma_start3A_111 = tpu.memref_squeeze %dma_start3A_110 : memref<1x40x128xi32, #tpu.memory_space<hbm>> -> memref<40x128xi32, #tpu.memory_space<hbm>>
        %dma_start3A_112 = arith.constant 0 : i32
        %dma_start3A_113 = tpu.memref_slice %arg4[%add3A, %mul3A_21, %dma_start3A_112] : memref<32x80x128xi32, #tpu.memory_space<hbm>> -> memref<1x40x128xi32, #tpu.memory_space<hbm>>
        %dma_start3A_114 = tpu.memref_squeeze %dma_start3A_113 : memref<1x40x128xi32, #tpu.memory_space<hbm>> -> memref<40x128xi32, #tpu.memory_space<hbm>>
        tpu.enqueue_dma source(%dma_start3A_114 : memref<40x128xi32, #tpu.memory_space<hbm>>) target(%arg8 : memref<40x128xi32, #tpu.memory_space<vmem>>) target_semaphore(%run_scoped3A_108 : memref<!tpu.dma_semaphore, #tpu.memory_space<semaphore_mem>>)
        %dma_wait3A_115 = arith.constant 0 : i32
        %dma_wait3A_116 = tpu.memref_slice %arg4[%add3A, %mul3A_21, %dma_wait3A_115] : memref<32x80x128xi32, #tpu.memory_space<hbm>> -> memref<1x40x128xi32, #tpu.memory_space<hbm>>
        %dma_wait3A_117 = tpu.memref_squeeze %dma_wait3A_116 : memref<1x40x128xi32, #tpu.memory_space<hbm>> -> memref<40x128xi32, #tpu.memory_space<hbm>>
        %dma_wait3A_118 = arith.constant 0 : i32
        %dma_wait3A_119 = tpu.memref_slice %arg4[%add3A, %mul3A_21, %dma_wait3A_118] : memref<32x80x128xi32, #tpu.memory_space<hbm>> -> memref<1x40x128xi32, #tpu.memory_space<hbm>>
        %dma_wait3A_120 = tpu.memref_squeeze %dma_wait3A_119 : memref<1x40x128xi32, #tpu.memory_space<hbm>> -> memref<40x128xi32, #tpu.memory_space<hbm>>
        tpu.wait_dma2 semaphore(%run_scoped3A_108 : memref<!tpu.dma_semaphore, #tpu.memory_space<semaphore_mem>>) src(%dma_wait3A_120 : memref<40x128xi32, #tpu.memory_space<hbm>>) dst(%arg8 : memref<40x128xi32, #tpu.memory_space<vmem>>)
        tpu.yield
      }) : () -> ()
      %dma_start3A = arith.constant 0 : i32
      %dma_start3A_22 = arith.constant 0 : i32
      %dma_start3A_23 = arith.constant 0 : i32
      %dma_start3A_24 = tpu.memref_slice %arg9[%dma_start3A_22, %dma_start3A_23] : memref<512x128xbf16, #tpu.memory_space<vmem>> -> memref<128x128xbf16, #tpu.memory_space<vmem>>
      %dma_start3A_25 = arith.constant 0 : i32
      %dma_start3A_26 = tpu.memref_slice %arg7[%dma_start3A, %dma_start3A_25] : memref<40x128xi32, #tpu.memory_space<vmem>> -> memref<1x128xi32, #tpu.memory_space<vmem>>
      %dma_start3A_27 = tpu.memref_squeeze %dma_start3A_26 : memref<1x128xi32, #tpu.memory_space<vmem>> -> memref<128xi32, #tpu.memory_space<vmem>>
      %dma_start3A_28 = arith.constant 0 : i32
      %dma_start3A_29 = arith.constant 0 : i32
      %dma_start3A_30 = tpu.memref_slice %arg10[%dma_start3A_28, %dma_start3A_29] : memref<10112x128xbf16, #tpu.memory_space<vmem_shared>> -> memref<10112x128xbf16, #tpu.memory_space<vmem_shared>>
      tpu.enqueue_indirect_dma source(%dma_start3A_30 : memref<10112x128xbf16, #tpu.memory_space<vmem_shared>>) target(%dma_start3A_24 : memref<128x128xbf16, #tpu.memory_space<vmem>>) offsets(%dma_start3A_27 : memref<128xi32, #tpu.memory_space<vmem>>) semaphore(%arg12 : memref<!tpu.dma_semaphore, #tpu.memory_space<semaphore_mem>>)
      %dma_start3A_31 = arith.constant 1 : i32
      %dma_start3A_32 = arith.constant 128 : i32
      %dma_start3A_33 = arith.constant 0 : i32
      %dma_start3A_34 = tpu.memref_slice %arg9[%dma_start3A_32, %dma_start3A_33] : memref<512x128xbf16, #tpu.memory_space<vmem>> -> memref<128x128xbf16, #tpu.memory_space<vmem>>
      %dma_start3A_35 = arith.constant 0 : i32
      %dma_start3A_36 = tpu.memref_slice %arg7[%dma_start3A_31, %dma_start3A_35] : memref<40x128xi32, #tpu.memory_space<vmem>> -> memref<1x128xi32, #tpu.memory_space<vmem>>
      %dma_start3A_37 = tpu.memref_squeeze %dma_start3A_36 : memref<1x128xi32, #tpu.memory_space<vmem>> -> memref<128xi32, #tpu.memory_space<vmem>>
      %dma_start3A_38 = arith.constant 0 : i32
      %dma_start3A_39 = arith.constant 0 : i32
      %dma_start3A_40 = tpu.memref_slice %arg10[%dma_start3A_38, %dma_start3A_39] : memref<10112x128xbf16, #tpu.memory_space<vmem_shared>> -> memref<10112x128xbf16, #tpu.memory_space<vmem_shared>>
      tpu.enqueue_indirect_dma source(%dma_start3A_40 : memref<10112x128xbf16, #tpu.memory_space<vmem_shared>>) target(%dma_start3A_34 : memref<128x128xbf16, #tpu.memory_space<vmem>>) offsets(%dma_start3A_37 : memref<128xi32, #tpu.memory_space<vmem>>) semaphore(%arg13 : memref<!tpu.dma_semaphore, #tpu.memory_space<semaphore_mem>>)
      %dma_start3A_41 = arith.constant 2 : i32
      %dma_start3A_42 = arith.constant 256 : i32
      %dma_start3A_43 = arith.constant 0 : i32
      %dma_start3A_44 = tpu.memref_slice %arg9[%dma_start3A_42, %dma_start3A_43] : memref<512x128xbf16, #tpu.memory_space<vmem>> -> memref<128x128xbf16, #tpu.memory_space<vmem>>
      %dma_start3A_45 = arith.constant 0 : i32
      %dma_start3A_46 = tpu.memref_slice %arg7[%dma_start3A_41, %dma_start3A_45] : memref<40x128xi32, #tpu.memory_space<vmem>> -> memref<1x128xi32, #tpu.memory_space<vmem>>
      %dma_start3A_47 = tpu.memref_squeeze %dma_start3A_46 : memref<1x128xi32, #tpu.memory_space<vmem>> -> memref<128xi32, #tpu.memory_space<vmem>>
      %dma_start3A_48 = arith.constant 0 : i32
      %dma_start3A_49 = arith.constant 0 : i32
      %dma_start3A_50 = tpu.memref_slice %arg10[%dma_start3A_48, %dma_start3A_49] : memref<10112x128xbf16, #tpu.memory_space<vmem_shared>> -> memref<10112x128xbf16, #tpu.memory_space<vmem_shared>>
      tpu.enqueue_indirect_dma source(%dma_start3A_50 : memref<10112x128xbf16, #tpu.memory_space<vmem_shared>>) target(%dma_start3A_44 : memref<128x128xbf16, #tpu.memory_space<vmem>>) offsets(%dma_start3A_47 : memref<128xi32, #tpu.memory_space<vmem>>) semaphore(%arg14 : memref<!tpu.dma_semaphore, #tpu.memory_space<semaphore_mem>>)
      %dma_start3A_51 = arith.constant 3 : i32
      %dma_start3A_52 = arith.constant 384 : i32
      %dma_start3A_53 = arith.constant 0 : i32
      %dma_start3A_54 = tpu.memref_slice %arg9[%dma_start3A_52, %dma_start3A_53] : memref<512x128xbf16, #tpu.memory_space<vmem>> -> memref<128x128xbf16, #tpu.memory_space<vmem>>
      %dma_start3A_55 = arith.constant 0 : i32
      %dma_start3A_56 = tpu.memref_slice %arg7[%dma_start3A_51, %dma_start3A_55] : memref<40x128xi32, #tpu.memory_space<vmem>> -> memref<1x128xi32, #tpu.memory_space<vmem>>
      %dma_start3A_57 = tpu.memref_squeeze %dma_start3A_56 : memref<1x128xi32, #tpu.memory_space<vmem>> -> memref<128xi32, #tpu.memory_space<vmem>>
      %dma_start3A_58 = arith.constant 0 : i32
      %dma_start3A_59 = arith.constant 0 : i32
      %dma_start3A_60 = tpu.memref_slice %arg10[%dma_start3A_58, %dma_start3A_59] : memref<10112x128xbf16, #tpu.memory_space<vmem_shared>> -> memref<10112x128xbf16, #tpu.memory_space<vmem_shared>>
      tpu.enqueue_indirect_dma source(%dma_start3A_60 : memref<10112x128xbf16, #tpu.memory_space<vmem_shared>>) target(%dma_start3A_54 : memref<128x128xbf16, #tpu.memory_space<vmem>>) offsets(%dma_start3A_57 : memref<128xi32, #tpu.memory_space<vmem>>) semaphore(%arg15 : memref<!tpu.dma_semaphore, #tpu.memory_space<semaphore_mem>>)
      %scan3A_61 = arith.constant 0 : i32
      %scan3A_62 = arith.constant 9 : i32
      %scan3A_63 = arith.addi %scan3A_61, %scan3A_62 : i32
      %scan3A_64 = arith.constant 1 : i32
      scf.for %scan3A_108 = %scan3A_61 to %scan3A_63 step %scan3A_64  : i32 {
        %mul3A_109 = arith.constant 4 : i32
        %mul3A_110 = arith.muli %mul3A_109, %scan3A_108 : i32
        %add3A_111 = arith.constant 0 : i32
        %add3A_112 = arith.addi %mul3A_110, %add3A_111 : i32
        %dma_wait3A_113 = arith.constant 0 : i32
        %dma_wait3A_114 = arith.constant 0 : i32
        %dma_wait3A_115 = arith.constant 0 : i32
        %dma_wait3A_116 = tpu.memref_slice %arg9[%dma_wait3A_114, %dma_wait3A_115] : memref<512x128xbf16, #tpu.memory_space<vmem>> -> memref<128x128xbf16, #tpu.memory_space<vmem>>
        %dma_wait3A_117 = arith.constant 0 : i32
        %dma_wait3A_118 = tpu.memref_slice %arg7[%dma_wait3A_113, %dma_wait3A_117] : memref<40x128xi32, #tpu.memory_space<vmem>> -> memref<1x128xi32, #tpu.memory_space<vmem>>
        %dma_wait3A_119 = tpu.memref_squeeze %dma_wait3A_118 : memref<1x128xi32, #tpu.memory_space<vmem>> -> memref<128xi32, #tpu.memory_space<vmem>>
        %dma_wait3A_120 = arith.constant 0 : i32
        %dma_wait3A_121 = arith.constant 0 : i32
        %dma_wait3A_122 = tpu.memref_slice %arg10[%dma_wait3A_120, %dma_wait3A_121] : memref<10112x128xbf16, #tpu.memory_space<vmem_shared>> -> memref<10112x128xbf16, #tpu.memory_space<vmem_shared>>
        tpu.wait_indirect_dma semaphore(%arg12 : memref<!tpu.dma_semaphore, #tpu.memory_space<semaphore_mem>>) src(%dma_wait3A_122 : memref<10112x128xbf16, #tpu.memory_space<vmem_shared>>) dst(%dma_wait3A_116 : memref<128x128xbf16, #tpu.memory_space<vmem>>)
        "tpu.region"() ({
          %run_scoped3A_209 = tpu.sem_alloc : memref<!tpu.dma_semaphore, #tpu.memory_space<semaphore_mem>>
          %dma_start3A_210 = arith.constant 0 : i32
          %dma_start3A_211 = arith.constant 0 : i32
          %dma_start3A_212 = tpu.memref_slice %arg9[%dma_start3A_210, %dma_start3A_211] : memref<512x128xbf16, #tpu.memory_space<vmem>> -> memref<128x128xbf16, #tpu.memory_space<vmem>>
          %dma_start3A_213 = arith.constant 0 : i32
          %dma_start3A_214 = tpu.memref_slice %arg8[%add3A_112, %dma_start3A_213] : memref<40x128xi32, #tpu.memory_space<vmem>> -> memref<1x128xi32, #tpu.memory_space<vmem>>
          %dma_start3A_215 = tpu.memref_squeeze %dma_start3A_214 : memref<1x128xi32, #tpu.memory_space<vmem>> -> memref<128xi32, #tpu.memory_space<vmem>>
          %dma_start3A_216 = arith.constant 0 : i32
          %dma_start3A_217 = arith.constant 0 : i32
          %dma_start3A_218 = tpu.memref_slice %arg11[%dma_start3A_216, %dma_start3A_217] : memref<10112x128xbf16, #tpu.memory_space<vmem_shared>> -> memref<10112x128xbf16, #tpu.memory_space<vmem_shared>>
          tpu.enqueue_indirect_dma source(%dma_start3A_212 : memref<128x128xbf16, #tpu.memory_space<vmem>>) target(%dma_start3A_218 : memref<10112x128xbf16, #tpu.memory_space<vmem_shared>>) offsets(%dma_start3A_215 : memref<128xi32, #tpu.memory_space<vmem>>) semaphore(%run_scoped3A_209 : memref<!tpu.dma_semaphore, #tpu.memory_space<semaphore_mem>>) {add = true}
          %dma_wait3A_219 = arith.constant 0 : i32
          %dma_wait3A_220 = arith.constant 0 : i32
          %dma_wait3A_221 = tpu.memref_slice %arg9[%dma_wait3A_219, %dma_wait3A_220] : memref<512x128xbf16, #tpu.memory_space<vmem>> -> memref<128x128xbf16, #tpu.memory_space<vmem>>
          %dma_wait3A_222 = arith.constant 0 : i32
          %dma_wait3A_223 = tpu.memref_slice %arg8[%add3A_112, %dma_wait3A_222] : memref<40x128xi32, #tpu.memory_space<vmem>> -> memref<1x128xi32, #tpu.memory_space<vmem>>
          %dma_wait3A_224 = tpu.memref_squeeze %dma_wait3A_223 : memref<1x128xi32, #tpu.memory_space<vmem>> -> memref<128xi32, #tpu.memory_space<vmem>>
          %dma_wait3A_225 = arith.constant 0 : i32
          %dma_wait3A_226 = arith.constant 0 : i32
          %dma_wait3A_227 = tpu.memref_slice %arg11[%dma_wait3A_225, %dma_wait3A_226] : memref<10112x128xbf16, #tpu.memory_space<vmem_shared>> -> memref<10112x128xbf16, #tpu.memory_space<vmem_shared>>
          tpu.wait_indirect_dma semaphore(%run_scoped3A_209 : memref<!tpu.dma_semaphore, #tpu.memory_space<semaphore_mem>>) src(%dma_wait3A_221 : memref<128x128xbf16, #tpu.memory_space<vmem>>) dst(%dma_wait3A_227 : memref<10112x128xbf16, #tpu.memory_space<vmem_shared>>)
          tpu.yield
        }) : () -> ()
        %add3A_123 = arith.constant 4 : i32
        %add3A_124 = arith.addi %add3A_112, %add3A_123 : i32
        %dma_start3A_125 = arith.constant 0 : i32
        %dma_start3A_126 = arith.constant 0 : i32
        %dma_start3A_127 = tpu.memref_slice %arg9[%dma_start3A_125, %dma_start3A_126] : memref<512x128xbf16, #tpu.memory_space<vmem>> -> memref<128x128xbf16, #tpu.memory_space<vmem>>
        %dma_start3A_128 = arith.constant 0 : i32
        %dma_start3A_129 = tpu.memref_slice %arg7[%add3A_124, %dma_start3A_128] : memref<40x128xi32, #tpu.memory_space<vmem>> -> memref<1x128xi32, #tpu.memory_space<vmem>>
        %dma_start3A_130 = tpu.memref_squeeze %dma_start3A_129 : memref<1x128xi32, #tpu.memory_space<vmem>> -> memref<128xi32, #tpu.memory_space<vmem>>
        %dma_start3A_131 = arith.constant 0 : i32
        %dma_start3A_132 = arith.constant 0 : i32
        %dma_start3A_133 = tpu.memref_slice %arg10[%dma_start3A_131, %dma_start3A_132] : memref<10112x128xbf16, #tpu.memory_space<vmem_shared>> -> memref<10112x128xbf16, #tpu.memory_space<vmem_shared>>
        tpu.enqueue_indirect_dma source(%dma_start3A_133 : memref<10112x128xbf16, #tpu.memory_space<vmem_shared>>) target(%dma_start3A_127 : memref<128x128xbf16, #tpu.memory_space<vmem>>) offsets(%dma_start3A_130 : memref<128xi32, #tpu.memory_space<vmem>>) semaphore(%arg12 : memref<!tpu.dma_semaphore, #tpu.memory_space<semaphore_mem>>)
        %mul3A_134 = arith.constant 4 : i32
        %mul3A_135 = arith.muli %mul3A_134, %scan3A_108 : i32
        %add3A_136 = arith.constant 1 : i32
        %add3A_137 = arith.addi %mul3A_135, %add3A_136 : i32
        %dma_wait3A_138 = arith.constant 0 : i32
        %dma_wait3A_139 = arith.constant 128 : i32
        %dma_wait3A_140 = arith.constant 0 : i32
        %dma_wait3A_141 = tpu.memref_slice %arg9[%dma_wait3A_139, %dma_wait3A_140] : memref<512x128xbf16, #tpu.memory_space<vmem>> -> memref<128x128xbf16, #tpu.memory_space<vmem>>
        %dma_wait3A_142 = arith.constant 0 : i32
        %dma_wait3A_143 = tpu.memref_slice %arg7[%dma_wait3A_138, %dma_wait3A_142] : memref<40x128xi32, #tpu.memory_space<vmem>> -> memref<1x128xi32, #tpu.memory_space<vmem>>
        %dma_wait3A_144 = tpu.memref_squeeze %dma_wait3A_143 : memref<1x128xi32, #tpu.memory_space<vmem>> -> memref<128xi32, #tpu.memory_space<vmem>>
        %dma_wait3A_145 = arith.constant 0 : i32
        %dma_wait3A_146 = arith.constant 0 : i32
        %dma_wait3A_147 = tpu.memref_slice %arg10[%dma_wait3A_145, %dma_wait3A_146] : memref<10112x128xbf16, #tpu.memory_space<vmem_shared>> -> memref<10112x128xbf16, #tpu.memory_space<vmem_shared>>
        tpu.wait_indirect_dma semaphore(%arg13 : memref<!tpu.dma_semaphore, #tpu.memory_space<semaphore_mem>>) src(%dma_wait3A_147 : memref<10112x128xbf16, #tpu.memory_space<vmem_shared>>) dst(%dma_wait3A_141 : memref<128x128xbf16, #tpu.memory_space<vmem>>)
        "tpu.region"() ({
          %run_scoped3A_209 = tpu.sem_alloc : memref<!tpu.dma_semaphore, #tpu.memory_space<semaphore_mem>>
          %dma_start3A_210 = arith.constant 128 : i32
          %dma_start3A_211 = arith.constant 0 : i32
          %dma_start3A_212 = tpu.memref_slice %arg9[%dma_start3A_210, %dma_start3A_211] : memref<512x128xbf16, #tpu.memory_space<vmem>> -> memref<128x128xbf16, #tpu.memory_space<vmem>>
          %dma_start3A_213 = arith.constant 0 : i32
          %dma_start3A_214 = tpu.memref_slice %arg8[%add3A_137, %dma_start3A_213] : memref<40x128xi32, #tpu.memory_space<vmem>> -> memref<1x128xi32, #tpu.memory_space<vmem>>
          %dma_start3A_215 = tpu.memref_squeeze %dma_start3A_214 : memref<1x128xi32, #tpu.memory_space<vmem>> -> memref<128xi32, #tpu.memory_space<vmem>>
          %dma_start3A_216 = arith.constant 0 : i32
          %dma_start3A_217 = arith.constant 0 : i32
          %dma_start3A_218 = tpu.memref_slice %arg11[%dma_start3A_216, %dma_start3A_217] : memref<10112x128xbf16, #tpu.memory_space<vmem_shared>> -> memref<10112x128xbf16, #tpu.memory_space<vmem_shared>>
          tpu.enqueue_indirect_dma source(%dma_start3A_212 : memref<128x128xbf16, #tpu.memory_space<vmem>>) target(%dma_start3A_218 : memref<10112x128xbf16, #tpu.memory_space<vmem_shared>>) offsets(%dma_start3A_215 : memref<128xi32, #tpu.memory_space<vmem>>) semaphore(%run_scoped3A_209 : memref<!tpu.dma_semaphore, #tpu.memory_space<semaphore_mem>>) {add = true}
          %dma_wait3A_219 = arith.constant 128 : i32
          %dma_wait3A_220 = arith.constant 0 : i32
          %dma_wait3A_221 = tpu.memref_slice %arg9[%dma_wait3A_219, %dma_wait3A_220] : memref<512x128xbf16, #tpu.memory_space<vmem>> -> memref<128x128xbf16, #tpu.memory_space<vmem>>
          %dma_wait3A_222 = arith.constant 0 : i32
          %dma_wait3A_223 = tpu.memref_slice %arg8[%add3A_137, %dma_wait3A_222] : memref<40x128xi32, #tpu.memory_space<vmem>> -> memref<1x128xi32, #tpu.memory_space<vmem>>
          %dma_wait3A_224 = tpu.memref_squeeze %dma_wait3A_223 : memref<1x128xi32, #tpu.memory_space<vmem>> -> memref<128xi32, #tpu.memory_space<vmem>>
          %dma_wait3A_225 = arith.constant 0 : i32
          %dma_wait3A_226 = arith.constant 0 : i32
          %dma_wait3A_227 = tpu.memref_slice %arg11[%dma_wait3A_225, %dma_wait3A_226] : memref<10112x128xbf16, #tpu.memory_space<vmem_shared>> -> memref<10112x128xbf16, #tpu.memory_space<vmem_shared>>
          tpu.wait_indirect_dma semaphore(%run_scoped3A_209 : memref<!tpu.dma_semaphore, #tpu.memory_space<semaphore_mem>>) src(%dma_wait3A_221 : memref<128x128xbf16, #tpu.memory_space<vmem>>) dst(%dma_wait3A_227 : memref<10112x128xbf16, #tpu.memory_space<vmem_shared>>)
          tpu.yield
        }) : () -> ()
        %add3A_148 = arith.constant 4 : i32
        %add3A_149 = arith.addi %add3A_137, %add3A_148 : i32
        %dma_start3A_150 = arith.constant 128 : i32
        %dma_start3A_151 = arith.constant 0 : i32
        %dma_start3A_152 = tpu.memref_slice %arg9[%dma_start3A_150, %dma_start3A_151] : memref<512x128xbf16, #tpu.memory_space<vmem>> -> memref<128x128xbf16, #tpu.memory_space<vmem>>
        %dma_start3A_153 = arith.constant 0 : i32
        %dma_start3A_154 = tpu.memref_slice %arg7[%add3A_149, %dma_start3A_153] : memref<40x128xi32, #tpu.memory_space<vmem>> -> memref<1x128xi32, #tpu.memory_space<vmem>>
        %dma_start3A_155 = tpu.memref_squeeze %dma_start3A_154 : memref<1x128xi32, #tpu.memory_space<vmem>> -> memref<128xi32, #tpu.memory_space<vmem>>
        %dma_start3A_156 = arith.constant 0 : i32
        %dma_start3A_157 = arith.constant 0 : i32
        %dma_start3A_158 = tpu.memref_slice %arg10[%dma_start3A_156, %dma_start3A_157] : memref<10112x128xbf16, #tpu.memory_space<vmem_shared>> -> memref<10112x128xbf16, #tpu.memory_space<vmem_shared>>
        tpu.enqueue_indirect_dma source(%dma_start3A_158 : memref<10112x128xbf16, #tpu.memory_space<vmem_shared>>) target(%dma_start3A_152 : memref<128x128xbf16, #tpu.memory_space<vmem>>) offsets(%dma_start3A_155 : memref<128xi32, #tpu.memory_space<vmem>>) semaphore(%arg13 : memref<!tpu.dma_semaphore, #tpu.memory_space<semaphore_mem>>)
        %mul3A_159 = arith.constant 4 : i32
        %mul3A_160 = arith.muli %mul3A_159, %scan3A_108 : i32
        %add3A_161 = arith.constant 2 : i32
        %add3A_162 = arith.addi %mul3A_160, %add3A_161 : i32
        %dma_wait3A_163 = arith.constant 0 : i32
        %dma_wait3A_164 = arith.constant 256 : i32
        %dma_wait3A_165 = arith.constant 0 : i32
        %dma_wait3A_166 = tpu.memref_slice %arg9[%dma_wait3A_164, %dma_wait3A_165] : memref<512x128xbf16, #tpu.memory_space<vmem>> -> memref<128x128xbf16, #tpu.memory_space<vmem>>
        %dma_wait3A_167 = arith.constant 0 : i32
        %dma_wait3A_168 = tpu.memref_slice %arg7[%dma_wait3A_163, %dma_wait3A_167] : memref<40x128xi32, #tpu.memory_space<vmem>> -> memref<1x128xi32, #tpu.memory_space<vmem>>
        %dma_wait3A_169 = tpu.memref_squeeze %dma_wait3A_168 : memref<1x128xi32, #tpu.memory_space<vmem>> -> memref<128xi32, #tpu.memory_space<vmem>>
        %dma_wait3A_170 = arith.constant 0 : i32
        %dma_wait3A_171 = arith.constant 0 : i32
        %dma_wait3A_172 = tpu.memref_slice %arg10[%dma_wait3A_170, %dma_wait3A_171] : memref<10112x128xbf16, #tpu.memory_space<vmem_shared>> -> memref<10112x128xbf16, #tpu.memory_space<vmem_shared>>
        tpu.wait_indirect_dma semaphore(%arg14 : memref<!tpu.dma_semaphore, #tpu.memory_space<semaphore_mem>>) src(%dma_wait3A_172 : memref<10112x128xbf16, #tpu.memory_space<vmem_shared>>) dst(%dma_wait3A_166 : memref<128x128xbf16, #tpu.memory_space<vmem>>)
        "tpu.region"() ({
          %run_scoped3A_209 = tpu.sem_alloc : memref<!tpu.dma_semaphore, #tpu.memory_space<semaphore_mem>>
          %dma_start3A_210 = arith.constant 256 : i32
          %dma_start3A_211 = arith.constant 0 : i32
          %dma_start3A_212 = tpu.memref_slice %arg9[%dma_start3A_210, %dma_start3A_211] : memref<512x128xbf16, #tpu.memory_space<vmem>> -> memref<128x128xbf16, #tpu.memory_space<vmem>>
          %dma_start3A_213 = arith.constant 0 : i32
          %dma_start3A_214 = tpu.memref_slice %arg8[%add3A_162, %dma_start3A_213] : memref<40x128xi32, #tpu.memory_space<vmem>> -> memref<1x128xi32, #tpu.memory_space<vmem>>
          %dma_start3A_215 = tpu.memref_squeeze %dma_start3A_214 : memref<1x128xi32, #tpu.memory_space<vmem>> -> memref<128xi32, #tpu.memory_space<vmem>>
          %dma_start3A_216 = arith.constant 0 : i32
          %dma_start3A_217 = arith.constant 0 : i32
          %dma_start3A_218 = tpu.memref_slice %arg11[%dma_start3A_216, %dma_start3A_217] : memref<10112x128xbf16, #tpu.memory_space<vmem_shared>> -> memref<10112x128xbf16, #tpu.memory_space<vmem_shared>>
          tpu.enqueue_indirect_dma source(%dma_start3A_212 : memref<128x128xbf16, #tpu.memory_space<vmem>>) target(%dma_start3A_218 : memref<10112x128xbf16, #tpu.memory_space<vmem_shared>>) offsets(%dma_start3A_215 : memref<128xi32, #tpu.memory_space<vmem>>) semaphore(%run_scoped3A_209 : memref<!tpu.dma_semaphore, #tpu.memory_space<semaphore_mem>>) {add = true}
          %dma_wait3A_219 = arith.constant 256 : i32
          %dma_wait3A_220 = arith.constant 0 : i32
          %dma_wait3A_221 = tpu.memref_slice %arg9[%dma_wait3A_219, %dma_wait3A_220] : memref<512x128xbf16, #tpu.memory_space<vmem>> -> memref<128x128xbf16, #tpu.memory_space<vmem>>
          %dma_wait3A_222 = arith.constant 0 : i32
          %dma_wait3A_223 = tpu.memref_slice %arg8[%add3A_162, %dma_wait3A_222] : memref<40x128xi32, #tpu.memory_space<vmem>> -> memref<1x128xi32, #tpu.memory_space<vmem>>
          %dma_wait3A_224 = tpu.memref_squeeze %dma_wait3A_223 : memref<1x128xi32, #tpu.memory_space<vmem>> -> memref<128xi32, #tpu.memory_space<vmem>>
          %dma_wait3A_225 = arith.constant 0 : i32
          %dma_wait3A_226 = arith.constant 0 : i32
          %dma_wait3A_227 = tpu.memref_slice %arg11[%dma_wait3A_225, %dma_wait3A_226] : memref<10112x128xbf16, #tpu.memory_space<vmem_shared>> -> memref<10112x128xbf16, #tpu.memory_space<vmem_shared>>
          tpu.wait_indirect_dma semaphore(%run_scoped3A_209 : memref<!tpu.dma_semaphore, #tpu.memory_space<semaphore_mem>>) src(%dma_wait3A_221 : memref<128x128xbf16, #tpu.memory_space<vmem>>) dst(%dma_wait3A_227 : memref<10112x128xbf16, #tpu.memory_space<vmem_shared>>)
          tpu.yield
        }) : () -> ()
        %add3A_173 = arith.constant 4 : i32
        %add3A_174 = arith.addi %add3A_162, %add3A_173 : i32
        %dma_start3A_175 = arith.constant 256 : i32
        %dma_start3A_176 = arith.constant 0 : i32
        %dma_start3A_177 = tpu.memref_slice %arg9[%dma_start3A_175, %dma_start3A_176] : memref<512x128xbf16, #tpu.memory_space<vmem>> -> memref<128x128xbf16, #tpu.memory_space<vmem>>
        %dma_start3A_178 = arith.constant 0 : i32
        %dma_start3A_179 = tpu.memref_slice %arg7[%add3A_174, %dma_start3A_178] : memref<40x128xi32, #tpu.memory_space<vmem>> -> memref<1x128xi32, #tpu.memory_space<vmem>>
        %dma_start3A_180 = tpu.memref_squeeze %dma_start3A_179 : memref<1x128xi32, #tpu.memory_space<vmem>> -> memref<128xi32, #tpu.memory_space<vmem>>
        %dma_start3A_181 = arith.constant 0 : i32
        %dma_start3A_182 = arith.constant 0 : i32
        %dma_start3A_183 = tpu.memref_slice %arg10[%dma_start3A_181, %dma_start3A_182] : memref<10112x128xbf16, #tpu.memory_space<vmem_shared>> -> memref<10112x128xbf16, #tpu.memory_space<vmem_shared>>
        tpu.enqueue_indirect_dma source(%dma_start3A_183 : memref<10112x128xbf16, #tpu.memory_space<vmem_shared>>) target(%dma_start3A_177 : memref<128x128xbf16, #tpu.memory_space<vmem>>) offsets(%dma_start3A_180 : memref<128xi32, #tpu.memory_space<vmem>>) semaphore(%arg14 : memref<!tpu.dma_semaphore, #tpu.memory_space<semaphore_mem>>)
        %mul3A_184 = arith.constant 4 : i32
        %mul3A_185 = arith.muli %mul3A_184, %scan3A_108 : i32
        %add3A_186 = arith.constant 3 : i32
        %add3A_187 = arith.addi %mul3A_185, %add3A_186 : i32
        %dma_wait3A_188 = arith.constant 0 : i32
        %dma_wait3A_189 = arith.constant 384 : i32
        %dma_wait3A_190 = arith.constant 0 : i32
        %dma_wait3A_191 = tpu.memref_slice %arg9[%dma_wait3A_189, %dma_wait3A_190] : memref<512x128xbf16, #tpu.memory_space<vmem>> -> memref<128x128xbf16, #tpu.memory_space<vmem>>
        %dma_wait3A_192 = arith.constant 0 : i32
        %dma_wait3A_193 = tpu.memref_slice %arg7[%dma_wait3A_188, %dma_wait3A_192] : memref<40x128xi32, #tpu.memory_space<vmem>> -> memref<1x128xi32, #tpu.memory_space<vmem>>
        %dma_wait3A_194 = tpu.memref_squeeze %dma_wait3A_193 : memref<1x128xi32, #tpu.memory_space<vmem>> -> memref<128xi32, #tpu.memory_space<vmem>>
        %dma_wait3A_195 = arith.constant 0 : i32
        %dma_wait3A_196 = arith.constant 0 : i32
        %dma_wait3A_197 = tpu.memref_slice %arg10[%dma_wait3A_195, %dma_wait3A_196] : memref<10112x128xbf16, #tpu.memory_space<vmem_shared>> -> memref<10112x128xbf16, #tpu.memory_space<vmem_shared>>
        tpu.wait_indirect_dma semaphore(%arg15 : memref<!tpu.dma_semaphore, #tpu.memory_space<semaphore_mem>>) src(%dma_wait3A_197 : memref<10112x128xbf16, #tpu.memory_space<vmem_shared>>) dst(%dma_wait3A_191 : memref<128x128xbf16, #tpu.memory_space<vmem>>)
        "tpu.region"() ({
          %run_scoped3A_209 = tpu.sem_alloc : memref<!tpu.dma_semaphore, #tpu.memory_space<semaphore_mem>>
          %dma_start3A_210 = arith.constant 384 : i32
          %dma_start3A_211 = arith.constant 0 : i32
          %dma_start3A_212 = tpu.memref_slice %arg9[%dma_start3A_210, %dma_start3A_211] : memref<512x128xbf16, #tpu.memory_space<vmem>> -> memref<128x128xbf16, #tpu.memory_space<vmem>>
          %dma_start3A_213 = arith.constant 0 : i32
          %dma_start3A_214 = tpu.memref_slice %arg8[%add3A_187, %dma_start3A_213] : memref<40x128xi32, #tpu.memory_space<vmem>> -> memref<1x128xi32, #tpu.memory_space<vmem>>
          %dma_start3A_215 = tpu.memref_squeeze %dma_start3A_214 : memref<1x128xi32, #tpu.memory_space<vmem>> -> memref<128xi32, #tpu.memory_space<vmem>>
          %dma_start3A_216 = arith.constant 0 : i32
          %dma_start3A_217 = arith.constant 0 : i32
          %dma_start3A_218 = tpu.memref_slice %arg11[%dma_start3A_216, %dma_start3A_217] : memref<10112x128xbf16, #tpu.memory_space<vmem_shared>> -> memref<10112x128xbf16, #tpu.memory_space<vmem_shared>>
          tpu.enqueue_indirect_dma source(%dma_start3A_212 : memref<128x128xbf16, #tpu.memory_space<vmem>>) target(%dma_start3A_218 : memref<10112x128xbf16, #tpu.memory_space<vmem_shared>>) offsets(%dma_start3A_215 : memref<128xi32, #tpu.memory_space<vmem>>) semaphore(%run_scoped3A_209 : memref<!tpu.dma_semaphore, #tpu.memory_space<semaphore_mem>>) {add = true}
          %dma_wait3A_219 = arith.constant 384 : i32
          %dma_wait3A_220 = arith.constant 0 : i32
          %dma_wait3A_221 = tpu.memref_slice %arg9[%dma_wait3A_219, %dma_wait3A_220] : memref<512x128xbf16, #tpu.memory_space<vmem>> -> memref<128x128xbf16, #tpu.memory_space<vmem>>
          %dma_wait3A_222 = arith.constant 0 : i32
          %dma_wait3A_223 = tpu.memref_slice %arg8[%add3A_187, %dma_wait3A_222] : memref<40x128xi32, #tpu.memory_space<vmem>> -> memref<1x128xi32, #tpu.memory_space<vmem>>
          %dma_wait3A_224 = tpu.memref_squeeze %dma_wait3A_223 : memref<1x128xi32, #tpu.memory_space<vmem>> -> memref<128xi32, #tpu.memory_space<vmem>>
          %dma_wait3A_225 = arith.constant 0 : i32
          %dma_wait3A_226 = arith.constant 0 : i32
          %dma_wait3A_227 = tpu.memref_slice %arg11[%dma_wait3A_225, %dma_wait3A_226] : memref<10112x128xbf16, #tpu.memory_space<vmem_shared>> -> memref<10112x128xbf16, #tpu.memory_space<vmem_shared>>
          tpu.wait_indirect_dma semaphore(%run_scoped3A_209 : memref<!tpu.dma_semaphore, #tpu.memory_space<semaphore_mem>>) src(%dma_wait3A_221 : memref<128x128xbf16, #tpu.memory_space<vmem>>) dst(%dma_wait3A_227 : memref<10112x128xbf16, #tpu.memory_space<vmem_shared>>)
          tpu.yield
        }) : () -> ()
        %add3A_198 = arith.constant 4 : i32
        %add3A_199 = arith.addi %add3A_187, %add3A_198 : i32
        %dma_start3A_200 = arith.constant 384 : i32
        %dma_start3A_201 = arith.constant 0 : i32
        %dma_start3A_202 = tpu.memref_slice %arg9[%dma_start3A_200, %dma_start3A_201] : memref<512x128xbf16, #tpu.memory_space<vmem>> -> memref<128x128xbf16, #tpu.memory_space<vmem>>
        %dma_start3A_203 = arith.constant 0 : i32
        %dma_start3A_204 = tpu.memref_slice %arg7[%add3A_199, %dma_start3A_203] : memref<40x128xi32, #tpu.memory_space<vmem>> -> memref<1x128xi32, #tpu.memory_space<vmem>>
        %dma_start3A_205 = tpu.memref_squeeze %dma_start3A_204 : memref<1x128xi32, #tpu.memory_space<vmem>> -> memref<128xi32, #tpu.memory_space<vmem>>
        %dma_start3A_206 = arith.constant 0 : i32
        %dma_start3A_207 = arith.constant 0 : i32
        %dma_start3A_208 = tpu.memref_slice %arg10[%dma_start3A_206, %dma_start3A_207] : memref<10112x128xbf16, #tpu.memory_space<vmem_shared>> -> memref<10112x128xbf16, #tpu.memory_space<vmem_shared>>
        tpu.enqueue_indirect_dma source(%dma_start3A_208 : memref<10112x128xbf16, #tpu.memory_space<vmem_shared>>) target(%dma_start3A_202 : memref<128x128xbf16, #tpu.memory_space<vmem>>) offsets(%dma_start3A_205 : memref<128xi32, #tpu.memory_space<vmem>>) semaphore(%arg15 : memref<!tpu.dma_semaphore, #tpu.memory_space<semaphore_mem>>)
      }
      %scan3A_65 = arith.constant 9 : i32
      %dma_wait3A = arith.constant 0 : i32
      %dma_wait3A_66 = arith.constant 0 : i32
      %dma_wait3A_67 = arith.constant 0 : i32
      %dma_wait3A_68 = tpu.memref_slice %arg9[%dma_wait3A_66, %dma_wait3A_67] : memref<512x128xbf16, #tpu.memory_space<vmem>> -> memref<128x128xbf16, #tpu.memory_space<vmem>>
      %dma_wait3A_69 = arith.constant 0 : i32
      %dma_wait3A_70 = tpu.memref_slice %arg7[%dma_wait3A, %dma_wait3A_69] : memref<40x128xi32, #tpu.memory_space<vmem>> -> memref<1x128xi32, #tpu.memory_space<vmem>>
      %dma_wait3A_71 = tpu.memref_squeeze %dma_wait3A_70 : memref<1x128xi32, #tpu.memory_space<vmem>> -> memref<128xi32, #tpu.memory_space<vmem>>
      %dma_wait3A_72 = arith.constant 0 : i32
      %dma_wait3A_73 = arith.constant 0 : i32
      %dma_wait3A_74 = tpu.memref_slice %arg10[%dma_wait3A_72, %dma_wait3A_73] : memref<10112x128xbf16, #tpu.memory_space<vmem_shared>> -> memref<10112x128xbf16, #tpu.memory_space<vmem_shared>>
      tpu.wait_indirect_dma semaphore(%arg12 : memref<!tpu.dma_semaphore, #tpu.memory_space<semaphore_mem>>) src(%dma_wait3A_74 : memref<10112x128xbf16, #tpu.memory_space<vmem_shared>>) dst(%dma_wait3A_68 : memref<128x128xbf16, #tpu.memory_space<vmem>>)
      %run_scoped3A = arith.constant 36 : i32
      "tpu.region"() ({
        %run_scoped3A_108 = tpu.sem_alloc : memref<!tpu.dma_semaphore, #tpu.memory_space<semaphore_mem>>
        %dma_start3A_109 = arith.constant 0 : i32
        %dma_start3A_110 = arith.constant 0 : i32
        %dma_start3A_111 = tpu.memref_slice %arg9[%dma_start3A_109, %dma_start3A_110] : memref<512x128xbf16, #tpu.memory_space<vmem>> -> memref<128x128xbf16, #tpu.memory_space<vmem>>
        %dma_start3A_112 = arith.constant 0 : i32
        %dma_start3A_113 = tpu.memref_slice %arg8[%run_scoped3A, %dma_start3A_112] : memref<40x128xi32, #tpu.memory_space<vmem>> -> memref<1x128xi32, #tpu.memory_space<vmem>>
        %dma_start3A_114 = tpu.memref_squeeze %dma_start3A_113 : memref<1x128xi32, #tpu.memory_space<vmem>> -> memref<128xi32, #tpu.memory_space<vmem>>
        %dma_start3A_115 = arith.constant 0 : i32
        %dma_start3A_116 = arith.constant 0 : i32
        %dma_start3A_117 = tpu.memref_slice %arg11[%dma_start3A_115, %dma_start3A_116] : memref<10112x128xbf16, #tpu.memory_space<vmem_shared>> -> memref<10112x128xbf16, #tpu.memory_space<vmem_shared>>
        tpu.enqueue_indirect_dma source(%dma_start3A_111 : memref<128x128xbf16, #tpu.memory_space<vmem>>) target(%dma_start3A_117 : memref<10112x128xbf16, #tpu.memory_space<vmem_shared>>) offsets(%dma_start3A_114 : memref<128xi32, #tpu.memory_space<vmem>>) semaphore(%run_scoped3A_108 : memref<!tpu.dma_semaphore, #tpu.memory_space<semaphore_mem>>) {add = true}
        %dma_wait3A_118 = arith.constant 0 : i32
        %dma_wait3A_119 = arith.constant 0 : i32
        %dma_wait3A_120 = tpu.memref_slice %arg9[%dma_wait3A_118, %dma_wait3A_119] : memref<512x128xbf16, #tpu.memory_space<vmem>> -> memref<128x128xbf16, #tpu.memory_space<vmem>>
        %dma_wait3A_121 = arith.constant 0 : i32
        %dma_wait3A_122 = tpu.memref_slice %arg8[%run_scoped3A, %dma_wait3A_121] : memref<40x128xi32, #tpu.memory_space<vmem>> -> memref<1x128xi32, #tpu.memory_space<vmem>>
        %dma_wait3A_123 = tpu.memref_squeeze %dma_wait3A_122 : memref<1x128xi32, #tpu.memory_space<vmem>> -> memref<128xi32, #tpu.memory_space<vmem>>
        %dma_wait3A_124 = arith.constant 0 : i32
        %dma_wait3A_125 = arith.constant 0 : i32
        %dma_wait3A_126 = tpu.memref_slice %arg11[%dma_wait3A_124, %dma_wait3A_125] : memref<10112x128xbf16, #tpu.memory_space<vmem_shared>> -> memref<10112x128xbf16, #tpu.memory_space<vmem_shared>>
        tpu.wait_indirect_dma semaphore(%run_scoped3A_108 : memref<!tpu.dma_semaphore, #tpu.memory_space<semaphore_mem>>) src(%dma_wait3A_120 : memref<128x128xbf16, #tpu.memory_space<vmem>>) dst(%dma_wait3A_126 : memref<10112x128xbf16, #tpu.memory_space<vmem_shared>>)
        tpu.yield
      }) : () -> ()
      %dma_wait3A_75 = arith.constant 0 : i32
      %dma_wait3A_76 = arith.constant 128 : i32
      %dma_wait3A_77 = arith.constant 0 : i32
      %dma_wait3A_78 = tpu.memref_slice %arg9[%dma_wait3A_76, %dma_wait3A_77] : memref<512x128xbf16, #tpu.memory_space<vmem>> -> memref<128x128xbf16, #tpu.memory_space<vmem>>
      %dma_wait3A_79 = arith.constant 0 : i32
      %dma_wait3A_80 = tpu.memref_slice %arg7[%dma_wait3A_75, %dma_wait3A_79] : memref<40x128xi32, #tpu.memory_space<vmem>> -> memref<1x128xi32, #tpu.memory_space<vmem>>
      %dma_wait3A_81 = tpu.memref_squeeze %dma_wait3A_80 : memref<1x128xi32, #tpu.memory_space<vmem>> -> memref<128xi32, #tpu.memory_space<vmem>>
      %dma_wait3A_82 = arith.constant 0 : i32
      %dma_wait3A_83 = arith.constant 0 : i32
      %dma_wait3A_84 = tpu.memref_slice %arg10[%dma_wait3A_82, %dma_wait3A_83] : memref<10112x128xbf16, #tpu.memory_space<vmem_shared>> -> memref<10112x128xbf16, #tpu.memory_space<vmem_shared>>
      tpu.wait_indirect_dma semaphore(%arg13 : memref<!tpu.dma_semaphore, #tpu.memory_space<semaphore_mem>>) src(%dma_wait3A_84 : memref<10112x128xbf16, #tpu.memory_space<vmem_shared>>) dst(%dma_wait3A_78 : memref<128x128xbf16, #tpu.memory_space<vmem>>)
      %run_scoped3A_85 = arith.constant 37 : i32
      "tpu.region"() ({
        %run_scoped3A_108 = tpu.sem_alloc : memref<!tpu.dma_semaphore, #tpu.memory_space<semaphore_mem>>
        %dma_start3A_109 = arith.constant 128 : i32
        %dma_start3A_110 = arith.constant 0 : i32
        %dma_start3A_111 = tpu.memref_slice %arg9[%dma_start3A_109, %dma_start3A_110] : memref<512x128xbf16, #tpu.memory_space<vmem>> -> memref<128x128xbf16, #tpu.memory_space<vmem>>
        %dma_start3A_112 = arith.constant 0 : i32
        %dma_start3A_113 = tpu.memref_slice %arg8[%run_scoped3A_85, %dma_start3A_112] : memref<40x128xi32, #tpu.memory_space<vmem>> -> memref<1x128xi32, #tpu.memory_space<vmem>>
        %dma_start3A_114 = tpu.memref_squeeze %dma_start3A_113 : memref<1x128xi32, #tpu.memory_space<vmem>> -> memref<128xi32, #tpu.memory_space<vmem>>
        %dma_start3A_115 = arith.constant 0 : i32
        %dma_start3A_116 = arith.constant 0 : i32
        %dma_start3A_117 = tpu.memref_slice %arg11[%dma_start3A_115, %dma_start3A_116] : memref<10112x128xbf16, #tpu.memory_space<vmem_shared>> -> memref<10112x128xbf16, #tpu.memory_space<vmem_shared>>
        tpu.enqueue_indirect_dma source(%dma_start3A_111 : memref<128x128xbf16, #tpu.memory_space<vmem>>) target(%dma_start3A_117 : memref<10112x128xbf16, #tpu.memory_space<vmem_shared>>) offsets(%dma_start3A_114 : memref<128xi32, #tpu.memory_space<vmem>>) semaphore(%run_scoped3A_108 : memref<!tpu.dma_semaphore, #tpu.memory_space<semaphore_mem>>) {add = true}
        %dma_wait3A_118 = arith.constant 128 : i32
        %dma_wait3A_119 = arith.constant 0 : i32
        %dma_wait3A_120 = tpu.memref_slice %arg9[%dma_wait3A_118, %dma_wait3A_119] : memref<512x128xbf16, #tpu.memory_space<vmem>> -> memref<128x128xbf16, #tpu.memory_space<vmem>>
        %dma_wait3A_121 = arith.constant 0 : i32
        %dma_wait3A_122 = tpu.memref_slice %arg8[%run_scoped3A_85, %dma_wait3A_121] : memref<40x128xi32, #tpu.memory_space<vmem>> -> memref<1x128xi32, #tpu.memory_space<vmem>>
        %dma_wait3A_123 = tpu.memref_squeeze %dma_wait3A_122 : memref<1x128xi32, #tpu.memory_space<vmem>> -> memref<128xi32, #tpu.memory_space<vmem>>
        %dma_wait3A_124 = arith.constant 0 : i32
        %dma_wait3A_125 = arith.constant 0 : i32
        %dma_wait3A_126 = tpu.memref_slice %arg11[%dma_wait3A_124, %dma_wait3A_125] : memref<10112x128xbf16, #tpu.memory_space<vmem_shared>> -> memref<10112x128xbf16, #tpu.memory_space<vmem_shared>>
        tpu.wait_indirect_dma semaphore(%run_scoped3A_108 : memref<!tpu.dma_semaphore, #tpu.memory_space<semaphore_mem>>) src(%dma_wait3A_120 : memref<128x128xbf16, #tpu.memory_space<vmem>>) dst(%dma_wait3A_126 : memref<10112x128xbf16, #tpu.memory_space<vmem_shared>>)
        tpu.yield
      }) : () -> ()
      %dma_wait3A_86 = arith.constant 0 : i32
      %dma_wait3A_87 = arith.constant 256 : i32
      %dma_wait3A_88 = arith.constant 0 : i32
      %dma_wait3A_89 = tpu.memref_slice %arg9[%dma_wait3A_87, %dma_wait3A_88] : memref<512x128xbf16, #tpu.memory_space<vmem>> -> memref<128x128xbf16, #tpu.memory_space<vmem>>
      %dma_wait3A_90 = arith.constant 0 : i32
      %dma_wait3A_91 = tpu.memref_slice %arg7[%dma_wait3A_86, %dma_wait3A_90] : memref<40x128xi32, #tpu.memory_space<vmem>> -> memref<1x128xi32, #tpu.memory_space<vmem>>
      %dma_wait3A_92 = tpu.memref_squeeze %dma_wait3A_91 : memref<1x128xi32, #tpu.memory_space<vmem>> -> memref<128xi32, #tpu.memory_space<vmem>>
      %dma_wait3A_93 = arith.constant 0 : i32
      %dma_wait3A_94 = arith.constant 0 : i32
      %dma_wait3A_95 = tpu.memref_slice %arg10[%dma_wait3A_93, %dma_wait3A_94] : memref<10112x128xbf16, #tpu.memory_space<vmem_shared>> -> memref<10112x128xbf16, #tpu.memory_space<vmem_shared>>
      tpu.wait_indirect_dma semaphore(%arg14 : memref<!tpu.dma_semaphore, #tpu.memory_space<semaphore_mem>>) src(%dma_wait3A_95 : memref<10112x128xbf16, #tpu.memory_space<vmem_shared>>) dst(%dma_wait3A_89 : memref<128x128xbf16, #tpu.memory_space<vmem>>)
      %run_scoped3A_96 = arith.constant 38 : i32
      "tpu.region"() ({
        %run_scoped3A_108 = tpu.sem_alloc : memref<!tpu.dma_semaphore, #tpu.memory_space<semaphore_mem>>
        %dma_start3A_109 = arith.constant 256 : i32
        %dma_start3A_110 = arith.constant 0 : i32
        %dma_start3A_111 = tpu.memref_slice %arg9[%dma_start3A_109, %dma_start3A_110] : memref<512x128xbf16, #tpu.memory_space<vmem>> -> memref<128x128xbf16, #tpu.memory_space<vmem>>
        %dma_start3A_112 = arith.constant 0 : i32
        %dma_start3A_113 = tpu.memref_slice %arg8[%run_scoped3A_96, %dma_start3A_112] : memref<40x128xi32, #tpu.memory_space<vmem>> -> memref<1x128xi32, #tpu.memory_space<vmem>>
        %dma_start3A_114 = tpu.memref_squeeze %dma_start3A_113 : memref<1x128xi32, #tpu.memory_space<vmem>> -> memref<128xi32, #tpu.memory_space<vmem>>
        %dma_start3A_115 = arith.constant 0 : i32
        %dma_start3A_116 = arith.constant 0 : i32
        %dma_start3A_117 = tpu.memref_slice %arg11[%dma_start3A_115, %dma_start3A_116] : memref<10112x128xbf16, #tpu.memory_space<vmem_shared>> -> memref<10112x128xbf16, #tpu.memory_space<vmem_shared>>
        tpu.enqueue_indirect_dma source(%dma_start3A_111 : memref<128x128xbf16, #tpu.memory_space<vmem>>) target(%dma_start3A_117 : memref<10112x128xbf16, #tpu.memory_space<vmem_shared>>) offsets(%dma_start3A_114 : memref<128xi32, #tpu.memory_space<vmem>>) semaphore(%run_scoped3A_108 : memref<!tpu.dma_semaphore, #tpu.memory_space<semaphore_mem>>) {add = true}
        %dma_wait3A_118 = arith.constant 256 : i32
        %dma_wait3A_119 = arith.constant 0 : i32
        %dma_wait3A_120 = tpu.memref_slice %arg9[%dma_wait3A_118, %dma_wait3A_119] : memref<512x128xbf16, #tpu.memory_space<vmem>> -> memref<128x128xbf16, #tpu.memory_space<vmem>>
        %dma_wait3A_121 = arith.constant 0 : i32
        %dma_wait3A_122 = tpu.memref_slice %arg8[%run_scoped3A_96, %dma_wait3A_121] : memref<40x128xi32, #tpu.memory_space<vmem>> -> memref<1x128xi32, #tpu.memory_space<vmem>>
        %dma_wait3A_123 = tpu.memref_squeeze %dma_wait3A_122 : memref<1x128xi32, #tpu.memory_space<vmem>> -> memref<128xi32, #tpu.memory_space<vmem>>
        %dma_wait3A_124 = arith.constant 0 : i32
        %dma_wait3A_125 = arith.constant 0 : i32
        %dma_wait3A_126 = tpu.memref_slice %arg11[%dma_wait3A_124, %dma_wait3A_125] : memref<10112x128xbf16, #tpu.memory_space<vmem_shared>> -> memref<10112x128xbf16, #tpu.memory_space<vmem_shared>>
        tpu.wait_indirect_dma semaphore(%run_scoped3A_108 : memref<!tpu.dma_semaphore, #tpu.memory_space<semaphore_mem>>) src(%dma_wait3A_120 : memref<128x128xbf16, #tpu.memory_space<vmem>>) dst(%dma_wait3A_126 : memref<10112x128xbf16, #tpu.memory_space<vmem_shared>>)
        tpu.yield
      }) : () -> ()
      %dma_wait3A_97 = arith.constant 0 : i32
      %dma_wait3A_98 = arith.constant 384 : i32
      %dma_wait3A_99 = arith.constant 0 : i32
      %dma_wait3A_100 = tpu.memref_slice %arg9[%dma_wait3A_98, %dma_wait3A_99] : memref<512x128xbf16, #tpu.memory_space<vmem>> -> memref<128x128xbf16, #tpu.memory_space<vmem>>
      %dma_wait3A_101 = arith.constant 0 : i32
      %dma_wait3A_102 = tpu.memref_slice %arg7[%dma_wait3A_97, %dma_wait3A_101] : memref<40x128xi32, #tpu.memory_space<vmem>> -> memref<1x128xi32, #tpu.memory_space<vmem>>
      %dma_wait3A_103 = tpu.memref_squeeze %dma_wait3A_102 : memref<1x128xi32, #tpu.memory_space<vmem>> -> memref<128xi32, #tpu.memory_space<vmem>>
      %dma_wait3A_104 = arith.constant 0 : i32
      %dma_wait3A_105 = arith.constant 0 : i32
      %dma_wait3A_106 = tpu.memref_slice %arg10[%dma_wait3A_104, %dma_wait3A_105] : memref<10112x128xbf16, #tpu.memory_space<vmem_shared>> -> memref<10112x128xbf16, #tpu.memory_space<vmem_shared>>
      tpu.wait_indirect_dma semaphore(%arg15 : memref<!tpu.dma_semaphore, #tpu.memory_space<semaphore_mem>>) src(%dma_wait3A_106 : memref<10112x128xbf16, #tpu.memory_space<vmem_shared>>) dst(%dma_wait3A_100 : memref<128x128xbf16, #tpu.memory_space<vmem>>)
      %run_scoped3A_107 = arith.constant 39 : i32
      "tpu.region"() ({
        %run_scoped3A_108 = tpu.sem_alloc : memref<!tpu.dma_semaphore, #tpu.memory_space<semaphore_mem>>
        %dma_start3A_109 = arith.constant 384 : i32
        %dma_start3A_110 = arith.constant 0 : i32
        %dma_start3A_111 = tpu.memref_slice %arg9[%dma_start3A_109, %dma_start3A_110] : memref<512x128xbf16, #tpu.memory_space<vmem>> -> memref<128x128xbf16, #tpu.memory_space<vmem>>
        %dma_start3A_112 = arith.constant 0 : i32
        %dma_start3A_113 = tpu.memref_slice %arg8[%run_scoped3A_107, %dma_start3A_112] : memref<40x128xi32, #tpu.memory_space<vmem>> -> memref<1x128xi32, #tpu.memory_space<vmem>>
        %dma_start3A_114 = tpu.memref_squeeze %dma_start3A_113 : memref<1x128xi32, #tpu.memory_space<vmem>> -> memref<128xi32, #tpu.memory_space<vmem>>
        %dma_start3A_115 = arith.constant 0 : i32
        %dma_start3A_116 = arith.constant 0 : i32
        %dma_start3A_117 = tpu.memref_slice %arg11[%dma_start3A_115, %dma_start3A_116] : memref<10112x128xbf16, #tpu.memory_space<vmem_shared>> -> memref<10112x128xbf16, #tpu.memory_space<vmem_shared>>
        tpu.enqueue_indirect_dma source(%dma_start3A_111 : memref<128x128xbf16, #tpu.memory_space<vmem>>) target(%dma_start3A_117 : memref<10112x128xbf16, #tpu.memory_space<vmem_shared>>) offsets(%dma_start3A_114 : memref<128xi32, #tpu.memory_space<vmem>>) semaphore(%run_scoped3A_108 : memref<!tpu.dma_semaphore, #tpu.memory_space<semaphore_mem>>) {add = true}
        %dma_wait3A_118 = arith.constant 384 : i32
        %dma_wait3A_119 = arith.constant 0 : i32
        %dma_wait3A_120 = tpu.memref_slice %arg9[%dma_wait3A_118, %dma_wait3A_119] : memref<512x128xbf16, #tpu.memory_space<vmem>> -> memref<128x128xbf16, #tpu.memory_space<vmem>>
        %dma_wait3A_121 = arith.constant 0 : i32
        %dma_wait3A_122 = tpu.memref_slice %arg8[%run_scoped3A_107, %dma_wait3A_121] : memref<40x128xi32, #tpu.memory_space<vmem>> -> memref<1x128xi32, #tpu.memory_space<vmem>>
        %dma_wait3A_123 = tpu.memref_squeeze %dma_wait3A_122 : memref<1x128xi32, #tpu.memory_space<vmem>> -> memref<128xi32, #tpu.memory_space<vmem>>
        %dma_wait3A_124 = arith.constant 0 : i32
        %dma_wait3A_125 = arith.constant 0 : i32
        %dma_wait3A_126 = tpu.memref_slice %arg11[%dma_wait3A_124, %dma_wait3A_125] : memref<10112x128xbf16, #tpu.memory_space<vmem_shared>> -> memref<10112x128xbf16, #tpu.memory_space<vmem_shared>>
        tpu.wait_indirect_dma semaphore(%run_scoped3A_108 : memref<!tpu.dma_semaphore, #tpu.memory_space<semaphore_mem>>) src(%dma_wait3A_120 : memref<128x128xbf16, #tpu.memory_space<vmem>>) dst(%dma_wait3A_126 : memref<10112x128xbf16, #tpu.memory_space<vmem_shared>>)
        tpu.yield
      }) : () -> ()
    }
    %scan3A_11 = arith.constant 2 : i32
    %barrier3A_12 = arith.constant 0 : index
    tpu.barrier barrier_id(%barrier3A_12)
    %mul3A_13 = arith.constant 632 : i32
    %mul3A_14 = arith.muli %arg1, %mul3A_13 : i32
    %mul3A_15 = arith.constant 632 : i32
    %mul3A_16 = arith.muli %arg1, %mul3A_15 : i32
    "tpu.region"() ({
      %run_scoped3A = tpu.sem_alloc : memref<!tpu.dma_semaphore, #tpu.memory_space<semaphore_mem>>
      %dma_start3A = arith.constant 0 : i32
      %dma_start3A_17 = tpu.memref_slice %arg6[%arg0, %mul3A_16, %dma_start3A] : memref<2x10112x128xbf16, #tpu.memory_space<hbm>> -> memref<1x632x128xbf16, #tpu.memory_space<hbm>>
      %dma_start3A_18 = tpu.memref_squeeze %dma_start3A_17 : memref<1x632x128xbf16, #tpu.memory_space<hbm>> -> memref<632x128xbf16, #tpu.memory_space<hbm>>
      %dma_start3A_19 = arith.constant 0 : i32
      %dma_start3A_20 = tpu.memref_slice %arg11[%mul3A_14, %dma_start3A_19] : memref<10112x128xbf16, #tpu.memory_space<vmem_shared>> -> memref<632x128xbf16, #tpu.memory_space<vmem_shared>>
      tpu.enqueue_dma source(%dma_start3A_20 : memref<632x128xbf16, #tpu.memory_space<vmem_shared>>) target(%dma_start3A_18 : memref<632x128xbf16, #tpu.memory_space<hbm>>) target_semaphore(%run_scoped3A : memref<!tpu.dma_semaphore, #tpu.memory_space<semaphore_mem>>)
      %dma_wait3A = arith.constant 0 : i32
      %dma_wait3A_21 = tpu.memref_slice %arg6[%arg0, %mul3A_16, %dma_wait3A] : memref<2x10112x128xbf16, #tpu.memory_space<hbm>> -> memref<1x632x128xbf16, #tpu.memory_space<hbm>>
      %dma_wait3A_22 = tpu.memref_squeeze %dma_wait3A_21 : memref<1x632x128xbf16, #tpu.memory_space<hbm>> -> memref<632x128xbf16, #tpu.memory_space<hbm>>
      %dma_wait3A_23 = arith.constant 0 : i32
      %dma_wait3A_24 = tpu.memref_slice %arg11[%mul3A_14, %dma_wait3A_23] : memref<10112x128xbf16, #tpu.memory_space<vmem_shared>> -> memref<632x128xbf16, #tpu.memory_space<vmem_shared>>
      tpu.wait_dma2 semaphore(%run_scoped3A : memref<!tpu.dma_semaphore, #tpu.memory_space<semaphore_mem>>) src(%dma_wait3A_24 : memref<632x128xbf16, #tpu.memory_space<vmem_shared>>) dst(%dma_wait3A_22 : memref<632x128xbf16, #tpu.memory_space<hbm>>)
      tpu.yield
    }) : () -> ()
    return
  }
}

#map = affine_map<(d0, d1) -> (0, 0, 0)>
#map1 = affine_map<(d0, d1) -> (0, 0)>
module attributes {stable_mosaic.version = 14 : i64} {
  func.func @run(%arg0: i32, %arg1: i32, %arg2: memref<32x80x128xi32, #tpu.memory_space<hbm>>, %arg3: memref<632x128xbf16, #tpu.memory_space<hbm>>, %arg4: memref<128x128xbf16, #tpu.memory_space<hbm>>, %arg5: memref<2x10112x128xbf16, #tpu.memory_space<hbm>>, %arg6: memref<40x128xi32, #tpu.memory_space<vmem>>, %arg7: memref<128x128xbf16, #tpu.memory_space<vmem>>, %arg8: memref<10112x128xbf16, #tpu.memory_space<vmem_shared>>, %arg9: memref<!tpu.dma_semaphore, #tpu.memory_space<semaphore_mem>>, %arg10: memref<!tpu.dma_semaphore, #tpu.memory_space<semaphore_mem>>) attributes {dimension_semantics = [#tpu.dimension_semantics<core_parallel>, #tpu.dimension_semantics<subcore_parallel>], iteration_bounds = array<i64: 2, 16>, scalar_prefetch = 0 : i64, scratch_operands = 5 : i64, tpu.core_type = #tpu.core_type<sc_vector_subcore>, window_params = [{transform_indices = #map}, {transform_indices = #map1}, {transform_indices = #map1}, {transform_indices = #map}]} {
    %mul3A = arith.constant 16 : i32
    %mul3A_0 = arith.muli %arg0, %mul3A : i32
    %add3A = arith.addi %mul3A_0, %arg1 : i32
    %mul3A_1 = arith.constant 632 : i32
    %mul3A_2 = arith.muli %arg1, %mul3A_1 : i32
    "tpu.region"() ({
      %run_scoped3A = tpu.sem_alloc : memref<!tpu.dma_semaphore, #tpu.memory_space<semaphore_mem>>
      %dma_start3A = arith.constant 0 : i32
      %dma_start3A_13 = tpu.memref_slice %arg8[%mul3A_2, %dma_start3A] : memref<10112x128xbf16, #tpu.memory_space<vmem_shared>> -> memref<632x128xbf16, #tpu.memory_space<vmem_shared>>
      tpu.enqueue_dma source(%arg3 : memref<632x128xbf16, #tpu.memory_space<hbm>>) target(%dma_start3A_13 : memref<632x128xbf16, #tpu.memory_space<vmem_shared>>) target_semaphore(%run_scoped3A : memref<!tpu.dma_semaphore, #tpu.memory_space<semaphore_mem>>)
      %dma_wait3A = arith.constant 0 : i32
      %dma_wait3A_14 = tpu.memref_slice %arg8[%mul3A_2, %dma_wait3A] : memref<10112x128xbf16, #tpu.memory_space<vmem_shared>> -> memref<632x128xbf16, #tpu.memory_space<vmem_shared>>
      tpu.wait_dma2 semaphore(%run_scoped3A : memref<!tpu.dma_semaphore, #tpu.memory_space<semaphore_mem>>) src(%arg3 : memref<632x128xbf16, #tpu.memory_space<hbm>>) dst(%dma_wait3A_14 : memref<632x128xbf16, #tpu.memory_space<vmem_shared>>)
      tpu.yield
    }) : () -> ()
    %barrier3A = arith.constant 0 : index
    tpu.barrier barrier_id(%barrier3A)
    "tpu.region"() ({
      %run_scoped3A = tpu.sem_alloc : memref<!tpu.dma_semaphore, #tpu.memory_space<semaphore_mem>>
      tpu.enqueue_dma source(%arg4 : memref<128x128xbf16, #tpu.memory_space<hbm>>) target(%arg7 : memref<128x128xbf16, #tpu.memory_space<vmem>>) target_semaphore(%run_scoped3A : memref<!tpu.dma_semaphore, #tpu.memory_space<semaphore_mem>>)
      tpu.wait_dma2 semaphore(%run_scoped3A : memref<!tpu.dma_semaphore, #tpu.memory_space<semaphore_mem>>) src(%arg4 : memref<128x128xbf16, #tpu.memory_space<hbm>>) dst(%arg7 : memref<128x128xbf16, #tpu.memory_space<vmem>>)
      tpu.yield
    }) : () -> ()
    %scan3A = arith.constant 0 : i32
    %scan3A_3 = arith.constant 0 : i32
    %scan3A_4 = arith.constant 2 : i32
    %scan3A_5 = arith.addi %scan3A_3, %scan3A_4 : i32
    %scan3A_6 = arith.constant 1 : i32
    scf.for %scan3A_13 = %scan3A_3 to %scan3A_5 step %scan3A_6  : i32 {
      %mul3A_14 = arith.constant 40 : i32
      %mul3A_15 = arith.muli %scan3A_13, %mul3A_14 : i32
      "tpu.region"() ({
        %run_scoped3A = tpu.sem_alloc : memref<!tpu.dma_semaphore, #tpu.memory_space<semaphore_mem>>
        %dma_start3A_47 = arith.constant 0 : i32
        %dma_start3A_48 = tpu.memref_slice %arg2[%add3A, %mul3A_15, %dma_start3A_47] : memref<32x80x128xi32, #tpu.memory_space<hbm>> -> memref<1x40x128xi32, #tpu.memory_space<hbm>>
        %dma_start3A_49 = tpu.memref_squeeze %dma_start3A_48 : memref<1x40x128xi32, #tpu.memory_space<hbm>> -> memref<40x128xi32, #tpu.memory_space<hbm>>
        %dma_start3A_50 = arith.constant 0 : i32
        %dma_start3A_51 = tpu.memref_slice %arg2[%add3A, %mul3A_15, %dma_start3A_50] : memref<32x80x128xi32, #tpu.memory_space<hbm>> -> memref<1x40x128xi32, #tpu.memory_space<hbm>>
        %dma_start3A_52 = tpu.memref_squeeze %dma_start3A_51 : memref<1x40x128xi32, #tpu.memory_space<hbm>> -> memref<40x128xi32, #tpu.memory_space<hbm>>
        tpu.enqueue_dma source(%dma_start3A_52 : memref<40x128xi32, #tpu.memory_space<hbm>>) target(%arg6 : memref<40x128xi32, #tpu.memory_space<vmem>>) target_semaphore(%run_scoped3A : memref<!tpu.dma_semaphore, #tpu.memory_space<semaphore_mem>>)
        %dma_wait3A_53 = arith.constant 0 : i32
        %dma_wait3A_54 = tpu.memref_slice %arg2[%add3A, %mul3A_15, %dma_wait3A_53] : memref<32x80x128xi32, #tpu.memory_space<hbm>> -> memref<1x40x128xi32, #tpu.memory_space<hbm>>
        %dma_wait3A_55 = tpu.memref_squeeze %dma_wait3A_54 : memref<1x40x128xi32, #tpu.memory_space<hbm>> -> memref<40x128xi32, #tpu.memory_space<hbm>>
        %dma_wait3A_56 = arith.constant 0 : i32
        %dma_wait3A_57 = tpu.memref_slice %arg2[%add3A, %mul3A_15, %dma_wait3A_56] : memref<32x80x128xi32, #tpu.memory_space<hbm>> -> memref<1x40x128xi32, #tpu.memory_space<hbm>>
        %dma_wait3A_58 = tpu.memref_squeeze %dma_wait3A_57 : memref<1x40x128xi32, #tpu.memory_space<hbm>> -> memref<40x128xi32, #tpu.memory_space<hbm>>
        tpu.wait_dma2 semaphore(%run_scoped3A : memref<!tpu.dma_semaphore, #tpu.memory_space<semaphore_mem>>) src(%dma_wait3A_58 : memref<40x128xi32, #tpu.memory_space<hbm>>) dst(%arg6 : memref<40x128xi32, #tpu.memory_space<vmem>>)
        tpu.yield
      }) : () -> ()
      %dma_start3A = arith.constant 0 : i32
      %dma_start3A_16 = arith.constant 0 : i32
      %dma_start3A_17 = tpu.memref_slice %arg6[%dma_start3A, %dma_start3A_16] : memref<40x128xi32, #tpu.memory_space<vmem>> -> memref<1x128xi32, #tpu.memory_space<vmem>>
      %dma_start3A_18 = tpu.memref_squeeze %dma_start3A_17 : memref<1x128xi32, #tpu.memory_space<vmem>> -> memref<128xi32, #tpu.memory_space<vmem>>
      %dma_start3A_19 = arith.constant 0 : i32
      %dma_start3A_20 = arith.constant 0 : i32
      %dma_start3A_21 = tpu.memref_slice %arg8[%dma_start3A_19, %dma_start3A_20] : memref<10112x128xbf16, #tpu.memory_space<vmem_shared>> -> memref<10112x128xbf16, #tpu.memory_space<vmem_shared>>
      tpu.enqueue_indirect_dma source(%arg7 : memref<128x128xbf16, #tpu.memory_space<vmem>>) target(%dma_start3A_21 : memref<10112x128xbf16, #tpu.memory_space<vmem_shared>>) offsets(%dma_start3A_18 : memref<128xi32, #tpu.memory_space<vmem>>) semaphore(%arg9 : memref<!tpu.dma_semaphore, #tpu.memory_space<semaphore_mem>>) {add = true}
      %dma_start3A_22 = arith.constant 1 : i32
      %dma_start3A_23 = arith.constant 0 : i32
      %dma_start3A_24 = tpu.memref_slice %arg6[%dma_start3A_22, %dma_start3A_23] : memref<40x128xi32, #tpu.memory_space<vmem>> -> memref<1x128xi32, #tpu.memory_space<vmem>>
      %dma_start3A_25 = tpu.memref_squeeze %dma_start3A_24 : memref<1x128xi32, #tpu.memory_space<vmem>> -> memref<128xi32, #tpu.memory_space<vmem>>
      %dma_start3A_26 = arith.constant 0 : i32
      %dma_start3A_27 = arith.constant 0 : i32
      %dma_start3A_28 = tpu.memref_slice %arg8[%dma_start3A_26, %dma_start3A_27] : memref<10112x128xbf16, #tpu.memory_space<vmem_shared>> -> memref<10112x128xbf16, #tpu.memory_space<vmem_shared>>
      tpu.enqueue_indirect_dma source(%arg7 : memref<128x128xbf16, #tpu.memory_space<vmem>>) target(%dma_start3A_28 : memref<10112x128xbf16, #tpu.memory_space<vmem_shared>>) offsets(%dma_start3A_25 : memref<128xi32, #tpu.memory_space<vmem>>) semaphore(%arg10 : memref<!tpu.dma_semaphore, #tpu.memory_space<semaphore_mem>>) {add = true}
      %scan3A_29 = arith.constant 0 : i32
      %scan3A_30 = arith.constant 19 : i32
      %scan3A_31 = arith.addi %scan3A_29, %scan3A_30 : i32
      %scan3A_32 = arith.constant 1 : i32
      scf.for %scan3A_47 = %scan3A_29 to %scan3A_31 step %scan3A_32  : i32 {
        %dma_wait3A_48 = arith.constant 0 : i32
        %dma_wait3A_49 = arith.constant 0 : i32
        %dma_wait3A_50 = tpu.memref_slice %arg6[%dma_wait3A_48, %dma_wait3A_49] : memref<40x128xi32, #tpu.memory_space<vmem>> -> memref<1x128xi32, #tpu.memory_space<vmem>>
        %dma_wait3A_51 = tpu.memref_squeeze %dma_wait3A_50 : memref<1x128xi32, #tpu.memory_space<vmem>> -> memref<128xi32, #tpu.memory_space<vmem>>
        %dma_wait3A_52 = arith.constant 0 : i32
        %dma_wait3A_53 = arith.constant 0 : i32
        %dma_wait3A_54 = tpu.memref_slice %arg8[%dma_wait3A_52, %dma_wait3A_53] : memref<10112x128xbf16, #tpu.memory_space<vmem_shared>> -> memref<10112x128xbf16, #tpu.memory_space<vmem_shared>>
        tpu.wait_indirect_dma semaphore(%arg9 : memref<!tpu.dma_semaphore, #tpu.memory_space<semaphore_mem>>) src(%arg7 : memref<128x128xbf16, #tpu.memory_space<vmem>>) dst(%dma_wait3A_54 : memref<10112x128xbf16, #tpu.memory_space<vmem_shared>>)
        %mul3A_55 = arith.constant 2 : i32
        %mul3A_56 = arith.muli %mul3A_55, %scan3A_47 : i32
        %add3A_57 = arith.constant 2 : i32
        %add3A_58 = arith.addi %mul3A_56, %add3A_57 : i32
        %dma_start3A_59 = arith.constant 0 : i32
        %dma_start3A_60 = tpu.memref_slice %arg6[%add3A_58, %dma_start3A_59] : memref<40x128xi32, #tpu.memory_space<vmem>> -> memref<1x128xi32, #tpu.memory_space<vmem>>
        %dma_start3A_61 = tpu.memref_squeeze %dma_start3A_60 : memref<1x128xi32, #tpu.memory_space<vmem>> -> memref<128xi32, #tpu.memory_space<vmem>>
        %dma_start3A_62 = arith.constant 0 : i32
        %dma_start3A_63 = arith.constant 0 : i32
        %dma_start3A_64 = tpu.memref_slice %arg8[%dma_start3A_62, %dma_start3A_63] : memref<10112x128xbf16, #tpu.memory_space<vmem_shared>> -> memref<10112x128xbf16, #tpu.memory_space<vmem_shared>>
        tpu.enqueue_indirect_dma source(%arg7 : memref<128x128xbf16, #tpu.memory_space<vmem>>) target(%dma_start3A_64 : memref<10112x128xbf16, #tpu.memory_space<vmem_shared>>) offsets(%dma_start3A_61 : memref<128xi32, #tpu.memory_space<vmem>>) semaphore(%arg9 : memref<!tpu.dma_semaphore, #tpu.memory_space<semaphore_mem>>) {add = true}
        %dma_wait3A_65 = arith.constant 0 : i32
        %dma_wait3A_66 = arith.constant 0 : i32
        %dma_wait3A_67 = tpu.memref_slice %arg6[%dma_wait3A_65, %dma_wait3A_66] : memref<40x128xi32, #tpu.memory_space<vmem>> -> memref<1x128xi32, #tpu.memory_space<vmem>>
        %dma_wait3A_68 = tpu.memref_squeeze %dma_wait3A_67 : memref<1x128xi32, #tpu.memory_space<vmem>> -> memref<128xi32, #tpu.memory_space<vmem>>
        %dma_wait3A_69 = arith.constant 0 : i32
        %dma_wait3A_70 = arith.constant 0 : i32
        %dma_wait3A_71 = tpu.memref_slice %arg8[%dma_wait3A_69, %dma_wait3A_70] : memref<10112x128xbf16, #tpu.memory_space<vmem_shared>> -> memref<10112x128xbf16, #tpu.memory_space<vmem_shared>>
        tpu.wait_indirect_dma semaphore(%arg10 : memref<!tpu.dma_semaphore, #tpu.memory_space<semaphore_mem>>) src(%arg7 : memref<128x128xbf16, #tpu.memory_space<vmem>>) dst(%dma_wait3A_71 : memref<10112x128xbf16, #tpu.memory_space<vmem_shared>>)
        %mul3A_72 = arith.constant 2 : i32
        %mul3A_73 = arith.muli %mul3A_72, %scan3A_47 : i32
        %add3A_74 = arith.constant 3 : i32
        %add3A_75 = arith.addi %mul3A_73, %add3A_74 : i32
        %dma_start3A_76 = arith.constant 0 : i32
        %dma_start3A_77 = tpu.memref_slice %arg6[%add3A_75, %dma_start3A_76] : memref<40x128xi32, #tpu.memory_space<vmem>> -> memref<1x128xi32, #tpu.memory_space<vmem>>
        %dma_start3A_78 = tpu.memref_squeeze %dma_start3A_77 : memref<1x128xi32, #tpu.memory_space<vmem>> -> memref<128xi32, #tpu.memory_space<vmem>>
        %dma_start3A_79 = arith.constant 0 : i32
        %dma_start3A_80 = arith.constant 0 : i32
        %dma_start3A_81 = tpu.memref_slice %arg8[%dma_start3A_79, %dma_start3A_80] : memref<10112x128xbf16, #tpu.memory_space<vmem_shared>> -> memref<10112x128xbf16, #tpu.memory_space<vmem_shared>>
        tpu.enqueue_indirect_dma source(%arg7 : memref<128x128xbf16, #tpu.memory_space<vmem>>) target(%dma_start3A_81 : memref<10112x128xbf16, #tpu.memory_space<vmem_shared>>) offsets(%dma_start3A_78 : memref<128xi32, #tpu.memory_space<vmem>>) semaphore(%arg10 : memref<!tpu.dma_semaphore, #tpu.memory_space<semaphore_mem>>) {add = true}
      }
      %scan3A_33 = arith.constant 19 : i32
      %dma_wait3A = arith.constant 0 : i32
      %dma_wait3A_34 = arith.constant 0 : i32
      %dma_wait3A_35 = tpu.memref_slice %arg6[%dma_wait3A, %dma_wait3A_34] : memref<40x128xi32, #tpu.memory_space<vmem>> -> memref<1x128xi32, #tpu.memory_space<vmem>>
      %dma_wait3A_36 = tpu.memref_squeeze %dma_wait3A_35 : memref<1x128xi32, #tpu.memory_space<vmem>> -> memref<128xi32, #tpu.memory_space<vmem>>
      %dma_wait3A_37 = arith.constant 0 : i32
      %dma_wait3A_38 = arith.constant 0 : i32
      %dma_wait3A_39 = tpu.memref_slice %arg8[%dma_wait3A_37, %dma_wait3A_38] : memref<10112x128xbf16, #tpu.memory_space<vmem_shared>> -> memref<10112x128xbf16, #tpu.memory_space<vmem_shared>>
      tpu.wait_indirect_dma semaphore(%arg9 : memref<!tpu.dma_semaphore, #tpu.memory_space<semaphore_mem>>) src(%arg7 : memref<128x128xbf16, #tpu.memory_space<vmem>>) dst(%dma_wait3A_39 : memref<10112x128xbf16, #tpu.memory_space<vmem_shared>>)
      %dma_wait3A_40 = arith.constant 0 : i32
      %dma_wait3A_41 = arith.constant 0 : i32
      %dma_wait3A_42 = tpu.memref_slice %arg6[%dma_wait3A_40, %dma_wait3A_41] : memref<40x128xi32, #tpu.memory_space<vmem>> -> memref<1x128xi32, #tpu.memory_space<vmem>>
      %dma_wait3A_43 = tpu.memref_squeeze %dma_wait3A_42 : memref<1x128xi32, #tpu.memory_space<vmem>> -> memref<128xi32, #tpu.memory_space<vmem>>
      %dma_wait3A_44 = arith.constant 0 : i32
      %dma_wait3A_45 = arith.constant 0 : i32
      %dma_wait3A_46 = tpu.memref_slice %arg8[%dma_wait3A_44, %dma_wait3A_45] : memref<10112x128xbf16, #tpu.memory_space<vmem_shared>> -> memref<10112x128xbf16, #tpu.memory_space<vmem_shared>>
      tpu.wait_indirect_dma semaphore(%arg10 : memref<!tpu.dma_semaphore, #tpu.memory_space<semaphore_mem>>) src(%arg7 : memref<128x128xbf16, #tpu.memory_space<vmem>>) dst(%dma_wait3A_46 : memref<10112x128xbf16, #tpu.memory_space<vmem_shared>>)
    }
    %scan3A_7 = arith.constant 2 : i32
    %barrier3A_8 = arith.constant 0 : index
    tpu.barrier barrier_id(%barrier3A_8)
    %mul3A_9 = arith.constant 632 : i32
    %mul3A_10 = arith.muli %arg1, %mul3A_9 : i32
    %mul3A_11 = arith.constant 632 : i32
    %mul3A_12 = arith.muli %arg1, %mul3A_11 : i32
    "tpu.region"() ({
      %run_scoped3A = tpu.sem_alloc : memref<!tpu.dma_semaphore, #tpu.memory_space<semaphore_mem>>
      %dma_start3A = arith.constant 0 : i32
      %dma_start3A_13 = tpu.memref_slice %arg5[%arg0, %mul3A_12, %dma_start3A] : memref<2x10112x128xbf16, #tpu.memory_space<hbm>> -> memref<1x632x128xbf16, #tpu.memory_space<hbm>>
      %dma_start3A_14 = tpu.memref_squeeze %dma_start3A_13 : memref<1x632x128xbf16, #tpu.memory_space<hbm>> -> memref<632x128xbf16, #tpu.memory_space<hbm>>
      %dma_start3A_15 = arith.constant 0 : i32
      %dma_start3A_16 = tpu.memref_slice %arg8[%mul3A_10, %dma_start3A_15] : memref<10112x128xbf16, #tpu.memory_space<vmem_shared>> -> memref<632x128xbf16, #tpu.memory_space<vmem_shared>>
      tpu.enqueue_dma source(%dma_start3A_16 : memref<632x128xbf16, #tpu.memory_space<vmem_shared>>) target(%dma_start3A_14 : memref<632x128xbf16, #tpu.memory_space<hbm>>) target_semaphore(%run_scoped3A : memref<!tpu.dma_semaphore, #tpu.memory_space<semaphore_mem>>)
      %dma_wait3A = arith.constant 0 : i32
      %dma_wait3A_17 = tpu.memref_slice %arg5[%arg0, %mul3A_12, %dma_wait3A] : memref<2x10112x128xbf16, #tpu.memory_space<hbm>> -> memref<1x632x128xbf16, #tpu.memory_space<hbm>>
      %dma_wait3A_18 = tpu.memref_squeeze %dma_wait3A_17 : memref<1x632x128xbf16, #tpu.memory_space<hbm>> -> memref<632x128xbf16, #tpu.memory_space<hbm>>
      %dma_wait3A_19 = arith.constant 0 : i32
      %dma_wait3A_20 = tpu.memref_slice %arg8[%mul3A_10, %dma_wait3A_19] : memref<10112x128xbf16, #tpu.memory_space<vmem_shared>> -> memref<632x128xbf16, #tpu.memory_space<vmem_shared>>
      tpu.wait_dma2 semaphore(%run_scoped3A : memref<!tpu.dma_semaphore, #tpu.memory_space<semaphore_mem>>) src(%dma_wait3A_20 : memref<632x128xbf16, #tpu.memory_space<vmem_shared>>) dst(%dma_wait3A_18 : memref<632x128xbf16, #tpu.memory_space<hbm>>)
      tpu.yield
    }) : () -> ()
    return
  }
}

module attributes {stable_mosaic.version = 14 : i64} {
  func.func @_dense_body(%arg0: i32, %arg1: memref<2x1000x128xbf16, #tpu.memory_space<vmem>>, %arg2: memref<2x1000x128xbf16, #tpu.memory_space<vmem>>, %arg3: memref<1000x128xf32, #tpu.memory_space<vmem>>, %arg4: memref<128x128xf32, #tpu.memory_space<vmem>>, %arg5: memref<128x128xf32, #tpu.memory_space<vmem>>, %arg6: memref<1x128xf32, #tpu.memory_space<vmem>>, %arg7: memref<1000x128xf32, #tpu.memory_space<vmem>>, %arg8: memref<1000x128xbf16, #tpu.memory_space<vmem>>) attributes {dimension_semantics = [#tpu.dimension_semantics<arbitrary>], iteration_bounds = array<i64: 10>, scalar_prefetch = 0 : i64, scratch_operands = 0 : i64, tpu.core_type = #tpu.core_type<tc>, window_params = [{transform_indices = @transform_0, window_bounds = array<i64: 2, 1000, 128>}, {transform_indices = @transform_1, window_bounds = array<i64: 2, 1000, 128>}, {transform_indices = @transform_2, window_bounds = array<i64: 1000, 128>}, {pipeline_mode = #tpu.pipeline_mode<synchronous>, transform_indices = @transform_3, window_bounds = array<i64: 128, 128>}, {pipeline_mode = #tpu.pipeline_mode<synchronous>, transform_indices = @transform_4, window_bounds = array<i64: 128, 128>}, {pipeline_mode = #tpu.pipeline_mode<synchronous>, transform_indices = @transform_5, window_bounds = array<i64: 1, 128>}, {transform_indices = @transform_6, window_bounds = array<i64: 1000, 128>}, {transform_indices = @transform_7, window_bounds = array<i64: 1000, 128>}]} {
    %get3A = arith.constant 0 : index
    %get3A_0 = arith.constant 0 : index
    %get3A_1 = arith.constant 0 : index
    %get3A_2 = vector.load %arg1[%get3A, %get3A_0, %get3A_1] : memref<2x1000x128xbf16, #tpu.memory_space<vmem>>, vector<1x1000x128xbf16>
    %get3A_3 = vector.shape_cast %get3A_2 : vector<1x1000x128xbf16> to vector<1000x128xbf16>
    %convert_element_type3A = arith.extf %get3A_3 : vector<1000x128xbf16> to vector<1000x128xf32>
    %get3A_4 = arith.constant 1 : index
    %get3A_5 = arith.constant 0 : index
    %get3A_6 = arith.constant 0 : index
    %get3A_7 = vector.load %arg1[%get3A_4, %get3A_5, %get3A_6] : memref<2x1000x128xbf16, #tpu.memory_space<vmem>>, vector<1x1000x128xbf16>
    %get3A_8 = vector.shape_cast %get3A_7 : vector<1x1000x128xbf16> to vector<1000x128xbf16>
    %convert_element_type3A_9 = arith.extf %get3A_8 : vector<1000x128xbf16> to vector<1000x128xf32>
    %add3A = arith.addf %convert_element_type3A, %convert_element_type3A_9 : vector<1000x128xf32>
    %get3A_10 = arith.constant 0 : index
    %get3A_11 = arith.constant 0 : index
    %get3A_12 = arith.constant 0 : index
    %get3A_13 = vector.load %arg2[%get3A_10, %get3A_11, %get3A_12] : memref<2x1000x128xbf16, #tpu.memory_space<vmem>>, vector<1x1000x1xbf16>
    %get3A_14 = vector.shape_cast %get3A_13 : vector<1x1000x1xbf16> to vector<1000xbf16>
    %convert_element_type3A_15 = arith.extf %get3A_14 : vector<1000xbf16> to vector<1000xf32>
    %get3A_16 = arith.constant 1 : index
    %get3A_17 = arith.constant 0 : index
    %get3A_18 = arith.constant 0 : index
    %get3A_19 = vector.load %arg2[%get3A_16, %get3A_17, %get3A_18] : memref<2x1000x128xbf16, #tpu.memory_space<vmem>>, vector<1x1000x1xbf16>
    %get3A_20 = vector.shape_cast %get3A_19 : vector<1x1000x1xbf16> to vector<1000xbf16>
    %convert_element_type3A_21 = arith.extf %get3A_20 : vector<1000xbf16> to vector<1000xf32>
    %add3A_22 = arith.addf %convert_element_type3A_15, %convert_element_type3A_21 : vector<1000xf32>
    %max3A = arith.constant 1.000000e+00 : f32
    %max3A_23 = vector.broadcast %max3A : f32 to vector<1000xf32>
    %max3A_24 = arith.maximumf %add3A_22, %max3A_23 : vector<1000xf32>
    %broadcast_in_dim3A = vector.shape_cast %max3A_24 : vector<1000xf32> to vector<1000x1xf32>
    %div3A = vector.broadcast %broadcast_in_dim3A : vector<1000x1xf32> to vector<1000x128xf32>
    %div3A_25 = arith.divf %add3A, %div3A : vector<1000x128xf32>
    %get3A_26 = arith.constant 0 : index
    %get3A_27 = arith.constant 0 : index
    %get3A_28 = vector.load %arg4[%get3A_26, %get3A_27] : memref<128x128xf32, #tpu.memory_space<vmem>>, vector<128x128xf32>
    %dot_general3A = arith.constant dense<0.000000e+00> : vector<1000x128xf32>
    %dot_general3A_29 = tpu.matmul %div3A_25, %get3A_28, %dot_general3A {dimension_numbers = #tpu.dot_dimension_numbers<[1], [1], [0], [0], [0, 0, 1, 0], [], []>, transpose_lhs_hint = false} : vector<1000x128xf32>, vector<128x128xf32>, vector<1000x128xf32> -> vector<1000x128xf32>
    %get3A_30 = arith.constant 0 : index
    %get3A_31 = arith.constant 0 : index
    %get3A_32 = vector.load %arg6[%get3A_30, %get3A_31] : memref<1x128xf32, #tpu.memory_space<vmem>>, vector<1x128xf32>
    %add3A_33 = vector.broadcast %get3A_32 : vector<1x128xf32> to vector<1000x128xf32>
    %add3A_34 = arith.addf %dot_general3A_29, %add3A_33 : vector<1000x128xf32>
    %get3A_35 = arith.constant 0 : index
    %get3A_36 = arith.constant 0 : index
    %get3A_37 = vector.load %arg3[%get3A_35, %get3A_36] : memref<1000x128xf32, #tpu.memory_space<vmem>>, vector<1000x128xf32>
    %get3A_38 = arith.constant 0 : index
    %get3A_39 = arith.constant 0 : index
    %get3A_40 = vector.load %arg5[%get3A_38, %get3A_39] : memref<128x128xf32, #tpu.memory_space<vmem>>, vector<128x128xf32>
    %dot_general3A_41 = arith.constant dense<0.000000e+00> : vector<1000x128xf32>
    %dot_general3A_42 = tpu.matmul %get3A_37, %get3A_40, %dot_general3A_41 {dimension_numbers = #tpu.dot_dimension_numbers<[1], [1], [0], [0], [0, 0, 1, 0], [], []>, transpose_lhs_hint = false} : vector<1000x128xf32>, vector<128x128xf32>, vector<1000x128xf32> -> vector<1000x128xf32>
    %add3A_43 = arith.addf %add3A_34, %dot_general3A_42 : vector<1000x128xf32>
    %max3A_44 = arith.constant 0.000000e+00 : f32
    %max3A_45 = vector.broadcast %max3A_44 : f32 to vector<1000x128xf32>
    %max3A_46 = arith.maximumf %add3A_43, %max3A_45 : vector<1000x128xf32>
    %swap3A = arith.constant 0 : index
    %swap3A_47 = arith.constant 0 : index
    %swap3A_48 = vector.load %arg7[%swap3A, %swap3A_47] : memref<1000x128xf32, #tpu.memory_space<vmem>>, vector<1000x128xf32>
    tpu.vector_store %arg7[%swap3A, %swap3A_47], %max3A_46 {strides = array<i32>} : memref<1000x128xf32, #tpu.memory_space<vmem>>, vector<1000x128xf32>,
    %convert_element_type3A_49 = arith.truncf %max3A_46 : vector<1000x128xf32> to vector<1000x128xbf16>
    %swap3A_50 = arith.constant 0 : index
    %swap3A_51 = arith.constant 0 : index
    %swap3A_52 = vector.load %arg8[%swap3A_50, %swap3A_51] : memref<1000x128xbf16, #tpu.memory_space<vmem>>, vector<1000x128xbf16>
    tpu.vector_store %arg8[%swap3A_50, %swap3A_51], %convert_element_type3A_49 {strides = array<i32>} : memref<1000x128xbf16, #tpu.memory_space<vmem>>, vector<1000x128xbf16>,
    return
  }
  func.func @transform_0(%arg0: i32) -> (i32, i32, i32) {
    %c0_i32 = arith.constant 0 : i32
    %c0_i32_0 = arith.constant 0 : i32
    %c0_i32_1 = arith.constant 0 : i32
    return %c0_i32, %arg0, %c0_i32_0 : i32, i32, i32
  }
  func.func @transform_1(%arg0: i32) -> (i32, i32, i32) {
    %c0_i32 = arith.constant 0 : i32
    %c0_i32_0 = arith.constant 0 : i32
    %c0_i32_1 = arith.constant 0 : i32
    return %c0_i32, %arg0, %c0_i32_0 : i32, i32, i32
  }
  func.func @transform_2(%arg0: i32) -> (i32, i32) {
    %c0_i32 = arith.constant 0 : i32
    %c0_i32_0 = arith.constant 0 : i32
    return %arg0, %c0_i32 : i32, i32
  }
  func.func @transform_3(%arg0: i32) -> (i32, i32) {
    %c0_i32 = arith.constant 0 : i32
    %c0_i32_0 = arith.constant 0 : i32
    %c0_i32_1 = arith.constant 0 : i32
    return %c0_i32, %c0_i32_0 : i32, i32
  }
  func.func @transform_4(%arg0: i32) -> (i32, i32) {
    %c0_i32 = arith.constant 0 : i32
    %c0_i32_0 = arith.constant 0 : i32
    %c0_i32_1 = arith.constant 0 : i32
    return %c0_i32, %c0_i32_0 : i32, i32
  }
  func.func @transform_5(%arg0: i32) -> (i32, i32) {
    %c0_i32 = arith.constant 0 : i32
    %c0_i32_0 = arith.constant 0 : i32
    %c0_i32_1 = arith.constant 0 : i32
    return %c0_i32, %c0_i32_0 : i32, i32
  }
  func.func @transform_6(%arg0: i32) -> (i32, i32) {
    %c0_i32 = arith.constant 0 : i32
    %c0_i32_0 = arith.constant 0 : i32
    return %arg0, %c0_i32 : i32, i32
  }
  func.func @transform_7(%arg0: i32) -> (i32, i32) {
    %c0_i32 = arith.constant 0 : i32
    %c0_i32_0 = arith.constant 0 : i32
    return %arg0, %c0_i32 : i32, i32
  }
}

module attributes {stable_mosaic.version = 14 : i64} {
  func.func @_dense_body(%arg0: i32, %arg1: memref<2x1000x128xbf16, #tpu.memory_space<vmem>>, %arg2: memref<2x1000x128xbf16, #tpu.memory_space<vmem>>, %arg3: memref<1000x128xf32, #tpu.memory_space<vmem>>, %arg4: memref<128x128xf32, #tpu.memory_space<vmem>>, %arg5: memref<128x128xf32, #tpu.memory_space<vmem>>, %arg6: memref<1x128xf32, #tpu.memory_space<vmem>>, %arg7: memref<1000x128xf32, #tpu.memory_space<vmem>>) attributes {dimension_semantics = [#tpu.dimension_semantics<arbitrary>], iteration_bounds = array<i64: 10>, scalar_prefetch = 0 : i64, scratch_operands = 0 : i64, tpu.core_type = #tpu.core_type<tc>, window_params = [{transform_indices = @transform_0, window_bounds = array<i64: 2, 1000, 128>}, {transform_indices = @transform_1, window_bounds = array<i64: 2, 1000, 128>}, {transform_indices = @transform_2, window_bounds = array<i64: 1000, 128>}, {pipeline_mode = #tpu.pipeline_mode<synchronous>, transform_indices = @transform_3, window_bounds = array<i64: 128, 128>}, {pipeline_mode = #tpu.pipeline_mode<synchronous>, transform_indices = @transform_4, window_bounds = array<i64: 128, 128>}, {pipeline_mode = #tpu.pipeline_mode<synchronous>, transform_indices = @transform_5, window_bounds = array<i64: 1, 128>}, {transform_indices = @transform_6, window_bounds = array<i64: 1000, 128>}]} {
    %get3A = arith.constant 0 : index
    %get3A_0 = arith.constant 0 : index
    %get3A_1 = arith.constant 0 : index
    %get3A_2 = vector.load %arg1[%get3A, %get3A_0, %get3A_1] : memref<2x1000x128xbf16, #tpu.memory_space<vmem>>, vector<1x1000x128xbf16>
    %get3A_3 = vector.shape_cast %get3A_2 : vector<1x1000x128xbf16> to vector<1000x128xbf16>
    %convert_element_type3A = arith.extf %get3A_3 : vector<1000x128xbf16> to vector<1000x128xf32>
    %get3A_4 = arith.constant 1 : index
    %get3A_5 = arith.constant 0 : index
    %get3A_6 = arith.constant 0 : index
    %get3A_7 = vector.load %arg1[%get3A_4, %get3A_5, %get3A_6] : memref<2x1000x128xbf16, #tpu.memory_space<vmem>>, vector<1x1000x128xbf16>
    %get3A_8 = vector.shape_cast %get3A_7 : vector<1x1000x128xbf16> to vector<1000x128xbf16>
    %convert_element_type3A_9 = arith.extf %get3A_8 : vector<1000x128xbf16> to vector<1000x128xf32>
    %add3A = arith.addf %convert_element_type3A, %convert_element_type3A_9 : vector<1000x128xf32>
    %get3A_10 = arith.constant 0 : index
    %get3A_11 = arith.constant 0 : index
    %get3A_12 = arith.constant 0 : index
    %get3A_13 = vector.load %arg2[%get3A_10, %get3A_11, %get3A_12] : memref<2x1000x128xbf16, #tpu.memory_space<vmem>>, vector<1x1000x1xbf16>
    %get3A_14 = vector.shape_cast %get3A_13 : vector<1x1000x1xbf16> to vector<1000xbf16>
    %convert_element_type3A_15 = arith.extf %get3A_14 : vector<1000xbf16> to vector<1000xf32>
    %get3A_16 = arith.constant 1 : index
    %get3A_17 = arith.constant 0 : index
    %get3A_18 = arith.constant 0 : index
    %get3A_19 = vector.load %arg2[%get3A_16, %get3A_17, %get3A_18] : memref<2x1000x128xbf16, #tpu.memory_space<vmem>>, vector<1x1000x1xbf16>
    %get3A_20 = vector.shape_cast %get3A_19 : vector<1x1000x1xbf16> to vector<1000xbf16>
    %convert_element_type3A_21 = arith.extf %get3A_20 : vector<1000xbf16> to vector<1000xf32>
    %add3A_22 = arith.addf %convert_element_type3A_15, %convert_element_type3A_21 : vector<1000xf32>
    %max3A = arith.constant 1.000000e+00 : f32
    %max3A_23 = vector.broadcast %max3A : f32 to vector<1000xf32>
    %max3A_24 = arith.maximumf %add3A_22, %max3A_23 : vector<1000xf32>
    %broadcast_in_dim3A = vector.shape_cast %max3A_24 : vector<1000xf32> to vector<1000x1xf32>
    %div3A = vector.broadcast %broadcast_in_dim3A : vector<1000x1xf32> to vector<1000x128xf32>
    %div3A_25 = arith.divf %add3A, %div3A : vector<1000x128xf32>
    %get3A_26 = arith.constant 0 : index
    %get3A_27 = arith.constant 0 : index
    %get3A_28 = vector.load %arg4[%get3A_26, %get3A_27] : memref<128x128xf32, #tpu.memory_space<vmem>>, vector<128x128xf32>
    %dot_general3A = arith.constant dense<0.000000e+00> : vector<1000x128xf32>
    %dot_general3A_29 = tpu.matmul %div3A_25, %get3A_28, %dot_general3A {dimension_numbers = #tpu.dot_dimension_numbers<[1], [1], [0], [0], [0, 0, 1, 0], [], []>, transpose_lhs_hint = false} : vector<1000x128xf32>, vector<128x128xf32>, vector<1000x128xf32> -> vector<1000x128xf32>
    %get3A_30 = arith.constant 0 : index
    %get3A_31 = arith.constant 0 : index
    %get3A_32 = vector.load %arg6[%get3A_30, %get3A_31] : memref<1x128xf32, #tpu.memory_space<vmem>>, vector<1x128xf32>
    %add3A_33 = vector.broadcast %get3A_32 : vector<1x128xf32> to vector<1000x128xf32>
    %add3A_34 = arith.addf %dot_general3A_29, %add3A_33 : vector<1000x128xf32>
    %get3A_35 = arith.constant 0 : index
    %get3A_36 = arith.constant 0 : index
    %get3A_37 = vector.load %arg3[%get3A_35, %get3A_36] : memref<1000x128xf32, #tpu.memory_space<vmem>>, vector<1000x128xf32>
    %get3A_38 = arith.constant 0 : index
    %get3A_39 = arith.constant 0 : index
    %get3A_40 = vector.load %arg5[%get3A_38, %get3A_39] : memref<128x128xf32, #tpu.memory_space<vmem>>, vector<128x128xf32>
    %dot_general3A_41 = arith.constant dense<0.000000e+00> : vector<1000x128xf32>
    %dot_general3A_42 = tpu.matmul %get3A_37, %get3A_40, %dot_general3A_41 {dimension_numbers = #tpu.dot_dimension_numbers<[1], [1], [0], [0], [0, 0, 1, 0], [], []>, transpose_lhs_hint = false} : vector<1000x128xf32>, vector<128x128xf32>, vector<1000x128xf32> -> vector<1000x128xf32>
    %add3A_43 = arith.addf %add3A_34, %dot_general3A_42 : vector<1000x128xf32>
    %swap3A = arith.constant 0 : index
    %swap3A_44 = arith.constant 0 : index
    %swap3A_45 = vector.load %arg7[%swap3A, %swap3A_44] : memref<1000x128xf32, #tpu.memory_space<vmem>>, vector<1000x128xf32>
    tpu.vector_store %arg7[%swap3A, %swap3A_44], %add3A_43 {strides = array<i32>} : memref<1000x128xf32, #tpu.memory_space<vmem>>, vector<1000x128xf32>,
    return
  }
  func.func @transform_0(%arg0: i32) -> (i32, i32, i32) {
    %c0_i32 = arith.constant 0 : i32
    %c0_i32_0 = arith.constant 0 : i32
    %c0_i32_1 = arith.constant 0 : i32
    return %c0_i32, %arg0, %c0_i32_0 : i32, i32, i32
  }
  func.func @transform_1(%arg0: i32) -> (i32, i32, i32) {
    %c0_i32 = arith.constant 0 : i32
    %c0_i32_0 = arith.constant 0 : i32
    %c0_i32_1 = arith.constant 0 : i32
    return %c0_i32, %arg0, %c0_i32_0 : i32, i32, i32
  }
  func.func @transform_2(%arg0: i32) -> (i32, i32) {
    %c0_i32 = arith.constant 0 : i32
    %c0_i32_0 = arith.constant 0 : i32
    return %arg0, %c0_i32 : i32, i32
  }
  func.func @transform_3(%arg0: i32) -> (i32, i32) {
    %c0_i32 = arith.constant 0 : i32
    %c0_i32_0 = arith.constant 0 : i32
    %c0_i32_1 = arith.constant 0 : i32
    return %c0_i32, %c0_i32_0 : i32, i32
  }
  func.func @transform_4(%arg0: i32) -> (i32, i32) {
    %c0_i32 = arith.constant 0 : i32
    %c0_i32_0 = arith.constant 0 : i32
    %c0_i32_1 = arith.constant 0 : i32
    return %c0_i32, %c0_i32_0 : i32, i32
  }
  func.func @transform_5(%arg0: i32) -> (i32, i32) {
    %c0_i32 = arith.constant 0 : i32
    %c0_i32_0 = arith.constant 0 : i32
    %c0_i32_1 = arith.constant 0 : i32
    return %c0_i32, %c0_i32_0 : i32, i32
  }
  func.func @transform_6(%arg0: i32) -> (i32, i32) {
    %c0_i32 = arith.constant 0 : i32
    %c0_i32_0 = arith.constant 0 : i32
    return %arg0, %c0_i32 : i32, i32
  }
}

</mosaic_0001>

<sc_bundles>
// kernel: kernel.10.cloned.1.call-start
scs
__scs_entry_jumppad:
0x0: {  	(pc) =	sbr.rel $0x88, $3  }
0x1: {  	(tag) =	ssettag $0x0;
	lr =	simm.s32 $0x1  }
0x2: {  	[smem:$0x3F99] =	sst lr;
	_ =	strace $0xD0000000  }
0x3: {  	_ = 	snop  }
0x4: {  	_ = 	snop  }
0x5: {  	_ = 	snop  }
0x6: {  	_ = 	snop  }
0x7: {  	_ = 	snop  }
__scs_overlays_trampoline_lowered:
0x8: {  	[smem:$0x3FA8] =	sst s0  }
0x9: {  	[smem:$0x3FA9] =	sst s1  }
0xa: {  	[smem:$0x3FAA] =	sst s2  }
0xb: {  	[smem:$0x3FAB] =	sst s3  }
0xc: {  	[smem:$0x3FAC] =	sst s4  }
0xd: {  	[smem:$0x3FAD] =	sst s5  }
0xe: {  	[smem:$0x3FAE] =	sst s6  }
0xf: {  	[smem:$0x3FAF] =	sst s7  }
0x10: {  	[smem:$0x3FB0] =	sst s8  }
0x11: {  	[smem:$0x3FB1] =	sst s9;
	s0 =	simm.s32 @!p0 $0x0  }
0x12: {  	s1 =	sld [smem:$0x3F97];
	s0 =	simm.s32 @p0 $0x1  }
0x13: {  	[smem:$0x3FB2] =	sst s0;
	s0 =	simm.s32 @!p1 $0x0  }
0x14: {  	s2 =	sld [smem:$0x3F96];
	s0 =	simm.s32 @p1 $0x1  }
0x15: {  	[smem:$0x3FB3] =	sst s0;
	s0 =	simm.s32 @!p2 $0x0  }
0x16: {  	s3 =	sld [smem:$0x3FDB];
	s0 =	simm.s32 @p2 $0x1  }
0x17: {  	s4 =	simm.s32 $0x1BF5;
	[smem:$0x3FB5] =	sst s0  }
0x18: {  	s0 =	sld [smem:$0x3F98];
	_ =	swait.ge [sflag:s4], $0x0  }
0x19: {  	s7 =	sld [smem:$0x3F99]  }
0x1a: {  	s8 =	sadd.s32 $0xFFFFE003, lr  }
0x1b: {  	s9 =	sadd.s32 $0xFFFFFEF7, lr;
	s5 =	simm.s32 $0xFFFFFFFF;
	p2 =	slt.u32 s8, $0xFFFFF086  }
0x1c: {  	p1 =	slt.u32 s9, $0xF7A;
	s5 =	simm.s32 @!p2 $0x0  }
0x1d: {  	s5 =	simm.s32 @p1 $0x1;
	p0 =	seq.s32 s7, s2  }
0x1e: {  	s7 =	smul.u32 @!p0 $0xF7A, s2;
	p2 =	seq.s32 @!p0 s5, $0x0  }
0x1f: {  	s9 =	smul.u32 $0xF7A, s1;
	s8 =	simm.s32 @!p0 $0x1BF5;
	p2 =	por !p2, p0  }
0x20: {  	[sflag:s8] =	ssyncset.s32 @!p0 $0xFFFFF086;
	s6 =	sadd.s32 @!p0 s3, s7;
	s7 =	simm.s32 @!p0 $0x108  }
0x21: {  	s3 =	sadd.s32 s3, s9;
	s6 =	sadd.s32 @!p0 $0x88, s6;
	s7 =	simm.s32 @p2 $0x1082  }
0x22: {  	[simem:s7], [sflag:s8] =	dma.local @!p0 [hbm:s6], $0xF7A  }
0x23: {  	s9 =	sor.u32 $0xD0000000, s2;
	s6 =	simm.s32 $0x108;
	_ =	swait.ge @!p0 [sflag:s8], $0x0  }
0x24: {  	s3 =	sadd.s32 $0x88, s3;
	s6 =	simm.s32 @!p1 $0x1082;
	[sflag:s4] =	ssyncset.s32 $0xFFFFF086  }
0x25: {  	[simem:s6], [sflag:s4] =	dma.local [hbm:s3], $0xF7A  }
0x26: {  	[smem:$0x3F99] =	sst s1;
	(tag) =	ssettag s2;
	_ =	strace s9  }
0x27: {  	s1 =	sld [smem:$0x3FA9]  }
0x28: {  	s2 =	sld [smem:$0x3FAA]  }
0x29: {  	s4 =	sld [smem:$0x3FAC]  }
0x2a: {  	p0 =	seq.s32 s5, $0x0;
	s5 =	sld [smem:$0x3FAD]  }
0x2b: {  	s6 =	sld [smem:$0x3FAE]  }
0x2c: {  	s7 =	sld [smem:$0x3FAF]  }
0x2d: {  	s3 =	simm.s32 $0x108;
	s8 =	sld [smem:$0x3FB0]  }
0x2e: {  	s3 =	simm.s32 @!p0 $0x1082;
	s9 =	sld [smem:$0x3FB1]  }
0x2f: {  	lr =	sadd.s32 s0, s3;
	s0 =	sld [smem:$0x3FA8]  }
0x30: {  	s3 =	sld [smem:$0x3FAB]  }
0x31: {  	[smem:$0x3FB4] =	sst s10  }
0x32: {  	s10 =	sld [smem:$0x3FB2];
	_ =	sdelay $0x3  }
0x33: {  	p0 =	seq.s32 s10, $0x1;
	s10 =	sld [smem:$0x3FB4];
	_ =	sdelay $0x3  }
0x34: {  	[smem:$0x3FB4] =	sst s10  }
0x35: {  	s10 =	sld [smem:$0x3FB3];
	_ =	sdelay $0x3  }
0x36: {  	p1 =	seq.s32 s10, $0x1;
	s10 =	sld [smem:$0x3FB4];
	_ =	sdelay $0x3  }
0x37: {  	[smem:$0x3FB4] =	sst s10  }
0x38: {  	s10 =	sld [smem:$0x3FB5]  }
0x39: {  	_ = 	snop;
	(pc) =	sbr.ind lr, $3  }
0x3a: {  	_ = 	snop  }
0x3b: {  	_ = 	snop  }
0x3c: {  	p2 =	seq.s32 s10, $0x1;
	s10 =	sld [smem:$0x3FB4]  }
0x3d: {  	_ =	shalt  }
0x3e: {  	_ =	shalt  }
0x3f: {  	_ =	shalt  }
0x40: {  	_ =	shalt  }
0x41: {  	_ =	shalt  }
0x42: {  	_ =	shalt  }
0x43: {  	_ =	shalt  }
0x44: {  	_ =	shalt  }
0x45: {  	_ =	shalt  }
0x46: {  	_ =	shalt  }
0x47: {  	_ =	shalt  }
0x48: {  	_ =	shalt  }
0x49: {  	_ =	shalt  }
0x4a: {  	_ =	shalt  }
0x4b: {  	_ =	shalt  }
0x4c: {  	_ =	shalt  }
0x4d: {  	_ =	shalt  }
0x4e: {  	_ =	shalt  }
0x4f: {  	_ =	shalt  }
0x50: {  	_ =	shalt  }
0x51: {  	_ =	shalt  }
0x52: {  	_ =	shalt  }
0x53: {  	_ =	shalt  }
0x54: {  	_ =	shalt  }
0x55: {  	_ =	shalt  }
0x56: {  	_ =	shalt  }
0x57: {  	_ =	shalt  }
0x58: {  	_ =	shalt  }
0x59: {  	_ =	shalt  }
0x5a: {  	_ =	shalt  }
0x5b: {  	_ =	shalt  }
0x5c: {  	_ =	shalt  }
0x5d: {  	_ =	shalt  }
0x5e: {  	_ =	shalt  }
0x5f: {  	_ =	shalt  }
0x60: {  	_ =	shalt  }
0x61: {  	_ =	shalt  }
0x62: {  	_ =	shalt  }
0x63: {  	_ =	shalt  }
0x64: {  	_ =	shalt  }
0x65: {  	_ =	shalt  }
0x66: {  	_ =	shalt  }
0x67: {  	_ =	shalt  }
0x68: {  	_ =	shalt  }
0x69: {  	_ =	shalt  }
0x6a: {  	_ =	shalt  }
0x6b: {  	_ =	shalt  }
0x6c: {  	_ =	shalt  }
0x6d: {  	_ =	shalt  }
0x6e: {  	_ =	shalt  }
0x6f: {  	_ =	shalt  }
0x70: {  	_ =	shalt  }
0x71: {  	_ =	shalt  }
0x72: {  	_ =	shalt  }
0x73: {  	_ =	shalt  }
0x74: {  	_ =	shalt  }
0x75: {  	_ =	shalt  }
0x76: {  	_ =	shalt  }
0x77: {  	_ =	shalt  }
0x78: {  	_ =	shalt  }
0x79: {  	_ =	shalt  }
0x7a: {  	_ =	shalt  }
0x7b: {  	_ =	shalt  }
0x7c: {  	_ =	shalt  }
0x7d: {  	_ =	shalt  }
0x7e: {  	_ =	shalt  }
0x7f: {  	_ =	shalt  }
0x80: {  	_ =	shalt  }
0x81: {  	_ =	shalt  }
0x82: {  	_ =	shalt  }
0x83: {  	_ =	shalt  }
0x84: {  	_ =	shalt  }
0x85: {  	_ =	shalt  }
0x86: {  	_ =	shalt  }
0x87: {  	_ =	shalt  }
.Lfunc_end0:
.L_simem_size_0:
called_computation.1_lowered:
.L_overlay_start_0:
0x88: {  	s2 =	sld [smem:$0x3FD9]  }
0x89: {  	s3 =	sld [smem:$0x3FFE];
	_ =	sdelay $0x1  }
0x8a: {  	s1 =	srdreg.scid  }
0x8b: {  	s0 =	sand.u32 $0x1, s1  }
0x8c: {  	s17 =	sshll.u32 s0, $0xA;
	s2 =	sadd.s32 s3, s2  }
0x8d: {  	s2 =	sadd.s32 s2, s17  }
0x8e: {  	[smem:$0x3FC0] =	sst s2  }
0x8f: {  	_ = 	snop  }
0x90: {  	s2 =	sld [smem:$0x3FD0];
	(tm) =	ssettm $0x1  }
0x91: {  	s18 =	sld [smem:$0x3FFB];
	_ =	sdelay $0x3  }
0x92: {  	_ =	strace s18  }
0x93: {  	s3 =	sld [smem:$0x3FFC];
	_ =	sdelay $0x3  }
0x94: {  	_ =	strace s3  }
0x95: {  	s3 =	sld [smem:$0x3FFD];
	_ =	sdelay $0x3  }
0x96: {  	_ =	strace s3  }
0x97: {  	_ =	strace $0x8FFFFFFF  }
0x98: {  	s19 =	sld [smem:$0x3FDB];
	_ =	sdelay $0x1  }
0x99: {  	s4 =	simm.s32 $_scs_section_size  }
0x9a: {  	s5 =	simm.s32 $_size__tile_overlayer_lowered;
	s6 =	simm.s32 $_tile_overlayer_lowered  }
0x9b: {  	s22 =	simm.s32 $0x1BFF;
	s21 =	sshll.u32 s6, $0x1;
	s3 =	sadd.s32 s4, s19  }
0x9c: {  	s7 =	simm.s32 $0x0;
	s20 =	sshll.u32 s5, $0x1;
	s5 =	sadd.s32 s21, s3  }
0x9d: {  	[timem:s7], [sflag:s22] =	dma.local [hbm:s5], s20  }
0x9e: {  	_ =	swait.ge [sflag:s22], s20  }
0x9f: {  	s4 =	ssub.s32 $0x0, s20;
	[sflag:s22] =	ssyncset.done $0x0  }
0xa0: {  	[sflag:s22] =	ssyncadd.s32 s4;
	_ =	sdelay $0x1  }
0xa1: {  	s23 =	simm.s32 $0x1B8B  }
0xa2: {  	_ =	swait.ge [sflag:s23], $0x1  }
0xa3: {  	[sflag:s23] =	ssyncset.done $0x0  }
0xa4: {  	s25 =	simm.s32 $0x1B8E;
	s24 =	sld [smem:$0x3FFE];
	[sflag:s23] =	ssyncadd.s32 $0xFFFFFFFF  }
0xa5: {  	s26 =	simm.s32 $execute0_lowered;
	[smem:$0x3FD2] =	sst s25  }
0xa6: {  	s5 =	sshll.u32 s26, $0x1;
	_ =	strace $0x80000046;
	[dreg:$0x1] =	wrdreg $0xFFFFFFFF  }
0xa7: {  	s28 =	simm.s32 $_size_execute0_lowered;
	s3 =	sadd.s32 s3, s5;
	[dreg:$0x0] =	wrdreg $0x0  }
0xa8: {  	s5 =	sshll.u32 s28, $0x1;
	[dreg:$0x2] =	wrdreg s3  }
0xa9: {  	[dreg:$0x3] =	wrdreg s5  }
0xaa: {  	[dreg:$0x4] =	wrdreg $0xC0  }
0xab: {  	_ =	task [dreg:s7], $0x5FFFF  }
0xac: {  	[dreg:$0x1] =	wrdreg $0xFFFFFFFF  }
0xad: {  	[dreg:$0x0] =	wrdreg $0x60  }
0xae: {  	[dreg:$0x2] =	wrdreg s2  }
0xaf: {  	[dreg:$0x3] =	wrdreg s24  }
0xb0: {  	[dreg:$0x4] =	wrdreg $0xA8000  }
0xb1: {  	[dreg:$0x5] =	wrdreg $0x146000  }
0xb2: {  	[dreg:$0x6] =	wrdreg $0xA  }
0xb3: {  	_ =	task.clear_ibuf [dreg:s7], $0x7FFFF;
	_ =	strace $0x90000046  }
0xb4: {  	s29 =	simm.s32 $0xA;
	_ =	strace $0x80000048  }
0xb5: {  	_ =	swait.ge [sflag:s29], $0x1  }
0xb6: {  	[sflag:s29] =	ssyncadd.s32 $0xFFFFFFFF  }
0xb7: {  	_ =	strace $0x90000048  }
0xb8: {  	_ =	sfence  }
0xb9: {  	s30 =	sld [smem:$0x0];
	_ =	sdelay $0x2  }
0xba: {  	s31 =	sshll.u32 s1, $0xD;
	s1 =	sshrl.u32 s1, $0x2  }
0xbb: {  	s3 =	sand.u32 $0x4000, s31;
	s1 =	sadd.s32 s1, s30  }
0xbc: {  	s0 =	sor.u32 s3, s0;
	s1 =	sshll.u32 s1, $0x11  }
0xbd: {  	s0 =	sor.u32 s1, s0  }
0xbe: {  	s0 =	sadd.s32 $0x8F2B, s0  }
0xbf: {  	[sflag:s0] =	ssyncadd.remote.s32 $0x1  }
0xc0: {  	_ =	sfence.sel $0xFFFF  }
0xc1: {  	[dreg:$0x0] =	wrdreg $0xFFFFFFFF;
	(pc) =	sbr.abs _section_cstart, $3  }
0xc2: {  	[dreg:$0x1] =	wrdreg $0xFFFFFFFF  }
0xc3: {  	_ =	task.clear_ibuf [dreg:s7], $0x2FFFF;
	_ =	strace $0x9FFFFFFF  }
0xc4: {  	(tm) =	ssettm $0x7FFFFFFF  }
0xc5: {  	_ =	shalt  }
tec
execute0_lowered:
.L_overlay_start_1:
0x0: {  	(tag) =	ssettag $0x1  }
0x1: {  	s0 =	rddreg [dreg:$0x0]  }
0x2: {  	s1 =	rddreg [dreg:$0x1]  }
0x3: {  	s2 =	rddreg [dreg:$0x2]  }
0x4: {  	s3 =	rddreg [dreg:$0x3]  }
0x5: {  	s5 =	srdreg.scid;
	s14 =	stileid.u32  }
0x6: {  	s4 =	simm.s32 $0x0;
	s16 =	simm.s32 $0x1400;
	s17 =	simm.s32 $0x80  }
0x7: {  	s18 =	simm.s32 $0x2800;
	s19 =	simm.s32 $0x4800;
	s20 =	simm.s32 $0x100  }
0x8: {  	s21 =	simm.s32 $0x6800;
	s22 =	simm.s32 $0x180;
	s28 =	simm.s32 $0x4  }
0x9: {  	s29 =	simm.s32 $0x2600;
	s30 =	simm.s32 $0x2680;
	s31 =	simm.s32 $0x2700  }
0xa: {  	s7 =	sand.u32 $0x1, s5;
	s8 =	smul.u32 $0x13C00, s14;
	[smem:$0x7FF] =	sst s4  }
0xb: {  	s5 =	sadd.s32 $0xD800, s1;
	s6 =	sadd.s32 $0x3800, s1;
	s11 =	sadd.s32 $0x2400, s1  }
0xc: {  	s25 =	sshll.u32 s14, $0x6;
	s9 =	smul.u32 $0x13C000, s7;
	_ =	strace $0x80000047  }
0xd: {  	s10 =	ssub.s32 $0x2, s7;
	[dreg:$0x5] =	wrdreg s11;
	s7 =	sshll.u32 s7, $0x4  }
0xe: {  	s23 =	sshrl.u32 s10, $0x1;
	s7 =	sor.u32 s14, s7;
	s24 =	sshrl.u32 s8, $0x1  }
0xf: {  	s14 =	simm.s32 $0x5;
	s9 =	sadd.s32 s8, s9;
	s12 =	ssub.s32 s10, s23  }
0x10: {  	s8 =	sshrl.u32 s8, $0x4;
	s13 =	sadd.s32 s24, s2;
	s26 =	sadd.s32 s24, s3  }
0x11: {  	s10 =	smul.u32 $0x2800, s7;
	s23 =	simm.s32 $0x8800;
	s24 =	simm.s32 $0x1  }
0x12: {  	s9 =	sshrl.u32 s9, $0x4;
	s0 =	sadd.s32 s0, s8;
	s12 =	smax.u32 s12, $0x1  }
0x13: {  	s13 =	sshrl.u32 s13, $0x3;
	s15 =	sshrl.u32 s26, $0x3;
	s26 =	simm.s32 $0x3  }
0x14: {  	s1 =	sadd.s32 s9, s1;
	[dreg:$0x6] =	wrdreg s0;
	s9 =	sor.u32 $0x1C05, s25  }
0x15: {  	s25 =	simm.s32 $0x2;
	s0 =	simm.s32 $0x2780;
	s11 =	sadd.s32 $0x17800, s1  }
.LBB2_1:
0x16: {  	s1 =	rddreg [dreg:$0x6]  }
0x17: {  	[spmem:s13], [sflag:s9] =	dma.local [hbm:s1], $0x13C0  }
0x18: {  	_ =	swait.ge [sflag:s14], $0x13C0  }
0x19: {  	[sflag:s14] =	ssyncset.done $0x0  }
0x1a: {  	s8 =	rddreg [dreg:$0x5];
	[sflag:s14] =	ssyncadd.s32 $0xFFFFEC40  }
0x1b: {  	[spmem:s15], [sflag:s9] =	dma.local [hbm:s8], $0x13C0  }
0x1c: {  	_ =	swait.ge [sflag:s14], $0x13C0  }
0x1d: {  	[sflag:s14] =	ssyncset.done $0x0  }
0x1e: {  	[sflag:s14] =	ssyncadd.s32 $0xFFFFEC40  }
0x1f: {  	p1 =	por $0x1, $0x1;
	s1 =	simm.s32 $0x0;
	[bflag:$0x0] =	sbarrier.arrive $0xFFFF  }
.LBB2_2:
0x20: {  	s1 =	sadd.s32 s10, s1  }
0x21: {  	s1 =	sshrl.u32 s1, $0x3  }
0x22: {  	s8 =	simm.s32 $0x0;
	s7 =	sadd.s32 s5, s1  }
0x23: {  	[tilespmem:s8], [sflag:$0x5] =	stream.linear.gather [hbm4b:s7+s8], $0x1400, $0x38;
	[tilespmem:$0x1E400] =	vst v63  }
0x24: {  	_ =	swait.ge [sflag:s14], $0x1400  }
0x25: {  	[sflag:s14] =	ssyncset.done $0x0  }
0x26: {  	s1 =	sadd.s32 s6, s1;
	[sflag:s14] =	ssyncadd.s32 $0xFFFFEC00  }
0x27: {  	[tilespmem:s16], [sflag:$0x5] =	stream.linear.gather [hbm4b:s1+s8], $0x1400, $0x38;
	[tilespmem:$0x1E400] =	vst v63  }
0x28: {  	_ =	swait.ge [sflag:s14], $0x1400  }
0x29: {  	[sflag:s14] =	ssyncset.done $0x0  }
0x2a: {  	[sflag:s14] =	ssyncadd.s32 $0xFFFFEC00  }
0x2b: {  	[tilespmem:s18], [sflag:$0x1] =	stream.indirect.gather [spmem:s2], $0x40, s8, s17, $0xb8;
	[tilespmem:$0x1E400] =	vst v63  }
0x2c: {  	_ = 	snop  }
0x2d: {  	[tilespmem:s19], [sflag:$0x2] =	stream.indirect.gather [spmem:s2], $0x40, s17, s17, $0xb8;
	[tilespmem:$0x1E400] =	vst v63  }
0x2e: {  	_ = 	snop  }
0x2f: {  	[tilespmem:s21], [sflag:$0x3] =	stream.indirect.gather [spmem:s2], $0x40, s20, s17, $0xb8;
	[tilespmem:$0x1E400] =	vst v63  }
0x30: {  	_ = 	snop  }
0x31: {  	[tilespmem:s23], [sflag:$0x4] =	stream.indirect.gather [spmem:s2], $0x40, s22, s17, $0xb8;
	[tilespmem:$0x1E400] =	vst v63  }
0x32: {  	_ =	swait.ge [sflag:s24], $0x2000  }
0x33: {  	[sflag:s24] =	ssyncset.done $0x0  }
0x34: {  	s8 =	simm.s32 $0x1400;
	[sflag:s24] =	ssyncadd.s32 $0xFFFFE000  }
0x35: {  	[spmem:s3] =	stream.indirect.scatter.add.bf16 [tilespmem:s18], [sflag:$0x5], $0x40, s8, s17, $0xb8;
	[tilespmem:$0x1E400] =	vst v63  }
0x36: {  	_ =	swait.ge [sflag:s14], $0x2000  }
0x37: {  	[sflag:s14] =	ssyncset.done $0x0  }
0x38: {  	s7 =	simm.s32 $0x200;
	[sflag:s14] =	ssyncadd.s32 $0xFFFFE000  }
0x39: {  	[tilespmem:s18], [sflag:$0x1] =	stream.indirect.gather [spmem:s2], $0x40, s7, s17, $0xb8;
	[tilespmem:$0x1E400] =	vst v63  }
0x3a: {  	_ =	swait.ge [sflag:s25], $0x2000  }
0x3b: {  	[sflag:s25] =	ssyncset.done $0x0  }
0x3c: {  	s8 =	simm.s32 $0x1480;
	[sflag:s25] =	ssyncadd.s32 $0xFFFFE000  }
0x3d: {  	[spmem:s3] =	stream.indirect.scatter.add.bf16 [tilespmem:s19], [sflag:$0x5], $0x40, s8, s17, $0xb8;
	[tilespmem:$0x1E400] =	vst v63  }
0x3e: {  	_ =	swait.ge [sflag:s14], $0x2000  }
0x3f: {  	[sflag:s14] =	ssyncset.done $0x0  }
0x40: {  	s7 =	simm.s32 $0x280;
	[sflag:s14] =	ssyncadd.s32 $0xFFFFE000  }
0x41: {  	[tilespmem:s19], [sflag:$0x2] =	stream.indirect.gather [spmem:s2], $0x40, s7, s17, $0xb8;
	[tilespmem:$0x1E400] =	vst v63  }
0x42: {  	_ =	swait.ge [sflag:s26], $0x2000  }
0x43: {  	[sflag:s26] =	ssyncset.done $0x0  }
0x44: {  	s8 =	simm.s32 $0x1500;
	[sflag:s26] =	ssyncadd.s32 $0xFFFFE000  }
0x45: {  	[spmem:s3] =	stream.indirect.scatter.add.bf16 [tilespmem:s21], [sflag:$0x5], $0x40, s8, s17, $0xb8;
	[tilespmem:$0x1E400] =	vst v63  }
0x46: {  	_ =	swait.ge [sflag:s14], $0x2000  }
0x47: {  	[sflag:s14] =	ssyncset.done $0x0  }
0x48: {  	s7 =	simm.s32 $0x300;
	[sflag:s14] =	ssyncadd.s32 $0xFFFFE000  }
0x49: {  	[tilespmem:s21], [sflag:$0x3] =	stream.indirect.gather [spmem:s2], $0x40, s7, s17, $0xb8;
	[tilespmem:$0x1E400] =	vst v63  }
0x4a: {  	_ =	swait.ge [sflag:s28], $0x2000  }
0x4b: {  	[sflag:s28] =	ssyncset.done $0x0  }
0x4c: {  	s8 =	simm.s32 $0x1580;
	[sflag:s28] =	ssyncadd.s32 $0xFFFFE000  }
0x4d: {  	[spmem:s3] =	stream.indirect.scatter.add.bf16 [tilespmem:s23], [sflag:$0x5], $0x40, s8, s17, $0xb8;
	[tilespmem:$0x1E400] =	vst v63  }
0x4e: {  	_ =	swait.ge [sflag:s14], $0x2000  }
0x4f: {  	p0 =	por p1, p1;
	[sflag:s14] =	ssyncset.done $0x0  }
0x50: {  	s1 =	simm.s32 $0x800;
	s7 =	simm.s32 $0x380;
	[sflag:s14] =	ssyncadd.s32 $0xFFFFE000  }
.LBB2_3:
0x51: {  	[tilespmem:s23], [sflag:$0x4] =	stream.indirect.gather [spmem:s2], $0x40, s7, s17, $0xb8;
	[tilespmem:$0x1E400] =	vst v63  }
0x52: {  	s7 =	smov.u32 s1  }
0x53: {  	p1 =	sne.s32 s1, $0x4000;
	s1 =	sadd.s32 $0x800, s1;
	_ =	swait.ge [sflag:s24], $0x2000  }
0x54: {  	s7 =	sshra.s32 s7, $0x2;
	[sflag:s24] =	ssyncset.done $0x0  }
0x55: {  	s8 =	sadd.s32 $0x1400, s7;
	[sflag:s24] =	ssyncadd.s32 $0xFFFFE000  }
0x56: {  	[spmem:s3] =	stream.indirect.scatter.add.bf16 [tilespmem:s18], [sflag:$0x5], $0x40, s8, s17, $0xb8;
	[tilespmem:$0x1E400] =	vst v63  }
0x57: {  	_ =	swait.ge [sflag:s14], $0x2000  }
0x58: {  	[sflag:s14] =	ssyncset.done $0x0  }
0x59: {  	s8 =	sadd.s32 $0x200, s7;
	[sflag:s14] =	ssyncadd.s32 $0xFFFFE000  }
0x5a: {  	[tilespmem:s18], [sflag:$0x1] =	stream.indirect.gather [spmem:s2], $0x40, s8, s17, $0xb8;
	[tilespmem:$0x1E400] =	vst v63  }
0x5b: {  	_ =	swait.ge [sflag:s25], $0x2000  }
0x5c: {  	[sflag:s25] =	ssyncset.done $0x0  }
0x5d: {  	s8 =	sadd.s32 $0x1480, s7;
	[sflag:s25] =	ssyncadd.s32 $0xFFFFE000  }
0x5e: {  	[spmem:s3] =	stream.indirect.scatter.add.bf16 [tilespmem:s19], [sflag:$0x5], $0x40, s8, s17, $0xb8;
	[tilespmem:$0x1E400] =	vst v63  }
0x5f: {  	_ =	swait.ge [sflag:s14], $0x2000  }
0x60: {  	[sflag:s14] =	ssyncset.done $0x0  }
0x61: {  	s8 =	sadd.s32 $0x280, s7;
	[sflag:s14] =	ssyncadd.s32 $0xFFFFE000  }
0x62: {  	[tilespmem:s19], [sflag:$0x2] =	stream.indirect.gather [spmem:s2], $0x40, s8, s17, $0xb8;
	[tilespmem:$0x1E400] =	vst v63  }
0x63: {  	_ =	swait.ge [sflag:s26], $0x2000  }
0x64: {  	[sflag:s26] =	ssyncset.done $0x0  }
0x65: {  	s8 =	sadd.s32 $0x1500, s7;
	[sflag:s26] =	ssyncadd.s32 $0xFFFFE000  }
0x66: {  	[spmem:s3] =	stream.indirect.scatter.add.bf16 [tilespmem:s21], [sflag:$0x5], $0x40, s8, s17, $0xb8;
	[tilespmem:$0x1E400] =	vst v63  }
0x67: {  	_ =	swait.ge [sflag:s14], $0x2000  }
0x68: {  	[sflag:s14] =	ssyncset.done $0x0  }
0x69: {  	s8 =	sadd.s32 $0x300, s7;
	[sflag:s14] =	ssyncadd.s32 $0xFFFFE000  }
0x6a: {  	[tilespmem:s21], [sflag:$0x3] =	stream.indirect.gather [spmem:s2], $0x40, s8, s17, $0xb8;
	[tilespmem:$0x1E400] =	vst v63  }
0x6b: {  	_ =	swait.ge [sflag:s28], $0x2000  }
0x6c: {  	[sflag:s28] =	ssyncset.done $0x0  }
.Ltmp0:
0x6d: {  	s8 =	sadd.s32 $0x1580, s7;
	[sflag:s28] =	ssyncadd.s32 $0xFFFFE000;
	(pc) =	sbr.rel @p1 .LBB2_3-.Ltmp0, $4  }
0x6e: {  	[spmem:s3] =	stream.indirect.scatter.add.bf16 [tilespmem:s23], [sflag:$0x5], $0x40, s8, s17, $0xb8;
	[tilespmem:$0x1E400] =	vst v63  }
0x6f: {  	_ =	swait.ge [sflag:s14], $0x2000  }
0x70: {  	[sflag:s14] =	ssyncset.done $0x0  }
0x71: {  	s7 =	sadd.s32 $0x380, s7;
	[sflag:s14] =	ssyncadd.s32 $0xFFFFE000  }
0x72: {  	[tilespmem:s23], [sflag:$0x4] =	stream.indirect.gather [spmem:s2], $0x40, s7, s17, $0xb8;
	[tilespmem:$0x1E400] =	vst v63  }
0x73: {  	_ =	swait.ge [sflag:s24], $0x2000  }
0x74: {  	[sflag:s24] =	ssyncset.done $0x0  }
0x75: {  	[sflag:s24] =	ssyncadd.s32 $0xFFFFE000  }
0x76: {  	[spmem:s3] =	stream.indirect.scatter.add.bf16 [tilespmem:s18], [sflag:$0x5], $0x40, s29, s17, $0xb8;
	[tilespmem:$0x1E400] =	vst v63  }
0x77: {  	_ =	swait.ge [sflag:s14], $0x2000  }
0x78: {  	[sflag:s14] =	ssyncset.done $0x0  }
0x79: {  	[sflag:s14] =	ssyncadd.s32 $0xFFFFE000  }
0x7a: {  	_ =	swait.ge [sflag:s25], $0x2000  }
0x7b: {  	[sflag:s25] =	ssyncset.done $0x0  }
0x7c: {  	[sflag:s25] =	ssyncadd.s32 $0xFFFFE000  }
0x7d: {  	[spmem:s3] =	stream.indirect.scatter.add.bf16 [tilespmem:s19], [sflag:$0x5], $0x40, s30, s17, $0xb8;
	[tilespmem:$0x1E400] =	vst v63  }
0x7e: {  	_ =	swait.ge [sflag:s14], $0x2000  }
0x7f: {  	[sflag:s14] =	ssyncset.done $0x0  }
0x80: {  	[sflag:s14] =	ssyncadd.s32 $0xFFFFE000  }
0x81: {  	_ =	swait.ge [sflag:s26], $0x2000  }
0x82: {  	[sflag:s26] =	ssyncset.done $0x0  }
0x83: {  	[sflag:s26] =	ssyncadd.s32 $0xFFFFE000  }
0x84: {  	[spmem:s3] =	stream.indirect.scatter.add.bf16 [tilespmem:s21], [sflag:$0x5], $0x40, s31, s17, $0xb8;
	[tilespmem:$0x1E400] =	vst v63  }
0x85: {  	_ =	swait.ge [sflag:s14], $0x2000  }
0x86: {  	[sflag:s14] =	ssyncset.done $0x0  }
0x87: {  	[sflag:s14] =	ssyncadd.s32 $0xFFFFE000  }
0x88: {  	_ =	swait.ge [sflag:s28], $0x2000  }
0x89: {  	[sflag:s28] =	ssyncset.done $0x0  }
.Ltmp1:
0x8a: {  	[sflag:s28] =	ssyncadd.s32 $0xFFFFE000;
	(pc) =	sbr.rel @p0 .LBB2_2-.Ltmp1, $4  }
0x8b: {  	[spmem:s3] =	stream.indirect.scatter.add.bf16 [tilespmem:s23], [sflag:$0x5], $0x40, s0, s17, $0xb8;
	[tilespmem:$0x1E400] =	vst v63  }
0x8c: {  	_ =	swait.ge [sflag:s14], $0x2000  }
0x8d: {  	[sflag:s14] =	ssyncset.done $0x0  }
0x8e: {  	s1 =	simm.s32 $0x1400;
	p1 =	por $0x0, $0x0;
	[sflag:s14] =	ssyncadd.s32 $0xFFFFE000  }
0x8f: {  	s4 =	sadd.s32 $0x1, s4  }
0x90: {  	p0 =	sne.s32 s4, s12  }
.Ltmp2:
0x91: {  	[bflag:$0x0] =	sbarrier.arrive $0xFFFF;
	(pc) =	sbr.rel @p0 .LBB2_1-.Ltmp2, $4  }
0x92: {  	[hbm:s11], [sflag:s9] =	dma.local [spmem:s15], $0x13C0  }
0x93: {  	_ =	swait.ge [sflag:s14], $0x13C0  }
0x94: {  	[sflag:s14] =	ssyncset.done $0x0  }
0x95: {  	[sflag:s14] =	ssyncadd.s32 $0xFFFFEC40  }
0x96: {  	_ =	sfence.sel $0x180000  }
0x97: {  	[bflag:$0x0] =	sbarrier.arrive $0xFFFF  }
0x98: {  	_ =	strace $0x90000047  }
0x99: {  	s0 =	stileid.u32;
	[bflag:$0x2] =	sbarrier.arrive $0xFFFF  }
0x9a: {  	p0 =	sne.s32 s0, $0x0;
	s0 =	rddreg [dreg:$0x4]  }
0x9b: {  	s0 =	sadd.s32 @!p0 $0x100000, s0  }
0x9c: {  	[sflag:s0] =	ssyncadd.tile.s32 @!p0 $0x1;
	_ =	shalt  }
.Lfunc_end2:
_tile_overlayer_lowered:
.L_overlay_start_2:
0x9d: {  	(tag) =	ssettag $0x2  }
0x9e: {  	s0 =	rddreg [dreg:$0x0];
	s2 =	stileid.u32  }
0x9f: {  	s1 =	rddreg [dreg:$0x1];
	p0 =	sne.s32 s2, $0x0  }
0xa0: {  	s3 =	rddreg [dreg:$0x2];
	[bflag:$0x3] =	sbarrier.arrive $0xFFFF;
	s2 =	simm.s32 @!p0 $0x1C05  }
0xa1: {  	[timem:s3], [sflag:s2] =	dma.local @!p0 [hbm:s0], s1  }
0xa2: {  	s0 =	simm.s32 @!p0 $0x5  }
0xa3: {  	_ =	swait.ge @!p0 [sflag:s0], s1  }
0xa4: {  	s1 =	ssub.s32 @!p0 $0x0, s1;
	[sflag:s0] =	ssyncset.done @!p0 $0x0  }
0xa5: {  	[sflag:s0] =	ssyncadd.s32 @!p0 s1  }
0xa6: {  	[bflag:$0x3] =	sbarrier.arrive $0xFFFF  }
0xa7: {  	_ =	shalt  }

// kernel: kernel.13.cloned.1.call-start
scs
__scs_entry_jumppad:
0x0: {  	(pc) =	sbr.rel $0x88, $3  }
0x1: {  	(tag) =	ssettag $0x0;
	lr =	simm.s32 $0x1  }
0x2: {  	[smem:$0x3F99] =	sst lr;
	_ =	strace $0xD0000000  }
0x3: {  	_ = 	snop  }
0x4: {  	_ = 	snop  }
0x5: {  	_ = 	snop  }
0x6: {  	_ = 	snop  }
0x7: {  	_ = 	snop  }
__scs_overlays_trampoline_lowered:
0x8: {  	[smem:$0x3FA8] =	sst s0  }
0x9: {  	[smem:$0x3FA9] =	sst s1  }
0xa: {  	[smem:$0x3FAA] =	sst s2  }
0xb: {  	[smem:$0x3FAB] =	sst s3  }
0xc: {  	[smem:$0x3FAC] =	sst s4  }
0xd: {  	[smem:$0x3FAD] =	sst s5  }
0xe: {  	[smem:$0x3FAE] =	sst s6  }
0xf: {  	[smem:$0x3FAF] =	sst s7  }
0x10: {  	[smem:$0x3FB0] =	sst s8  }
0x11: {  	[smem:$0x3FB1] =	sst s9;
	s0 =	simm.s32 @!p0 $0x0  }
0x12: {  	s1 =	sld [smem:$0x3F97];
	s0 =	simm.s32 @p0 $0x1  }
0x13: {  	[smem:$0x3FB2] =	sst s0;
	s0 =	simm.s32 @!p1 $0x0  }
0x14: {  	s2 =	sld [smem:$0x3F96];
	s0 =	simm.s32 @p1 $0x1  }
0x15: {  	[smem:$0x3FB3] =	sst s0;
	s0 =	simm.s32 @!p2 $0x0  }
0x16: {  	s3 =	sld [smem:$0x3FDB];
	s0 =	simm.s32 @p2 $0x1  }
0x17: {  	s4 =	simm.s32 $0x1BF5;
	[smem:$0x3FB5] =	sst s0  }
0x18: {  	s0 =	sld [smem:$0x3F98];
	_ =	swait.ge [sflag:s4], $0x0  }
0x19: {  	s7 =	sld [smem:$0x3F99]  }
0x1a: {  	s8 =	sadd.s32 $0xFFFFE003, lr  }
0x1b: {  	s9 =	sadd.s32 $0xFFFFFEF7, lr;
	s5 =	simm.s32 $0xFFFFFFFF;
	p2 =	slt.u32 s8, $0xFFFFF086  }
0x1c: {  	p1 =	slt.u32 s9, $0xF7A;
	s5 =	simm.s32 @!p2 $0x0  }
0x1d: {  	s5 =	simm.s32 @p1 $0x1;
	p0 =	seq.s32 s7, s2  }
0x1e: {  	s7 =	smul.u32 @!p0 $0xF7A, s2;
	p2 =	seq.s32 @!p0 s5, $0x0  }
0x1f: {  	s9 =	smul.u32 $0xF7A, s1;
	s8 =	simm.s32 @!p0 $0x1BF5;
	p2 =	por !p2, p0  }
0x20: {  	[sflag:s8] =	ssyncset.s32 @!p0 $0xFFFFF086;
	s6 =	sadd.s32 @!p0 s3, s7;
	s7 =	simm.s32 @!p0 $0x108  }
0x21: {  	s3 =	sadd.s32 s3, s9;
	s6 =	sadd.s32 @!p0 $0x88, s6;
	s7 =	simm.s32 @p2 $0x1082  }
0x22: {  	[simem:s7], [sflag:s8] =	dma.local @!p0 [hbm:s6], $0xF7A  }
0x23: {  	s9 =	sor.u32 $0xD0000000, s2;
	s6 =	simm.s32 $0x108;
	_ =	swait.ge @!p0 [sflag:s8], $0x0  }
0x24: {  	s3 =	sadd.s32 $0x88, s3;
	s6 =	simm.s32 @!p1 $0x1082;
	[sflag:s4] =	ssyncset.s32 $0xFFFFF086  }
0x25: {  	[simem:s6], [sflag:s4] =	dma.local [hbm:s3], $0xF7A  }
0x26: {  	[smem:$0x3F99] =	sst s1;
	(tag) =	ssettag s2;
	_ =	strace s9  }
0x27: {  	s1 =	sld [smem:$0x3FA9]  }
0x28: {  	s2 =	sld [smem:$0x3FAA]  }
0x29: {  	s4 =	sld [smem:$0x3FAC]  }
0x2a: {  	p0 =	seq.s32 s5, $0x0;
	s5 =	sld [smem:$0x3FAD]  }
0x2b: {  	s6 =	sld [smem:$0x3FAE]  }
0x2c: {  	s7 =	sld [smem:$0x3FAF]  }
0x2d: {  	s3 =	simm.s32 $0x108;
	s8 =	sld [smem:$0x3FB0]  }
0x2e: {  	s3 =	simm.s32 @!p0 $0x1082;
	s9 =	sld [smem:$0x3FB1]  }
0x2f: {  	lr =	sadd.s32 s0, s3;
	s0 =	sld [smem:$0x3FA8]  }
0x30: {  	s3 =	sld [smem:$0x3FAB]  }
0x31: {  	[smem:$0x3FB4] =	sst s10  }
0x32: {  	s10 =	sld [smem:$0x3FB2];
	_ =	sdelay $0x3  }
0x33: {  	p0 =	seq.s32 s10, $0x1;
	s10 =	sld [smem:$0x3FB4];
	_ =	sdelay $0x3  }
0x34: {  	[smem:$0x3FB4] =	sst s10  }
0x35: {  	s10 =	sld [smem:$0x3FB3];
	_ =	sdelay $0x3  }
0x36: {  	p1 =	seq.s32 s10, $0x1;
	s10 =	sld [smem:$0x3FB4];
	_ =	sdelay $0x3  }
0x37: {  	[smem:$0x3FB4] =	sst s10  }
0x38: {  	s10 =	sld [smem:$0x3FB5]  }
0x39: {  	_ = 	snop;
	(pc) =	sbr.ind lr, $3  }
0x3a: {  	_ = 	snop  }
0x3b: {  	_ = 	snop  }
0x3c: {  	p2 =	seq.s32 s10, $0x1;
	s10 =	sld [smem:$0x3FB4]  }
0x3d: {  	_ =	shalt  }
0x3e: {  	_ =	shalt  }
0x3f: {  	_ =	shalt  }
0x40: {  	_ =	shalt  }
0x41: {  	_ =	shalt  }
0x42: {  	_ =	shalt  }
0x43: {  	_ =	shalt  }
0x44: {  	_ =	shalt  }
0x45: {  	_ =	shalt  }
0x46: {  	_ =	shalt  }
0x47: {  	_ =	shalt  }
0x48: {  	_ =	shalt  }
0x49: {  	_ =	shalt  }
0x4a: {  	_ =	shalt  }
0x4b: {  	_ =	shalt  }
0x4c: {  	_ =	shalt  }
0x4d: {  	_ =	shalt  }
0x4e: {  	_ =	shalt  }
0x4f: {  	_ =	shalt  }
0x50: {  	_ =	shalt  }
0x51: {  	_ =	shalt  }
0x52: {  	_ =	shalt  }
0x53: {  	_ =	shalt  }
0x54: {  	_ =	shalt  }
0x55: {  	_ =	shalt  }
0x56: {  	_ =	shalt  }
0x57: {  	_ =	shalt  }
0x58: {  	_ =	shalt  }
0x59: {  	_ =	shalt  }
0x5a: {  	_ =	shalt  }
0x5b: {  	_ =	shalt  }
0x5c: {  	_ =	shalt  }
0x5d: {  	_ =	shalt  }
0x5e: {  	_ =	shalt  }
0x5f: {  	_ =	shalt  }
0x60: {  	_ =	shalt  }
0x61: {  	_ =	shalt  }
0x62: {  	_ =	shalt  }
0x63: {  	_ =	shalt  }
0x64: {  	_ =	shalt  }
0x65: {  	_ =	shalt  }
0x66: {  	_ =	shalt  }
0x67: {  	_ =	shalt  }
0x68: {  	_ =	shalt  }
0x69: {  	_ =	shalt  }
0x6a: {  	_ =	shalt  }
0x6b: {  	_ =	shalt  }
0x6c: {  	_ =	shalt  }
0x6d: {  	_ =	shalt  }
0x6e: {  	_ =	shalt  }
0x6f: {  	_ =	shalt  }
0x70: {  	_ =	shalt  }
0x71: {  	_ =	shalt  }
0x72: {  	_ =	shalt  }
0x73: {  	_ =	shalt  }
0x74: {  	_ =	shalt  }
0x75: {  	_ =	shalt  }
0x76: {  	_ =	shalt  }
0x77: {  	_ =	shalt  }
0x78: {  	_ =	shalt  }
0x79: {  	_ =	shalt  }
0x7a: {  	_ =	shalt  }
0x7b: {  	_ =	shalt  }
0x7c: {  	_ =	shalt  }
0x7d: {  	_ =	shalt  }
0x7e: {  	_ =	shalt  }
0x7f: {  	_ =	shalt  }
0x80: {  	_ =	shalt  }
0x81: {  	_ =	shalt  }
0x82: {  	_ =	shalt  }
0x83: {  	_ =	shalt  }
0x84: {  	_ =	shalt  }
0x85: {  	_ =	shalt  }
0x86: {  	_ =	shalt  }
0x87: {  	_ =	shalt  }
.Lfunc_end0:
.L_simem_size_0:
called_computation.2_lowered:
.L_overlay_start_0:
0x88: {  	s2 =	sld [smem:$0x3FD9]  }
0x89: {  	s3 =	sld [smem:$0x3FFE];
	_ =	sdelay $0x1  }
0x8a: {  	s1 =	srdreg.scid  }
0x8b: {  	s0 =	sand.u32 $0x1, s1  }
0x8c: {  	s17 =	sshll.u32 s0, $0xA;
	s2 =	sadd.s32 s3, s2  }
0x8d: {  	s2 =	sadd.s32 s2, s17  }
0x8e: {  	[smem:$0x3FC0] =	sst s2  }
0x8f: {  	_ = 	snop  }
0x90: {  	s2 =	sld [smem:$0x3FD0];
	(tm) =	ssettm $0x1  }
0x91: {  	s18 =	sld [smem:$0x3FFB];
	_ =	sdelay $0x3  }
0x92: {  	_ =	strace s18  }
0x93: {  	s3 =	sld [smem:$0x3FFC];
	_ =	sdelay $0x3  }
0x94: {  	_ =	strace s3  }
0x95: {  	s3 =	sld [smem:$0x3FFD];
	_ =	sdelay $0x3  }
0x96: {  	_ =	strace s3  }
0x97: {  	_ =	strace $0x8FFFFFFF  }
0x98: {  	s19 =	sld [smem:$0x3FDB];
	_ =	sdelay $0x1  }
0x99: {  	s4 =	simm.s32 $_scs_section_size  }
0x9a: {  	s5 =	simm.s32 $_size__tile_overlayer_lowered;
	s6 =	simm.s32 $_tile_overlayer_lowered  }
0x9b: {  	s22 =	simm.s32 $0x1BFF;
	s21 =	sshll.u32 s6, $0x1;
	s3 =	sadd.s32 s4, s19  }
0x9c: {  	s7 =	simm.s32 $0x0;
	s20 =	sshll.u32 s5, $0x1;
	s5 =	sadd.s32 s21, s3  }
0x9d: {  	[timem:s7], [sflag:s22] =	dma.local [hbm:s5], s20  }
0x9e: {  	_ =	swait.ge [sflag:s22], s20  }
0x9f: {  	s4 =	ssub.s32 $0x0, s20;
	[sflag:s22] =	ssyncset.done $0x0  }
0xa0: {  	[sflag:s22] =	ssyncadd.s32 s4;
	_ =	sdelay $0x1  }
0xa1: {  	s23 =	simm.s32 $0x1B8B  }
0xa2: {  	_ =	swait.ge [sflag:s23], $0x1  }
0xa3: {  	[sflag:s23] =	ssyncset.done $0x0  }
0xa4: {  	s25 =	simm.s32 $0x1B8E;
	s24 =	sld [smem:$0x3FFE];
	[sflag:s23] =	ssyncadd.s32 $0xFFFFFFFF  }
0xa5: {  	s26 =	simm.s32 $execute0_lowered;
	[smem:$0x3FD2] =	sst s25  }
0xa6: {  	s5 =	sshll.u32 s26, $0x1;
	_ =	strace $0x8000004C;
	[dreg:$0x1] =	wrdreg $0xFFFFFFFF  }
0xa7: {  	s28 =	simm.s32 $_size_execute0_lowered;
	s3 =	sadd.s32 s3, s5;
	[dreg:$0x0] =	wrdreg $0x0  }
0xa8: {  	s5 =	sshll.u32 s28, $0x1;
	[dreg:$0x2] =	wrdreg s3  }
0xa9: {  	[dreg:$0x3] =	wrdreg s5  }
0xaa: {  	[dreg:$0x4] =	wrdreg $0xC0  }
0xab: {  	_ =	task [dreg:s7], $0x5FFFF  }
0xac: {  	[dreg:$0x1] =	wrdreg $0xFFFFFFFF  }
0xad: {  	[dreg:$0x0] =	wrdreg $0x60  }
0xae: {  	[dreg:$0x2] =	wrdreg s2  }
0xaf: {  	[dreg:$0x3] =	wrdreg s24  }
0xb0: {  	[dreg:$0x4] =	wrdreg $0xA8000  }
0xb1: {  	[dreg:$0x5] =	wrdreg $0x146000  }
0xb2: {  	[dreg:$0x6] =	wrdreg $0x9  }
0xb3: {  	_ =	task.clear_ibuf [dreg:s7], $0x7FFFF;
	_ =	strace $0x9000004C  }
0xb4: {  	s29 =	simm.s32 $0x9;
	_ =	strace $0x8000004E  }
0xb5: {  	_ =	swait.ge [sflag:s29], $0x1  }
0xb6: {  	[sflag:s29] =	ssyncadd.s32 $0xFFFFFFFF  }
0xb7: {  	_ =	strace $0x9000004E  }
0xb8: {  	_ =	sfence  }
0xb9: {  	s30 =	sld [smem:$0x0];
	_ =	sdelay $0x2  }
0xba: {  	s31 =	sshll.u32 s1, $0xD;
	s1 =	sshrl.u32 s1, $0x2  }
0xbb: {  	s3 =	sand.u32 $0x4000, s31;
	s1 =	sadd.s32 s1, s30  }
0xbc: {  	s0 =	sor.u32 s3, s0;
	s1 =	sshll.u32 s1, $0x11  }
0xbd: {  	s0 =	sor.u32 s1, s0  }
0xbe: {  	s0 =	sadd.s32 $0x8F2B, s0  }
0xbf: {  	[sflag:s0] =	ssyncadd.remote.s32 $0x1  }
0xc0: {  	_ =	sfence.sel $0xFFFF  }
0xc1: {  	[dreg:$0x0] =	wrdreg $0xFFFFFFFF;
	(pc) =	sbr.abs _section_cstart, $3  }
0xc2: {  	[dreg:$0x1] =	wrdreg $0xFFFFFFFF  }
0xc3: {  	_ =	task.clear_ibuf [dreg:s7], $0x2FFFF;
	_ =	strace $0x9FFFFFFF  }
0xc4: {  	(tm) =	ssettm $0x7FFFFFFF  }
0xc5: {  	_ =	shalt  }
tec
execute0_lowered:
.L_overlay_start_1:
0x0: {  	(tag) =	ssettag $0x1  }
0x1: {  	s0 =	rddreg [dreg:$0x0]  }
0x2: {  	s1 =	rddreg [dreg:$0x1]  }
0x3: {  	s2 =	rddreg [dreg:$0x2]  }
0x4: {  	s3 =	rddreg [dreg:$0x3]  }
0x5: {  	s5 =	srdreg.scid;
	s14 =	stileid.u32  }
0x6: {  	s4 =	simm.s32 $0x0;
	s16 =	simm.s32 $0x1400;
	s17 =	simm.s32 $0x80  }
0x7: {  	s18 =	simm.s32 $0x2800;
	s19 =	simm.s32 $0x4800;
	s20 =	simm.s32 $0x100  }
0x8: {  	s21 =	simm.s32 $0x6800;
	s22 =	simm.s32 $0x180;
	s28 =	simm.s32 $0x4  }
0x9: {  	s29 =	simm.s32 $0x2600;
	s30 =	simm.s32 $0x2680;
	s31 =	simm.s32 $0x2700  }
0xa: {  	s7 =	sand.u32 $0x1, s5;
	s8 =	smul.u32 $0x13C00, s14;
	[smem:$0x7FF] =	sst s4  }
0xb: {  	s5 =	sadd.s32 $0xD800, s1;
	s6 =	sadd.s32 $0x3800, s1;
	s11 =	sadd.s32 $0x2400, s1  }
0xc: {  	s25 =	sshll.u32 s14, $0x6;
	s9 =	smul.u32 $0x13C000, s7;
	_ =	strace $0x8000004D  }
0xd: {  	s10 =	ssub.s32 $0x2, s7;
	[dreg:$0x5] =	wrdreg s11;
	s7 =	sshll.u32 s7, $0x4  }
0xe: {  	s23 =	sshrl.u32 s10, $0x1;
	s7 =	sor.u32 s14, s7;
	s24 =	sshrl.u32 s8, $0x1  }
0xf: {  	s14 =	simm.s32 $0x5;
	s9 =	sadd.s32 s8, s9;
	s12 =	ssub.s32 s10, s23  }
0x10: {  	s8 =	sshrl.u32 s8, $0x4;
	s13 =	sadd.s32 s24, s2;
	s26 =	sadd.s32 s24, s3  }
0x11: {  	s10 =	smul.u32 $0x2800, s7;
	s23 =	simm.s32 $0x8800;
	s24 =	simm.s32 $0x1  }
0x12: {  	s9 =	sshrl.u32 s9, $0x4;
	s0 =	sadd.s32 s0, s8;
	s12 =	smax.u32 s12, $0x1  }
0x13: {  	s13 =	sshrl.u32 s13, $0x3;
	s15 =	sshrl.u32 s26, $0x3;
	s26 =	simm.s32 $0x3  }
0x14: {  	s1 =	sadd.s32 s9, s1;
	[dreg:$0x6] =	wrdreg s0;
	s9 =	sor.u32 $0x1C05, s25  }
0x15: {  	s25 =	simm.s32 $0x2;
	s0 =	simm.s32 $0x2780;
	s11 =	sadd.s32 $0x3F000, s1  }
.LBB2_1:
0x16: {  	s1 =	rddreg [dreg:$0x6]  }
0x17: {  	[spmem:s13], [sflag:s9] =	dma.local [hbm:s1], $0x13C0  }
0x18: {  	_ =	swait.ge [sflag:s14], $0x13C0  }
0x19: {  	[sflag:s14] =	ssyncset.done $0x0  }
0x1a: {  	s8 =	rddreg [dreg:$0x5];
	[sflag:s14] =	ssyncadd.s32 $0xFFFFEC40  }
0x1b: {  	[spmem:s15], [sflag:s9] =	dma.local [hbm:s8], $0x13C0  }
0x1c: {  	_ =	swait.ge [sflag:s14], $0x13C0  }
0x1d: {  	[sflag:s14] =	ssyncset.done $0x0  }
0x1e: {  	[sflag:s14] =	ssyncadd.s32 $0xFFFFEC40  }
0x1f: {  	p1 =	por $0x1, $0x1;
	s1 =	simm.s32 $0x0;
	[bflag:$0x0] =	sbarrier.arrive $0xFFFF  }
.LBB2_2:
0x20: {  	s1 =	sadd.s32 s10, s1  }
0x21: {  	s1 =	sshrl.u32 s1, $0x3  }
0x22: {  	s8 =	simm.s32 $0x0;
	s7 =	sadd.s32 s5, s1  }
0x23: {  	[tilespmem:s8], [sflag:$0x5] =	stream.linear.gather [hbm4b:s7+s8], $0x1400, $0x38;
	[tilespmem:$0x1E400] =	vst v63  }
0x24: {  	_ =	swait.ge [sflag:s14], $0x1400  }
0x25: {  	[sflag:s14] =	ssyncset.done $0x0  }
0x26: {  	s1 =	sadd.s32 s6, s1;
	[sflag:s14] =	ssyncadd.s32 $0xFFFFEC00  }
0x27: {  	[tilespmem:s16], [sflag:$0x5] =	stream.linear.gather [hbm4b:s1+s8], $0x1400, $0x38;
	[tilespmem:$0x1E400] =	vst v63  }
0x28: {  	_ =	swait.ge [sflag:s14], $0x1400  }
0x29: {  	[sflag:s14] =	ssyncset.done $0x0  }
0x2a: {  	[sflag:s14] =	ssyncadd.s32 $0xFFFFEC00  }
0x2b: {  	[tilespmem:s18], [sflag:$0x1] =	stream.indirect.gather [spmem:s2], $0x40, s8, s17, $0xb8;
	[tilespmem:$0x1E400] =	vst v63  }
0x2c: {  	_ = 	snop  }
0x2d: {  	[tilespmem:s19], [sflag:$0x2] =	stream.indirect.gather [spmem:s2], $0x40, s17, s17, $0xb8;
	[tilespmem:$0x1E400] =	vst v63  }
0x2e: {  	_ = 	snop  }
0x2f: {  	[tilespmem:s21], [sflag:$0x3] =	stream.indirect.gather [spmem:s2], $0x40, s20, s17, $0xb8;
	[tilespmem:$0x1E400] =	vst v63  }
0x30: {  	_ = 	snop  }
0x31: {  	[tilespmem:s23], [sflag:$0x4] =	stream.indirect.gather [spmem:s2], $0x40, s22, s17, $0xb8;
	[tilespmem:$0x1E400] =	vst v63  }
0x32: {  	_ =	swait.ge [sflag:s24], $0x2000  }
0x33: {  	[sflag:s24] =	ssyncset.done $0x0  }
0x34: {  	s8 =	simm.s32 $0x1400;
	[sflag:s24] =	ssyncadd.s32 $0xFFFFE000  }
0x35: {  	[spmem:s3] =	stream.indirect.scatter.add.bf16 [tilespmem:s18], [sflag:$0x5], $0x40, s8, s17, $0xb8;
	[tilespmem:$0x1E400] =	vst v63  }
0x36: {  	_ =	swait.ge [sflag:s14], $0x2000  }
0x37: {  	[sflag:s14] =	ssyncset.done $0x0  }
0x38: {  	s7 =	simm.s32 $0x200;
	[sflag:s14] =	ssyncadd.s32 $0xFFFFE000  }
0x39: {  	[tilespmem:s18], [sflag:$0x1] =	stream.indirect.gather [spmem:s2], $0x40, s7, s17, $0xb8;
	[tilespmem:$0x1E400] =	vst v63  }
0x3a: {  	_ =	swait.ge [sflag:s25], $0x2000  }
0x3b: {  	[sflag:s25] =	ssyncset.done $0x0  }
0x3c: {  	s8 =	simm.s32 $0x1480;
	[sflag:s25] =	ssyncadd.s32 $0xFFFFE000  }
0x3d: {  	[spmem:s3] =	stream.indirect.scatter.add.bf16 [tilespmem:s19], [sflag:$0x5], $0x40, s8, s17, $0xb8;
	[tilespmem:$0x1E400] =	vst v63  }
0x3e: {  	_ =	swait.ge [sflag:s14], $0x2000  }
0x3f: {  	[sflag:s14] =	ssyncset.done $0x0  }
0x40: {  	s7 =	simm.s32 $0x280;
	[sflag:s14] =	ssyncadd.s32 $0xFFFFE000  }
0x41: {  	[tilespmem:s19], [sflag:$0x2] =	stream.indirect.gather [spmem:s2], $0x40, s7, s17, $0xb8;
	[tilespmem:$0x1E400] =	vst v63  }
0x42: {  	_ =	swait.ge [sflag:s26], $0x2000  }
0x43: {  	[sflag:s26] =	ssyncset.done $0x0  }
0x44: {  	s8 =	simm.s32 $0x1500;
	[sflag:s26] =	ssyncadd.s32 $0xFFFFE000  }
0x45: {  	[spmem:s3] =	stream.indirect.scatter.add.bf16 [tilespmem:s21], [sflag:$0x5], $0x40, s8, s17, $0xb8;
	[tilespmem:$0x1E400] =	vst v63  }
0x46: {  	_ =	swait.ge [sflag:s14], $0x2000  }
0x47: {  	[sflag:s14] =	ssyncset.done $0x0  }
0x48: {  	s7 =	simm.s32 $0x300;
	[sflag:s14] =	ssyncadd.s32 $0xFFFFE000  }
0x49: {  	[tilespmem:s21], [sflag:$0x3] =	stream.indirect.gather [spmem:s2], $0x40, s7, s17, $0xb8;
	[tilespmem:$0x1E400] =	vst v63  }
0x4a: {  	_ =	swait.ge [sflag:s28], $0x2000  }
0x4b: {  	[sflag:s28] =	ssyncset.done $0x0  }
0x4c: {  	s8 =	simm.s32 $0x1580;
	[sflag:s28] =	ssyncadd.s32 $0xFFFFE000  }
0x4d: {  	[spmem:s3] =	stream.indirect.scatter.add.bf16 [tilespmem:s23], [sflag:$0x5], $0x40, s8, s17, $0xb8;
	[tilespmem:$0x1E400] =	vst v63  }
0x4e: {  	_ =	swait.ge [sflag:s14], $0x2000  }
0x4f: {  	p0 =	por p1, p1;
	[sflag:s14] =	ssyncset.done $0x0  }
0x50: {  	s1 =	simm.s32 $0x800;
	s7 =	simm.s32 $0x380;
	[sflag:s14] =	ssyncadd.s32 $0xFFFFE000  }
.LBB2_3:
0x51: {  	[tilespmem:s23], [sflag:$0x4] =	stream.indirect.gather [spmem:s2], $0x40, s7, s17, $0xb8;
	[tilespmem:$0x1E400] =	vst v63  }
0x52: {  	s7 =	smov.u32 s1  }
0x53: {  	p1 =	sne.s32 s1, $0x4000;
	s1 =	sadd.s32 $0x800, s1;
	_ =	swait.ge [sflag:s24], $0x2000  }
0x54: {  	s7 =	sshra.s32 s7, $0x2;
	[sflag:s24] =	ssyncset.done $0x0  }
0x55: {  	s8 =	sadd.s32 $0x1400, s7;
	[sflag:s24] =	ssyncadd.s32 $0xFFFFE000  }
0x56: {  	[spmem:s3] =	stream.indirect.scatter.add.bf16 [tilespmem:s18], [sflag:$0x5], $0x40, s8, s17, $0xb8;
	[tilespmem:$0x1E400] =	vst v63  }
0x57: {  	_ =	swait.ge [sflag:s14], $0x2000  }
0x58: {  	[sflag:s14] =	ssyncset.done $0x0  }
0x59: {  	s8 =	sadd.s32 $0x200, s7;
	[sflag:s14] =	ssyncadd.s32 $0xFFFFE000  }
0x5a: {  	[tilespmem:s18], [sflag:$0x1] =	stream.indirect.gather [spmem:s2], $0x40, s8, s17, $0xb8;
	[tilespmem:$0x1E400] =	vst v63  }
0x5b: {  	_ =	swait.ge [sflag:s25], $0x2000  }
0x5c: {  	[sflag:s25] =	ssyncset.done $0x0  }
0x5d: {  	s8 =	sadd.s32 $0x1480, s7;
	[sflag:s25] =	ssyncadd.s32 $0xFFFFE000  }
0x5e: {  	[spmem:s3] =	stream.indirect.scatter.add.bf16 [tilespmem:s19], [sflag:$0x5], $0x40, s8, s17, $0xb8;
	[tilespmem:$0x1E400] =	vst v63  }
0x5f: {  	_ =	swait.ge [sflag:s14], $0x2000  }
0x60: {  	[sflag:s14] =	ssyncset.done $0x0  }
0x61: {  	s8 =	sadd.s32 $0x280, s7;
	[sflag:s14] =	ssyncadd.s32 $0xFFFFE000  }
0x62: {  	[tilespmem:s19], [sflag:$0x2] =	stream.indirect.gather [spmem:s2], $0x40, s8, s17, $0xb8;
	[tilespmem:$0x1E400] =	vst v63  }
0x63: {  	_ =	swait.ge [sflag:s26], $0x2000  }
0x64: {  	[sflag:s26] =	ssyncset.done $0x0  }
0x65: {  	s8 =	sadd.s32 $0x1500, s7;
	[sflag:s26] =	ssyncadd.s32 $0xFFFFE000  }
0x66: {  	[spmem:s3] =	stream.indirect.scatter.add.bf16 [tilespmem:s21], [sflag:$0x5], $0x40, s8, s17, $0xb8;
	[tilespmem:$0x1E400] =	vst v63  }
0x67: {  	_ =	swait.ge [sflag:s14], $0x2000  }
0x68: {  	[sflag:s14] =	ssyncset.done $0x0  }
0x69: {  	s8 =	sadd.s32 $0x300, s7;
	[sflag:s14] =	ssyncadd.s32 $0xFFFFE000  }
0x6a: {  	[tilespmem:s21], [sflag:$0x3] =	stream.indirect.gather [spmem:s2], $0x40, s8, s17, $0xb8;
	[tilespmem:$0x1E400] =	vst v63  }
0x6b: {  	_ =	swait.ge [sflag:s28], $0x2000  }
0x6c: {  	[sflag:s28] =	ssyncset.done $0x0  }
.Ltmp0:
0x6d: {  	s8 =	sadd.s32 $0x1580, s7;
	[sflag:s28] =	ssyncadd.s32 $0xFFFFE000;
	(pc) =	sbr.rel @p1 .LBB2_3-.Ltmp0, $4  }
0x6e: {  	[spmem:s3] =	stream.indirect.scatter.add.bf16 [tilespmem:s23], [sflag:$0x5], $0x40, s8, s17, $0xb8;
	[tilespmem:$0x1E400] =	vst v63  }
0x6f: {  	_ =	swait.ge [sflag:s14], $0x2000  }
0x70: {  	[sflag:s14] =	ssyncset.done $0x0  }
0x71: {  	s7 =	sadd.s32 $0x380, s7;
	[sflag:s14] =	ssyncadd.s32 $0xFFFFE000  }
0x72: {  	[tilespmem:s23], [sflag:$0x4] =	stream.indirect.gather [spmem:s2], $0x40, s7, s17, $0xb8;
	[tilespmem:$0x1E400] =	vst v63  }
0x73: {  	_ =	swait.ge [sflag:s24], $0x2000  }
0x74: {  	[sflag:s24] =	ssyncset.done $0x0  }
0x75: {  	[sflag:s24] =	ssyncadd.s32 $0xFFFFE000  }
0x76: {  	[spmem:s3] =	stream.indirect.scatter.add.bf16 [tilespmem:s18], [sflag:$0x5], $0x40, s29, s17, $0xb8;
	[tilespmem:$0x1E400] =	vst v63  }
0x77: {  	_ =	swait.ge [sflag:s14], $0x2000  }
0x78: {  	[sflag:s14] =	ssyncset.done $0x0  }
0x79: {  	[sflag:s14] =	ssyncadd.s32 $0xFFFFE000  }
0x7a: {  	_ =	swait.ge [sflag:s25], $0x2000  }
0x7b: {  	[sflag:s25] =	ssyncset.done $0x0  }
0x7c: {  	[sflag:s25] =	ssyncadd.s32 $0xFFFFE000  }
0x7d: {  	[spmem:s3] =	stream.indirect.scatter.add.bf16 [tilespmem:s19], [sflag:$0x5], $0x40, s30, s17, $0xb8;
	[tilespmem:$0x1E400] =	vst v63  }
0x7e: {  	_ =	swait.ge [sflag:s14], $0x2000  }
0x7f: {  	[sflag:s14] =	ssyncset.done $0x0  }
0x80: {  	[sflag:s14] =	ssyncadd.s32 $0xFFFFE000  }
0x81: {  	_ =	swait.ge [sflag:s26], $0x2000  }
0x82: {  	[sflag:s26] =	ssyncset.done $0x0  }
0x83: {  	[sflag:s26] =	ssyncadd.s32 $0xFFFFE000  }
0x84: {  	[spmem:s3] =	stream.indirect.scatter.add.bf16 [tilespmem:s21], [sflag:$0x5], $0x40, s31, s17, $0xb8;
	[tilespmem:$0x1E400] =	vst v63  }
0x85: {  	_ =	swait.ge [sflag:s14], $0x2000  }
0x86: {  	[sflag:s14] =	ssyncset.done $0x0  }
0x87: {  	[sflag:s14] =	ssyncadd.s32 $0xFFFFE000  }
0x88: {  	_ =	swait.ge [sflag:s28], $0x2000  }
0x89: {  	[sflag:s28] =	ssyncset.done $0x0  }
.Ltmp1:
0x8a: {  	[sflag:s28] =	ssyncadd.s32 $0xFFFFE000;
	(pc) =	sbr.rel @p0 .LBB2_2-.Ltmp1, $4  }
0x8b: {  	[spmem:s3] =	stream.indirect.scatter.add.bf16 [tilespmem:s23], [sflag:$0x5], $0x40, s0, s17, $0xb8;
	[tilespmem:$0x1E400] =	vst v63  }
0x8c: {  	_ =	swait.ge [sflag:s14], $0x2000  }
0x8d: {  	[sflag:s14] =	ssyncset.done $0x0  }
0x8e: {  	s1 =	simm.s32 $0x1400;
	p1 =	por $0x0, $0x0;
	[sflag:s14] =	ssyncadd.s32 $0xFFFFE000  }
0x8f: {  	s4 =	sadd.s32 $0x1, s4  }
0x90: {  	p0 =	sne.s32 s4, s12  }
.Ltmp2:
0x91: {  	[bflag:$0x0] =	sbarrier.arrive $0xFFFF;
	(pc) =	sbr.rel @p0 .LBB2_1-.Ltmp2, $4  }
0x92: {  	[hbm:s11], [sflag:s9] =	dma.local [spmem:s15], $0x13C0  }
0x93: {  	_ =	swait.ge [sflag:s14], $0x13C0  }
0x94: {  	[sflag:s14] =	ssyncset.done $0x0  }
0x95: {  	[sflag:s14] =	ssyncadd.s32 $0xFFFFEC40  }
0x96: {  	_ =	sfence.sel $0x180000  }
0x97: {  	[bflag:$0x0] =	sbarrier.arrive $0xFFFF  }
0x98: {  	_ =	strace $0x9000004D  }
0x99: {  	s0 =	stileid.u32;
	[bflag:$0x2] =	sbarrier.arrive $0xFFFF  }
0x9a: {  	p0 =	sne.s32 s0, $0x0;
	s0 =	rddreg [dreg:$0x4]  }
0x9b: {  	s0 =	sadd.s32 @!p0 $0x100000, s0  }
0x9c: {  	[sflag:s0] =	ssyncadd.tile.s32 @!p0 $0x1;
	_ =	shalt  }
.Lfunc_end2:
_tile_overlayer_lowered:
.L_overlay_start_2:
0x9d: {  	(tag) =	ssettag $0x2  }
0x9e: {  	s0 =	rddreg [dreg:$0x0];
	s2 =	stileid.u32  }
0x9f: {  	s1 =	rddreg [dreg:$0x1];
	p0 =	sne.s32 s2, $0x0  }
0xa0: {  	s3 =	rddreg [dreg:$0x2];
	[bflag:$0x3] =	sbarrier.arrive $0xFFFF;
	s2 =	simm.s32 @!p0 $0x1C05  }
0xa1: {  	[timem:s3], [sflag:s2] =	dma.local @!p0 [hbm:s0], s1  }
0xa2: {  	s0 =	simm.s32 @!p0 $0x5  }
0xa3: {  	_ =	swait.ge @!p0 [sflag:s0], s1  }
0xa4: {  	s1 =	ssub.s32 @!p0 $0x0, s1;
	[sflag:s0] =	ssyncset.done @!p0 $0x0  }
0xa5: {  	[sflag:s0] =	ssyncadd.s32 @!p0 s1  }
0xa6: {  	[bflag:$0x3] =	sbarrier.arrive $0xFFFF  }
0xa7: {  	_ =	shalt  }

// kernel: kernel.7.cloned.1.call-start
scs
__scs_entry_jumppad:
0x0: {  	(pc) =	sbr.rel $0x88, $3  }
0x1: {  	(tag) =	ssettag $0x0;
	lr =	simm.s32 $0x1  }
0x2: {  	[smem:$0x3F99] =	sst lr;
	_ =	strace $0xD0000000  }
0x3: {  	_ = 	snop  }
0x4: {  	_ = 	snop  }
0x5: {  	_ = 	snop  }
0x6: {  	_ = 	snop  }
0x7: {  	_ = 	snop  }
__scs_overlays_trampoline_lowered:
0x8: {  	[smem:$0x3FA8] =	sst s0  }
0x9: {  	[smem:$0x3FA9] =	sst s1  }
0xa: {  	[smem:$0x3FAA] =	sst s2  }
0xb: {  	[smem:$0x3FAB] =	sst s3  }
0xc: {  	[smem:$0x3FAC] =	sst s4  }
0xd: {  	[smem:$0x3FAD] =	sst s5  }
0xe: {  	[smem:$0x3FAE] =	sst s6  }
0xf: {  	[smem:$0x3FAF] =	sst s7  }
0x10: {  	[smem:$0x3FB0] =	sst s8  }
0x11: {  	[smem:$0x3FB1] =	sst s9;
	s0 =	simm.s32 @!p0 $0x0  }
0x12: {  	s1 =	sld [smem:$0x3F97];
	s0 =	simm.s32 @p0 $0x1  }
0x13: {  	[smem:$0x3FB2] =	sst s0;
	s0 =	simm.s32 @!p1 $0x0  }
0x14: {  	s2 =	sld [smem:$0x3F96];
	s0 =	simm.s32 @p1 $0x1  }
0x15: {  	[smem:$0x3FB3] =	sst s0;
	s0 =	simm.s32 @!p2 $0x0  }
0x16: {  	s3 =	sld [smem:$0x3FDB];
	s0 =	simm.s32 @p2 $0x1  }
0x17: {  	s4 =	simm.s32 $0x1BF5;
	[smem:$0x3FB5] =	sst s0  }
0x18: {  	s0 =	sld [smem:$0x3F98];
	_ =	swait.ge [sflag:s4], $0x0  }
0x19: {  	s7 =	sld [smem:$0x3F99]  }
0x1a: {  	s8 =	sadd.s32 $0xFFFFE003, lr  }
0x1b: {  	s9 =	sadd.s32 $0xFFFFFEF7, lr;
	s5 =	simm.s32 $0xFFFFFFFF;
	p2 =	slt.u32 s8, $0xFFFFF086  }
0x1c: {  	p1 =	slt.u32 s9, $0xF7A;
	s5 =	simm.s32 @!p2 $0x0  }
0x1d: {  	s5 =	simm.s32 @p1 $0x1;
	p0 =	seq.s32 s7, s2  }
0x1e: {  	s7 =	smul.u32 @!p0 $0xF7A, s2;
	p2 =	seq.s32 @!p0 s5, $0x0  }
0x1f: {  	s9 =	smul.u32 $0xF7A, s1;
	s8 =	simm.s32 @!p0 $0x1BF5;
	p2 =	por !p2, p0  }
0x20: {  	[sflag:s8] =	ssyncset.s32 @!p0 $0xFFFFF086;
	s6 =	sadd.s32 @!p0 s3, s7;
	s7 =	simm.s32 @!p0 $0x108  }
0x21: {  	s3 =	sadd.s32 s3, s9;
	s6 =	sadd.s32 @!p0 $0x88, s6;
	s7 =	simm.s32 @p2 $0x1082  }
0x22: {  	[simem:s7], [sflag:s8] =	dma.local @!p0 [hbm:s6], $0xF7A  }
0x23: {  	s9 =	sor.u32 $0xD0000000, s2;
	s6 =	simm.s32 $0x108;
	_ =	swait.ge @!p0 [sflag:s8], $0x0  }
0x24: {  	s3 =	sadd.s32 $0x88, s3;
	s6 =	simm.s32 @!p1 $0x1082;
	[sflag:s4] =	ssyncset.s32 $0xFFFFF086  }
0x25: {  	[simem:s6], [sflag:s4] =	dma.local [hbm:s3], $0xF7A  }
0x26: {  	[smem:$0x3F99] =	sst s1;
	(tag) =	ssettag s2;
	_ =	strace s9  }
0x27: {  	s1 =	sld [smem:$0x3FA9]  }
0x28: {  	s2 =	sld [smem:$0x3FAA]  }
0x29: {  	s4 =	sld [smem:$0x3FAC]  }
0x2a: {  	p0 =	seq.s32 s5, $0x0;
	s5 =	sld [smem:$0x3FAD]  }
0x2b: {  	s6 =	sld [smem:$0x3FAE]  }
0x2c: {  	s7 =	sld [smem:$0x3FAF]  }
0x2d: {  	s3 =	simm.s32 $0x108;
	s8 =	sld [smem:$0x3FB0]  }
0x2e: {  	s3 =	simm.s32 @!p0 $0x1082;
	s9 =	sld [smem:$0x3FB1]  }
0x2f: {  	lr =	sadd.s32 s0, s3;
	s0 =	sld [smem:$0x3FA8]  }
0x30: {  	s3 =	sld [smem:$0x3FAB]  }
0x31: {  	[smem:$0x3FB4] =	sst s10  }
0x32: {  	s10 =	sld [smem:$0x3FB2];
	_ =	sdelay $0x3  }
0x33: {  	p0 =	seq.s32 s10, $0x1;
	s10 =	sld [smem:$0x3FB4];
	_ =	sdelay $0x3  }
0x34: {  	[smem:$0x3FB4] =	sst s10  }
0x35: {  	s10 =	sld [smem:$0x3FB3];
	_ =	sdelay $0x3  }
0x36: {  	p1 =	seq.s32 s10, $0x1;
	s10 =	sld [smem:$0x3FB4];
	_ =	sdelay $0x3  }
0x37: {  	[smem:$0x3FB4] =	sst s10  }
0x38: {  	s10 =	sld [smem:$0x3FB5]  }
0x39: {  	_ = 	snop;
	(pc) =	sbr.ind lr, $3  }
0x3a: {  	_ = 	snop  }
0x3b: {  	_ = 	snop  }
0x3c: {  	p2 =	seq.s32 s10, $0x1;
	s10 =	sld [smem:$0x3FB4]  }
0x3d: {  	_ =	shalt  }
0x3e: {  	_ =	shalt  }
0x3f: {  	_ =	shalt  }
0x40: {  	_ =	shalt  }
0x41: {  	_ =	shalt  }
0x42: {  	_ =	shalt  }
0x43: {  	_ =	shalt  }
0x44: {  	_ =	shalt  }
0x45: {  	_ =	shalt  }
0x46: {  	_ =	shalt  }
0x47: {  	_ =	shalt  }
0x48: {  	_ =	shalt  }
0x49: {  	_ =	shalt  }
0x4a: {  	_ =	shalt  }
0x4b: {  	_ =	shalt  }
0x4c: {  	_ =	shalt  }
0x4d: {  	_ =	shalt  }
0x4e: {  	_ =	shalt  }
0x4f: {  	_ =	shalt  }
0x50: {  	_ =	shalt  }
0x51: {  	_ =	shalt  }
0x52: {  	_ =	shalt  }
0x53: {  	_ =	shalt  }
0x54: {  	_ =	shalt  }
0x55: {  	_ =	shalt  }
0x56: {  	_ =	shalt  }
0x57: {  	_ =	shalt  }
0x58: {  	_ =	shalt  }
0x59: {  	_ =	shalt  }
0x5a: {  	_ =	shalt  }
0x5b: {  	_ =	shalt  }
0x5c: {  	_ =	shalt  }
0x5d: {  	_ =	shalt  }
0x5e: {  	_ =	shalt  }
0x5f: {  	_ =	shalt  }
0x60: {  	_ =	shalt  }
0x61: {  	_ =	shalt  }
0x62: {  	_ =	shalt  }
0x63: {  	_ =	shalt  }
0x64: {  	_ =	shalt  }
0x65: {  	_ =	shalt  }
0x66: {  	_ =	shalt  }
0x67: {  	_ =	shalt  }
0x68: {  	_ =	shalt  }
0x69: {  	_ =	shalt  }
0x6a: {  	_ =	shalt  }
0x6b: {  	_ =	shalt  }
0x6c: {  	_ =	shalt  }
0x6d: {  	_ =	shalt  }
0x6e: {  	_ =	shalt  }
0x6f: {  	_ =	shalt  }
0x70: {  	_ =	shalt  }
0x71: {  	_ =	shalt  }
0x72: {  	_ =	shalt  }
0x73: {  	_ =	shalt  }
0x74: {  	_ =	shalt  }
0x75: {  	_ =	shalt  }
0x76: {  	_ =	shalt  }
0x77: {  	_ =	shalt  }
0x78: {  	_ =	shalt  }
0x79: {  	_ =	shalt  }
0x7a: {  	_ =	shalt  }
0x7b: {  	_ =	shalt  }
0x7c: {  	_ =	shalt  }
0x7d: {  	_ =	shalt  }
0x7e: {  	_ =	shalt  }
0x7f: {  	_ =	shalt  }
0x80: {  	_ =	shalt  }
0x81: {  	_ =	shalt  }
0x82: {  	_ =	shalt  }
0x83: {  	_ =	shalt  }
0x84: {  	_ =	shalt  }
0x85: {  	_ =	shalt  }
0x86: {  	_ =	shalt  }
0x87: {  	_ =	shalt  }
.Lfunc_end0:
.L_simem_size_0:
called_computation_lowered:
.L_overlay_start_0:
0x88: {  	s2 =	sld [smem:$0x3FD9]  }
0x89: {  	s3 =	sld [smem:$0x3FFE];
	_ =	sdelay $0x1  }
0x8a: {  	s1 =	srdreg.scid  }
0x8b: {  	s0 =	sand.u32 $0x1, s1  }
0x8c: {  	s17 =	sshll.u32 s0, $0xA;
	s2 =	sadd.s32 s3, s2  }
0x8d: {  	s2 =	sadd.s32 s2, s17  }
0x8e: {  	[smem:$0x3FC0] =	sst s2  }
0x8f: {  	_ = 	snop  }
0x90: {  	(tm) =	ssettm $0x1  }
0x91: {  	s18 =	sld [smem:$0x3FFB];
	_ =	sdelay $0x3  }
0x92: {  	_ =	strace s18  }
0x93: {  	s2 =	sld [smem:$0x3FFC];
	_ =	sdelay $0x3  }
0x94: {  	_ =	strace s2  }
0x95: {  	s2 =	sld [smem:$0x3FFD];
	_ =	sdelay $0x3  }
0x96: {  	_ =	strace s2  }
0x97: {  	_ =	strace $0x8FFFFFFF  }
0x98: {  	s19 =	sld [smem:$0x3FDB];
	_ =	sdelay $0x1  }
0x99: {  	s20 =	simm.s32 $_scs_section_size  }
0x9a: {  	s4 =	simm.s32 $_size__tile_overlayer_lowered;
	s5 =	simm.s32 $_tile_overlayer_lowered  }
0x9b: {  	s6 =	simm.s32 $0x1BFF;
	s21 =	sshll.u32 s5, $0x1;
	s3 =	sadd.s32 s20, s19  }
0x9c: {  	s22 =	simm.s32 $0x0;
	s4 =	sshll.u32 s4, $0x1;
	s5 =	sadd.s32 s21, s3  }
0x9d: {  	[timem:s22], [sflag:s6] =	dma.local [hbm:s5], s4  }
0x9e: {  	_ =	swait.ge [sflag:s6], s4  }
0x9f: {  	s4 =	ssub.s32 $0x0, s4;
	[sflag:s6] =	ssyncset.done $0x0  }
0xa0: {  	[sflag:s6] =	ssyncadd.s32 s4;
	_ =	sdelay $0x1  }
0xa1: {  	s23 =	simm.s32 $0x1B8B  }
0xa2: {  	_ =	swait.ge [sflag:s23], $0x1  }
0xa3: {  	[sflag:s23] =	ssyncset.done $0x0  }
0xa4: {  	[sflag:s23] =	ssyncadd.s32 $0xFFFFFFFF  }
0xa5: {  	s4 =	sld [smem:$0x0]  }
0xa6: {  	s5 =	sand.u32 $0xFFFFFFFE, s1  }
0xa7: {  	p0 =	sne.s32 s1, s5  }
0xa8: {  	s5 =	sshll.u32 @p0 s5, $0xE  }
0xa9: {  	s5 =	sadd.s32 @p0 $0x11B8D, s5;
	s6 =	sshll.u32 @p0 s4, $0x11  }
0xaa: {  	s5 =	sor.u32 @p0 s6, s5  }
0xab: {  	[sflag:s5] =	ssyncadd.remote.s32 @p0 $0x1;
	_ =	sdelay $0x1  }
0xac: {  	s5 =	simm.s32 @p0 $0x1B8D  }
0xad: {  	_ =	swait.eq @p0 [sflag:s5], $0x1  }
0xae: {  	[sflag:s5] =	ssyncadd.s32 @p0 $0xFFFFFFFF  }
0xaf: {  	s6 =	sshll.u32 @!p0 s1, $0xE  }
0xb0: {  	s6 =	sor.u32 @!p0 $0x4000, s6;
	s5 =	simm.s32 @!p0 $0x1B8D  }
0xb1: {  	s4 =	sshll.u32 @!p0 s4, $0x11;
	s6 =	sadd.s32 @!p0 $0x11B8D, s6;
	_ =	swait.eq @!p0 [sflag:s5], $0x1  }
0xb2: {  	s4 =	sor.u32 @!p0 s4, s6;
	[sflag:s5] =	ssyncadd.s32 @!p0 $0xFFFFFFFF  }
0xb3: {  	s25 =	simm.s32 $0x1B8E;
	s24 =	sld [smem:$0x3FFE];
	[sflag:s4] =	ssyncadd.remote.s32 @!p0 $0x1  }
0xb4: {  	s26 =	simm.s32 $execute0_lowered;
	[smem:$0x3FD2] =	sst s25  }
0xb5: {  	s5 =	sshll.u32 s26, $0x1;
	_ =	strace $0x80000049;
	[dreg:$0x1] =	wrdreg $0xFFFFFFFF  }
0xb6: {  	s28 =	simm.s32 $_size_execute0_lowered;
	s3 =	sadd.s32 s3, s5;
	[dreg:$0x0] =	wrdreg $0x0  }
0xb7: {  	s5 =	sshll.u32 s28, $0x1;
	[dreg:$0x2] =	wrdreg s3  }
0xb8: {  	[dreg:$0x3] =	wrdreg s5  }
0xb9: {  	[dreg:$0x4] =	wrdreg $0xC0  }
0xba: {  	_ =	task [dreg:s22], $0x5FFFF  }
0xbb: {  	[dreg:$0x1] =	wrdreg $0xFFFFFFFF  }
0xbc: {  	[dreg:$0x0] =	wrdreg $0x60  }
0xbd: {  	[dreg:$0x2] =	wrdreg s24  }
0xbe: {  	[dreg:$0x3] =	wrdreg $0x34000  }
0xbf: {  	[dreg:$0x4] =	wrdreg $0x9  }
0xc0: {  	_ =	task.clear_ibuf [dreg:s22], $0x5FFFF;
	_ =	strace $0x90000049  }
0xc1: {  	s29 =	simm.s32 $0x9;
	_ =	strace $0x8000004B  }
0xc2: {  	_ =	swait.ge [sflag:s29], $0x1  }
0xc3: {  	[sflag:s29] =	ssyncadd.s32 $0xFFFFFFFF  }
0xc4: {  	_ =	strace $0x9000004B  }
0xc5: {  	_ =	sfence  }
0xc6: {  	s30 =	sld [smem:$0x0];
	_ =	sdelay $0x2  }
0xc7: {  	s31 =	sshll.u32 s1, $0xD;
	s1 =	sshrl.u32 s1, $0x2  }
0xc8: {  	s4 =	sand.u32 $0x4000, s31;
	s1 =	sadd.s32 s1, s30  }
0xc9: {  	s0 =	sor.u32 s4, s0;
	s1 =	sshll.u32 s1, $0x11  }
0xca: {  	s0 =	sor.u32 s1, s0  }
0xcb: {  	s0 =	sadd.s32 $0x8F2B, s0  }
0xcc: {  	[sflag:s0] =	ssyncadd.remote.s32 $0x1  }
0xcd: {  	_ =	sfence.sel $0xFFFF  }
0xce: {  	[dreg:$0x0] =	wrdreg $0xFFFFFFFF;
	(pc) =	sbr.abs _section_cstart, $3  }
0xcf: {  	[dreg:$0x1] =	wrdreg $0xFFFFFFFF  }
0xd0: {  	_ =	task.clear_ibuf [dreg:s22], $0x2FFFF;
	_ =	strace $0x9FFFFFFF  }
0xd1: {  	(tm) =	ssettm $0x7FFFFFFF  }
tec
execute0_lowered:
.L_overlay_start_1:
0x0: {  	(tag) =	ssettag $0x1  }
0x1: {  	s7 =	rddreg [dreg:$0x0]  }
0x2: {  	s0 =	srdreg.scid;
	s2 =	rddreg [dreg:$0x1]  }
0x3: {  	s3 =	simm.s32 $0x0;
	s12 =	simm.s32 $0x3;
	s13 =	simm.s32 $0x1400  }
0x4: {  	s14 =	simm.s32 $0x80;
	s15 =	simm.s32 $0x1;
	s16 =	simm.s32 $0x2  }
0x5: {  	s17 =	simm.s32 $0x0;
	s6 =	sand.u32 $0x1, s0;
	s0 =	stileid.u32  }
0x6: {  	[smem:$0x7FF] =	sst s3;
	s1 =	sshll.u32 s6, $0x4;
	s8 =	smul.u32 $0x13C00, s0  }
0x7: {  	s5 =	smul.u32 $0x13C000, s6;
	s6 =	ssub.s32 $0x2, s6;
	s1 =	sor.u32 s0, s1  }
0x8: {  	s31 =	sshll.u32 s0, $0x6;
	s30 =	sshrl.u32 s6, $0x1;
	s4 =	smul.u32 $0x2800, s1  }
0x9: {  	s1 =	rddreg [dreg:$0x2];
	s9 =	sadd.s32 s8, s5;
	s8 =	sshrl.u32 s8, $0x1  }
0xa: {  	_ =	strace $0x8000004A;
	s5 =	sadd.s32 $0x3F000, s7;
	s11 =	sadd.s32 s8, s2  }
0xb: {  	s9 =	sshrl.u32 s9, $0x4;
	s4 =	sshrl.u32 s4, $0x3;
	s11 =	sshrl.u32 s11, $0x3  }
0xc: {  	s10 =	sadd.s32 s4, s7;
	s4 =	sadd.s32 $0x2400, s7;
	s7 =	sadd.s32 s9, s7  }
0xd: {  	s9 =	ssub.s32 s6, s30;
	s6 =	sor.u32 $0x1C03, s31;
	s7 =	sadd.s32 $0x3F400, s7  }
0xe: {  	s8 =	smax.u32 s9, $0x1;
	s9 =	sadd.s32 $0x3800, s10;
	s10 =	sadd.s32 $0x3A80, s10  }
.LBB2_1:
0xf: {  	[spmem:s11], [sflag:s6] =	dma.local [hbm:s4], $0x13C0  }
0x10: {  	_ =	swait.ge [sflag:s12], $0x13C0  }
0x11: {  	[sflag:s12] =	ssyncset.done $0x0  }
0x12: {  	[sflag:s12] =	ssyncadd.s32 $0xFFFFEC40  }
0x13: {  	[bflag:$0x0] =	sbarrier.arrive $0xFFFF  }
0x14: {  	[tilespmem:s13], [sflag:$0x3] =	stream.linear.gather [hbm4b:s5+s3], $0x2000, $0x38;
	[tilespmem:$0xD200] =	vst v63  }
0x15: {  	_ =	swait.ge [sflag:s12], $0x2000  }
0x16: {  	[sflag:s12] =	ssyncset.done $0x0  }
0x17: {  	[sflag:s12] =	ssyncadd.s32 $0xFFFFE000  }
0x18: {  	[tilespmem:s3], [sflag:$0x3] =	stream.linear.gather [hbm4b:s9+s3], $0x1400, $0x38;
	[tilespmem:$0xD200] =	vst v63  }
0x19: {  	_ =	swait.ge [sflag:s12], $0x1400  }
0x1a: {  	[sflag:s12] =	ssyncset.done $0x0  }
0x1b: {  	[sflag:s12] =	ssyncadd.s32 $0xFFFFEC00  }
0x1c: {  	[spmem:s2] =	stream.indirect.scatter.add.bf16 [tilespmem:s13], [sflag:$0x1], $0x40, s3, s14, $0xb8;
	[tilespmem:$0xD200] =	vst v63  }
0x1d: {  	_ = 	snop  }
0x1e: {  	[spmem:s2] =	stream.indirect.scatter.add.bf16 [tilespmem:s13], [sflag:$0x2], $0x40, s14, s14, $0xb8;
	[tilespmem:$0xD200] =	vst v63  }
0x1f: {  	_ =	swait.ge [sflag:s15], $0x2000  }
0x20: {  	[sflag:s15] =	ssyncset.done $0x0  }
0x21: {  	s18 =	simm.s32 $0x100;
	[sflag:s15] =	ssyncadd.s32 $0xFFFFE000  }
0x22: {  	[spmem:s2] =	stream.indirect.scatter.add.bf16 [tilespmem:s13], [sflag:$0x1], $0x40, s18, s14, $0xb8;
	[tilespmem:$0xD200] =	vst v63  }
0x23: {  	_ =	swait.ge [sflag:s16], $0x2000  }
0x24: {  	[sflag:s16] =	ssyncset.done $0x0  }
0x25: {  	s19 =	simm.s32 $0x180;
	s18 =	simm.s32 $0xFFFFB800;
	[sflag:s16] =	ssyncadd.s32 $0xFFFFE000  }
.LBB2_2:
0x26: {  	[spmem:s2] =	stream.indirect.scatter.add.bf16 [tilespmem:s13], [sflag:$0x2], $0x40, s19, s14, $0xb8;
	[tilespmem:$0xD200] =	vst v63  }
0x27: {  	s19 =	smov.u32 s18  }
0x28: {  	p0 =	sne.s32 s18, $0xFFFFFC00;
	s18 =	sadd.s32 $0x400, s18;
	_ =	swait.ge [sflag:s15], $0x2000  }
0x29: {  	s19 =	sshra.s32 s19, $0x2;
	[sflag:s15] =	ssyncset.done $0x0  }
.Ltmp0:
0x2a: {  	s20 =	sadd.s32 $0x1400, s19;
	[sflag:s15] =	ssyncadd.s32 $0xFFFFE000;
	(pc) =	sbr.rel @p0 .LBB2_2-.Ltmp0, $4  }
0x2b: {  	[spmem:s2] =	stream.indirect.scatter.add.bf16 [tilespmem:s13], [sflag:$0x1], $0x40, s20, s14, $0xb8;
	[tilespmem:$0xD200] =	vst v63  }
0x2c: {  	_ =	swait.ge [sflag:s16], $0x2000  }
0x2d: {  	[sflag:s16] =	ssyncset.done $0x0  }
0x2e: {  	s19 =	sadd.s32 $0x1480, s19;
	[sflag:s16] =	ssyncadd.s32 $0xFFFFE000  }
0x2f: {  	[spmem:s2] =	stream.indirect.scatter.add.bf16 [tilespmem:s13], [sflag:$0x2], $0x40, s19, s14, $0xb8;
	[tilespmem:$0xD200] =	vst v63  }
0x30: {  	_ =	swait.ge [sflag:s15], $0x2000  }
0x31: {  	[sflag:s15] =	ssyncset.done $0x0  }
0x32: {  	[sflag:s15] =	ssyncadd.s32 $0xFFFFE000  }
0x33: {  	_ =	swait.ge [sflag:s16], $0x2000  }
0x34: {  	[sflag:s16] =	ssyncset.done $0x0  }
0x35: {  	[sflag:s16] =	ssyncadd.s32 $0xFFFFE000  }
0x36: {  	[tilespmem:s3], [sflag:$0x3] =	stream.linear.gather [hbm4b:s10+s3], $0x1400, $0x38;
	[tilespmem:$0xD200] =	vst v63  }
0x37: {  	_ =	swait.ge [sflag:s12], $0x1400  }
0x38: {  	[sflag:s12] =	ssyncset.done $0x0  }
0x39: {  	[sflag:s12] =	ssyncadd.s32 $0xFFFFEC00  }
0x3a: {  	[spmem:s2] =	stream.indirect.scatter.add.bf16 [tilespmem:s13], [sflag:$0x1], $0x40, s3, s14, $0xb8;
	[tilespmem:$0xD200] =	vst v63  }
0x3b: {  	_ = 	snop  }
0x3c: {  	[spmem:s2] =	stream.indirect.scatter.add.bf16 [tilespmem:s13], [sflag:$0x2], $0x40, s14, s14, $0xb8;
	[tilespmem:$0xD200] =	vst v63  }
0x3d: {  	_ =	swait.ge [sflag:s15], $0x2000  }
0x3e: {  	[sflag:s15] =	ssyncset.done $0x0  }
0x3f: {  	s18 =	simm.s32 $0x100;
	[sflag:s15] =	ssyncadd.s32 $0xFFFFE000  }
0x40: {  	[spmem:s2] =	stream.indirect.scatter.add.bf16 [tilespmem:s13], [sflag:$0x1], $0x40, s18, s14, $0xb8;
	[tilespmem:$0xD200] =	vst v63  }
0x41: {  	_ =	swait.ge [sflag:s16], $0x2000  }
0x42: {  	[sflag:s16] =	ssyncset.done $0x0  }
0x43: {  	s19 =	simm.s32 $0x180;
	s18 =	simm.s32 $0xFFFFB800;
	[sflag:s16] =	ssyncadd.s32 $0xFFFFE000  }
.LBB2_4:
0x44: {  	[spmem:s2] =	stream.indirect.scatter.add.bf16 [tilespmem:s13], [sflag:$0x2], $0x40, s19, s14, $0xb8;
	[tilespmem:$0xD200] =	vst v63  }
0x45: {  	s19 =	smov.u32 s18  }
0x46: {  	p0 =	sne.s32 s18, $0xFFFFFC00;
	s18 =	sadd.s32 $0x400, s18;
	_ =	swait.ge [sflag:s15], $0x2000  }
0x47: {  	s19 =	sshra.s32 s19, $0x2;
	[sflag:s15] =	ssyncset.done $0x0  }
.Ltmp1:
0x48: {  	s20 =	sadd.s32 $0x1400, s19;
	[sflag:s15] =	ssyncadd.s32 $0xFFFFE000;
	(pc) =	sbr.rel @p0 .LBB2_4-.Ltmp1, $4  }
0x49: {  	[spmem:s2] =	stream.indirect.scatter.add.bf16 [tilespmem:s13], [sflag:$0x1], $0x40, s20, s14, $0xb8;
	[tilespmem:$0xD200] =	vst v63  }
0x4a: {  	_ =	swait.ge [sflag:s16], $0x2000  }
0x4b: {  	[sflag:s16] =	ssyncset.done $0x0  }
0x4c: {  	s19 =	sadd.s32 $0x1480, s19;
	[sflag:s16] =	ssyncadd.s32 $0xFFFFE000  }
0x4d: {  	[spmem:s2] =	stream.indirect.scatter.add.bf16 [tilespmem:s13], [sflag:$0x2], $0x40, s19, s14, $0xb8;
	[tilespmem:$0xD200] =	vst v63  }
0x4e: {  	_ =	swait.ge [sflag:s15], $0x2000  }
0x4f: {  	[sflag:s15] =	ssyncset.done $0x0  }
0x50: {  	[sflag:s15] =	ssyncadd.s32 $0xFFFFE000  }
0x51: {  	_ =	swait.ge [sflag:s16], $0x2000  }
0x52: {  	s17 =	sadd.s32 $0x1, s17;
	[sflag:s16] =	ssyncset.done $0x0  }
0x53: {  	p0 =	sne.s32 s17, s8;
	[sflag:s16] =	ssyncadd.s32 $0xFFFFE000  }
.Ltmp2:
0x54: {  	[bflag:$0x0] =	sbarrier.arrive $0xFFFF;
	(pc) =	sbr.rel @p0 .LBB2_1-.Ltmp2, $4  }
0x55: {  	[hbm:s7], [sflag:s6] =	dma.local [spmem:s11], $0x13C0  }
0x56: {  	_ =	swait.ge [sflag:s12], $0x13C0  }
0x57: {  	[sflag:s12] =	ssyncset.done $0x0  }
0x58: {  	[sflag:s12] =	ssyncadd.s32 $0xFFFFEC40  }
0x59: {  	_ =	sfence.sel $0x180000  }
0x5a: {  	[bflag:$0x0] =	sbarrier.arrive $0xFFFF  }
0x5b: {  	p0 =	sne.s32 s0, $0x0;
	_ =	strace $0x9000004A  }
0x5c: {  	s0 =	sadd.s32 @!p0 $0x100000, s1;
	[bflag:$0x2] =	sbarrier.arrive $0xFFFF  }
0x5d: {  	[sflag:s0] =	ssyncadd.tile.s32 @!p0 $0x1;
	_ =	shalt  }
.Lfunc_end2:
_tile_overlayer_lowered:
.L_overlay_start_2:
0x5e: {  	(tag) =	ssettag $0x2  }
0x5f: {  	s0 =	rddreg [dreg:$0x0];
	s2 =	stileid.u32  }
0x60: {  	s1 =	rddreg [dreg:$0x1];
	p0 =	sne.s32 s2, $0x0  }
0x61: {  	s3 =	rddreg [dreg:$0x2];
	[bflag:$0x3] =	sbarrier.arrive $0xFFFF;
	s2 =	simm.s32 @!p0 $0x1C03  }
0x62: {  	[timem:s3], [sflag:s2] =	dma.local @!p0 [hbm:s0], s1  }
0x63: {  	s0 =	simm.s32 @!p0 $0x3  }
0x64: {  	_ =	swait.ge @!p0 [sflag:s0], s1  }
0x65: {  	s1 =	ssub.s32 @!p0 $0x0, s1;
	[sflag:s0] =	ssyncset.done @!p0 $0x0  }
0x66: {  	[sflag:s0] =	ssyncadd.s32 @!p0 s1  }
0x67: {  	[bflag:$0x3] =	sbarrier.arrive $0xFFFF  }
0x68: {  	_ =	shalt  }

</sc_bundles>
